<compile_context>
chip_gen: v7x
topology: tpu7x:2x2x1
jax: 0.10.2.dev20260603
libtpu: 0.0.44.dev20260713+nightly
codegen_flags: <defaults>
</compile_context>

<pallas_src>
import functools

import jax
import jax.numpy as jnp
from jax import lax
from jax.experimental import pallas as pl
from jax.experimental.pallas import tpu as pltpu
from jax.experimental.pallas import tpu_sc as plsc

N = 10000
D = 128
NT = 16
NC = 2
NW = NC * NT
NP = 10240
SLAB = NP // NT

_mesh = plsc.VectorSubcoreMesh(core_axis_name="c", subcore_axis_name="s")


CH = 128


def _make_hist(K, G):

  @functools.partial(
      pl.kernel,
      out_type=jax.ShapeDtypeStruct((NC, NP), jnp.float32),
      mesh=_mesh,
      scratch_types=[
          pltpu.VMEM((K, CH), jnp.int32),
          pltpu.VMEM((CH,), jnp.float32),
          pltpu.VMEM_SHARED((NP,), jnp.float32),
          pltpu.SemaphoreType.DMA,
      ],
  )
  def hist(dst_hbm, zeros_hbm, cnt_hbm, idx_v, ones_v, acc_sh, sem):
    cid = lax.axis_index("c")
    sid = lax.axis_index("s")
    w = cid * NT + sid
    for i in range(CH // 16):
      ones_v[pl.ds(i * 16, 16)] = jnp.ones((16,), jnp.float32)
    pltpu.sync_copy(zeros_hbm, acc_sh.at[pl.ds(sid * SLAB, SLAB)])
    pltpu.sync_copy(dst_hbm.at[w], idx_v)
    plsc.subcore_barrier()

    def body(j, carry):
      pltpu.sync_copy(ones_v, acc_sh.at[idx_v.at[j]], add=True)
      return carry

    lax.fori_loop(0, K, body, 0)
    plsc.subcore_barrier()
    pltpu.sync_copy(acc_sh.at[pl.ds(sid * SLAB, SLAB)],
                    cnt_hbm.at[cid, pl.ds(sid * SLAB, SLAB)])

  return hist


CA = 64
NB = 4


def _make_agg(K, G):
  assert K % G == 0 and G % NB == 0

  @functools.partial(
      pl.kernel,
      out_type=jax.ShapeDtypeStruct((NC, NP, D), jnp.float32),
      mesh=_mesh,
      scratch_types=[
          pltpu.VMEM((G, CA), jnp.int32),
          pltpu.VMEM((G, CA), jnp.int32),
          pltpu.VMEM((NB, CA, D), jnp.float32),
          pltpu.VMEM_SHARED((NP, D), jnp.float32),
          [pltpu.SemaphoreType.DMA] * NB,
      ],
  )
  def agg(src_hbm, dst_hbm, g_hbm, zrow_hbm, out_hbm,
          srcv, dstv, bufs, acc_sh, sems):
    cid = lax.axis_index("c")
    sid = lax.axis_index("s")
    w = cid * NT + sid
    for z in range(SLAB // 128):
      pltpu.sync_copy(zrow_hbm, acc_sh.at[pl.ds(sid * SLAB + z * 128, 128)])
    plsc.subcore_barrier()

    def start(b, j):
      return pltpu.async_copy(g_hbm.at[srcv.at[j]], bufs.at[b], sems[b])

    def wait(b):
      pltpu.make_async_copy(g_hbm.at[srcv.at[0]], bufs.at[b], sems[b]).wait()

    def scat(b, j):
      pltpu.sync_copy(bufs.at[b], acc_sh.at[dstv.at[j]], add=True)

    def phase(p, carry):
      pltpu.sync_copy(src_hbm.at[w].at[pl.ds(p * G, G)], srcv)
      pltpu.sync_copy(dst_hbm.at[w].at[pl.ds(p * G, G)], dstv)
      for b in range(NB):
        start(b, b)

      def body(t, c2):
        j0 = NB * t
        for b in range(NB):
          wait(b)
          scat(b, j0 + b)
          start(b, j0 + b + NB)
        return c2

      lax.fori_loop(0, G // NB - 1, body, 0)
      for b in range(NB):
        wait(b)
        scat(b, G - NB + b)
      return carry

    lax.fori_loop(0, K // G, phase, 0)
    plsc.subcore_barrier()
    pltpu.sync_copy(acc_sh.at[pl.ds(sid * SLAB, SLAB)],
                    out_hbm.at[cid, pl.ds(sid * SLAB, SLAB)])

  return agg


def _dinv_of(cnt_blk):
  return lax.rsqrt(jnp.maximum(cnt_blk + 1.0, 1.0))


def _mm_scale_body(cnt_ref, x_ref, w_ref, o_ref):
  h = jnp.dot(x_ref[...], w_ref[...], preferred_element_type=jnp.float32)
  o_ref[...] = h * _dinv_of(cnt_ref[...])


def _combine_mm_body(cnt_ref, p_ref, g_ref, b_ref, w_ref, o_ref):
  dinv = _dinv_of(cnt_ref[...])
  t = dinv * (p_ref[0] + p_ref[1] + g_ref[...]) + b_ref[...]
  t = jnp.maximum(t, 0.0)
  h = jnp.dot(t, w_ref[...], preferred_element_type=jnp.float32)
  o_ref[...] = h * dinv


def _combine_body(cnt_ref, p_ref, g_ref, b_ref, o_ref):
  dinv = _dinv_of(cnt_ref[...])
  o_ref[...] = dinv * (p_ref[0] + p_ref[1] + g_ref[...]) + b_ref[...]


_BR = 2000


def _tc_mm_scale(cnt_col, x, w):
  return pl.pallas_call(
      _mm_scale_body,
      grid=(N // _BR,),
      in_specs=[
          pl.BlockSpec((_BR, 1), lambda i: (i, 0)),
          pl.BlockSpec((_BR, D), lambda i: (i, 0)),
          pl.BlockSpec((D, D), lambda i: (0, 0)),
      ],
      out_specs=pl.BlockSpec((_BR, D), lambda i: (i, 0)),
      out_shape=jax.ShapeDtypeStruct((N, D), jnp.float32),
  )(cnt_col, x, w)


def _tc_combine_mm(cnt_col, p, g, b_row, w):
  return pl.pallas_call(
      _combine_mm_body,
      grid=(N // _BR,),
      in_specs=[
          pl.BlockSpec((_BR, 1), lambda i: (i, 0)),
          pl.BlockSpec((NC, _BR, D), lambda i: (0, i, 0)),
          pl.BlockSpec((_BR, D), lambda i: (i, 0)),
          pl.BlockSpec((1, D), lambda i: (0, 0)),
          pl.BlockSpec((D, D), lambda i: (0, 0)),
      ],
      out_specs=pl.BlockSpec((_BR, D), lambda i: (i, 0)),
      out_shape=jax.ShapeDtypeStruct((N, D), jnp.float32),
  )(cnt_col, p, g, b_row, w)


def _tc_combine(cnt_col, p, g, b_row):
  return pl.pallas_call(
      _combine_body,
      grid=(N // _BR,),
      in_specs=[
          pl.BlockSpec((_BR, 1), lambda i: (i, 0)),
          pl.BlockSpec((NC, _BR, D), lambda i: (0, i, 0)),
          pl.BlockSpec((_BR, D), lambda i: (i, 0)),
          pl.BlockSpec((1, D), lambda i: (0, 0)),
      ],
      out_specs=pl.BlockSpec((_BR, D), lambda i: (i, 0)),
      out_shape=jax.ShapeDtypeStruct((N, D), jnp.float32),
  )(cnt_col, p, g, b_row)


def kernel(x, edge_index, W1, b1, W2, b2):
  E = edge_index.shape[1]
  G = 40
  K = -(-E // (NW * CA))
  K = -(-K // G) * G
  EP = NW * K * CA

  src = edge_index[0].astype(jnp.int32)
  dst = edge_index[1].astype(jnp.int32)
  pad = EP - E
  pad_src = jnp.arange(pad, dtype=jnp.int32) % N
  pad_dst = N + (jnp.arange(pad, dtype=jnp.int32) % (NP - N))
  src_r = jnp.concatenate([src, pad_src]).reshape(NW, K, CA)
  dst_r = jnp.concatenate([dst, pad_dst]).reshape(NW, K, CA)

  zeros_slab = jnp.zeros((SLAB,), jnp.float32)
  zrow = jnp.zeros((128, D), jnp.float32)

  KH = K * CA // CH
  dst_h = dst_r.reshape(NW, KH, CH)
  hist = _make_hist(KH, G)
  agg = _make_agg(K, G)

  cnt = hist(dst_h, zeros_slab)
  cnt_col = (cnt[0, :N] + cnt[1, :N]).reshape(N, 1)

  g1 = _tc_mm_scale(cnt_col, x, W1)
  p1 = agg(src_r, dst_r, g1, zrow)
  g2 = _tc_combine_mm(cnt_col, p1, g1, b1.reshape(1, D), W2)
  p2 = agg(src_r, dst_r, g2, zrow)
  out = _tc_combine(cnt_col, p2, g2, b2.reshape(1, D))
  return out

# --- scband reference (transcript-rebuilt; emitter-appended) ---
"""Pipeline reference for scband-gcn-12661563589161 (READ-ONLY COPY).

The authoritative reference and input builder live on the scoring server;
editing this copy changes nothing except your own understanding.
"""

import jax, jax.numpy as jnp
import numpy as np

N = 10000
E = 320000
D_IN = 128
D_HID = 128
D_OUT = 128


def gcn_conv(x, edge_index, W, b):
    # Faithful PyG GCNConv: add self loops, symmetric normalization D^-1/2 (A+I) D^-1/2 X W + b
    n = x.shape[0]
    loop = jnp.arange(n, dtype=edge_index.dtype)
    src = jnp.concatenate([edge_index[0], loop])
    dst = jnp.concatenate([edge_index[1], loop])
    h = x @ W
    deg = jnp.zeros((n,), dtype=h.dtype).at[dst].add(1.0)
    dinv = jax.lax.rsqrt(jnp.maximum(deg, 1.0))
    norm = dinv[src] * dinv[dst]
    msg = h[src] * norm[:, None]
    out = jnp.zeros((n, W.shape[1]), dtype=h.dtype).at[dst].add(msg)
    return out + b


def setup_inputs(seed: int = 0) -> dict:
    key = jax.random.key(seed)
    k1, k2, k3, k4, k5, k6 = jax.random.split(key, 6)
    x = jax.random.normal(k1, (N, D_IN), dtype=jnp.float32)
    edge_index = jax.random.randint(k2, (2, E), 0, N)
    W1 = jax.random.normal(k3, (D_IN, D_HID), dtype=jnp.float32) * (1.0 / np.sqrt(D_IN))
    b1 = jnp.zeros((D_HID,), dtype=jnp.float32)
    W2 = jax.random.normal(k4, (D_HID, D_OUT), dtype=jnp.float32) * (1.0 / np.sqrt(D_HID))
    b2 = jnp.zeros((D_OUT,), dtype=jnp.float32)
    return {"x": x, "edge_index": edge_index, "W1": W1, "b1": b1, "W2": W2, "b2": b2}


def reference(x, edge_index, W1, b1, W2, b2):
    h = jax.nn.relu(gcn_conv(x, edge_index, W1, b1))
    # dropout p=0.0 / eval mode -> identity
    out = gcn_conv(h, edge_index, W2, b2)
    return out

if __name__ == "__main__":
    import jax
    _d = setup_inputs()
    print(jax.jit(kernel)(*tuple(_d.values())))

</pallas_src>

<mosaic_0001>
#map = affine_map<(d0, d1) -> (0, 0, 0)>
#map1 = affine_map<(d0, d1) -> (0)>
#map2 = affine_map<(d0, d1) -> (0, 0)>
module attributes {stable_mosaic.version = 14 : i64} {
  func.func @hist(%arg0: i32, %arg1: i32, %arg2: memref<32x80x128xi32, #tpu.memory_space<hbm>>, %arg3: memref<640xf32, #tpu.memory_space<hbm>>, %arg4: memref<2x10240xf32, #tpu.memory_space<hbm>>, %arg5: memref<80x128xi32, #tpu.memory_space<vmem>>, %arg6: memref<128xf32, #tpu.memory_space<vmem>>, %arg7: memref<10240xf32, #tpu.memory_space<vmem_shared>>, %arg8: memref<!tpu.dma_semaphore, #tpu.memory_space<semaphore_mem>>) attributes {dimension_semantics = [#tpu.dimension_semantics<core_parallel>, #tpu.dimension_semantics<subcore_parallel>], iteration_bounds = array<i64: 2, 16>, scalar_prefetch = 0 : i64, scratch_operands = 4 : i64, tpu.core_type = #tpu.core_type<sc_vector_subcore>, window_params = [{transform_indices = #map}, {transform_indices = #map1}, {transform_indices = #map2}]} {
    %mul3A = arith.constant 16 : i32
    %mul3A_0 = arith.muli %arg0, %mul3A : i32
    %add3A = arith.addi %mul3A_0, %arg1 : i32
    %broadcast_in_dim3A = arith.constant 1.000000e+00 : f32
    %broadcast_in_dim3A_1 = vector.broadcast %broadcast_in_dim3A : f32 to vector<16xf32>
    %swap3A = arith.constant 0 : index
    %swap3A_2 = tpu.vector_load %arg6[%swap3A] {strides = array<i32>} : memref<128xf32, #tpu.memory_space<vmem>>, vector<16xf32>,
    %swap3A_3 = vector.shape_cast %swap3A_2 : vector<16xf32> to vector<16xf32>
    %swap3A_4 = vector.shape_cast %broadcast_in_dim3A_1 : vector<16xf32> to vector<16xf32>
    tpu.vector_store %arg6[%swap3A], %swap3A_4 {strides = array<i32>} : memref<128xf32, #tpu.memory_space<vmem>>, vector<16xf32>,
    %broadcast_in_dim3A_5 = arith.constant 1.000000e+00 : f32
    %broadcast_in_dim3A_6 = vector.broadcast %broadcast_in_dim3A_5 : f32 to vector<16xf32>
    %swap3A_7 = arith.constant 16 : index
    %swap3A_8 = tpu.vector_load %arg6[%swap3A_7] {strides = array<i32>} : memref<128xf32, #tpu.memory_space<vmem>>, vector<16xf32>,
    %swap3A_9 = vector.shape_cast %swap3A_8 : vector<16xf32> to vector<16xf32>
    %swap3A_10 = vector.shape_cast %broadcast_in_dim3A_6 : vector<16xf32> to vector<16xf32>
    tpu.vector_store %arg6[%swap3A_7], %swap3A_10 {strides = array<i32>} : memref<128xf32, #tpu.memory_space<vmem>>, vector<16xf32>,
    %broadcast_in_dim3A_11 = arith.constant 1.000000e+00 : f32
    %broadcast_in_dim3A_12 = vector.broadcast %broadcast_in_dim3A_11 : f32 to vector<16xf32>
    %swap3A_13 = arith.constant 32 : index
    %swap3A_14 = tpu.vector_load %arg6[%swap3A_13] {strides = array<i32>} : memref<128xf32, #tpu.memory_space<vmem>>, vector<16xf32>,
    %swap3A_15 = vector.shape_cast %swap3A_14 : vector<16xf32> to vector<16xf32>
    %swap3A_16 = vector.shape_cast %broadcast_in_dim3A_12 : vector<16xf32> to vector<16xf32>
    tpu.vector_store %arg6[%swap3A_13], %swap3A_16 {strides = array<i32>} : memref<128xf32, #tpu.memory_space<vmem>>, vector<16xf32>,
    %broadcast_in_dim3A_17 = arith.constant 1.000000e+00 : f32
    %broadcast_in_dim3A_18 = vector.broadcast %broadcast_in_dim3A_17 : f32 to vector<16xf32>
    %swap3A_19 = arith.constant 48 : index
    %swap3A_20 = tpu.vector_load %arg6[%swap3A_19] {strides = array<i32>} : memref<128xf32, #tpu.memory_space<vmem>>, vector<16xf32>,
    %swap3A_21 = vector.shape_cast %swap3A_20 : vector<16xf32> to vector<16xf32>
    %swap3A_22 = vector.shape_cast %broadcast_in_dim3A_18 : vector<16xf32> to vector<16xf32>
    tpu.vector_store %arg6[%swap3A_19], %swap3A_22 {strides = array<i32>} : memref<128xf32, #tpu.memory_space<vmem>>, vector<16xf32>,
    %broadcast_in_dim3A_23 = arith.constant 1.000000e+00 : f32
    %broadcast_in_dim3A_24 = vector.broadcast %broadcast_in_dim3A_23 : f32 to vector<16xf32>
    %swap3A_25 = arith.constant 64 : index
    %swap3A_26 = tpu.vector_load %arg6[%swap3A_25] {strides = array<i32>} : memref<128xf32, #tpu.memory_space<vmem>>, vector<16xf32>,
    %swap3A_27 = vector.shape_cast %swap3A_26 : vector<16xf32> to vector<16xf32>
    %swap3A_28 = vector.shape_cast %broadcast_in_dim3A_24 : vector<16xf32> to vector<16xf32>
    tpu.vector_store %arg6[%swap3A_25], %swap3A_28 {strides = array<i32>} : memref<128xf32, #tpu.memory_space<vmem>>, vector<16xf32>,
    %broadcast_in_dim3A_29 = arith.constant 1.000000e+00 : f32
    %broadcast_in_dim3A_30 = vector.broadcast %broadcast_in_dim3A_29 : f32 to vector<16xf32>
    %swap3A_31 = arith.constant 80 : index
    %swap3A_32 = tpu.vector_load %arg6[%swap3A_31] {strides = array<i32>} : memref<128xf32, #tpu.memory_space<vmem>>, vector<16xf32>,
    %swap3A_33 = vector.shape_cast %swap3A_32 : vector<16xf32> to vector<16xf32>
    %swap3A_34 = vector.shape_cast %broadcast_in_dim3A_30 : vector<16xf32> to vector<16xf32>
    tpu.vector_store %arg6[%swap3A_31], %swap3A_34 {strides = array<i32>} : memref<128xf32, #tpu.memory_space<vmem>>, vector<16xf32>,
    %broadcast_in_dim3A_35 = arith.constant 1.000000e+00 : f32
    %broadcast_in_dim3A_36 = vector.broadcast %broadcast_in_dim3A_35 : f32 to vector<16xf32>
    %swap3A_37 = arith.constant 96 : index
    %swap3A_38 = tpu.vector_load %arg6[%swap3A_37] {strides = array<i32>} : memref<128xf32, #tpu.memory_space<vmem>>, vector<16xf32>,
    %swap3A_39 = vector.shape_cast %swap3A_38 : vector<16xf32> to vector<16xf32>
    %swap3A_40 = vector.shape_cast %broadcast_in_dim3A_36 : vector<16xf32> to vector<16xf32>
    tpu.vector_store %arg6[%swap3A_37], %swap3A_40 {strides = array<i32>} : memref<128xf32, #tpu.memory_space<vmem>>, vector<16xf32>,
    %broadcast_in_dim3A_41 = arith.constant 1.000000e+00 : f32
    %broadcast_in_dim3A_42 = vector.broadcast %broadcast_in_dim3A_41 : f32 to vector<16xf32>
    %swap3A_43 = arith.constant 112 : index
    %swap3A_44 = tpu.vector_load %arg6[%swap3A_43] {strides = array<i32>} : memref<128xf32, #tpu.memory_space<vmem>>, vector<16xf32>,
    %swap3A_45 = vector.shape_cast %swap3A_44 : vector<16xf32> to vector<16xf32>
    %swap3A_46 = vector.shape_cast %broadcast_in_dim3A_42 : vector<16xf32> to vector<16xf32>
    tpu.vector_store %arg6[%swap3A_43], %swap3A_46 {strides = array<i32>} : memref<128xf32, #tpu.memory_space<vmem>>, vector<16xf32>,
    %mul3A_47 = arith.constant 640 : i32
    %mul3A_48 = arith.muli %arg1, %mul3A_47 : i32
    "tpu.region"() ({
      %run_scoped3A = tpu.sem_alloc : memref<!tpu.dma_semaphore, #tpu.memory_space<semaphore_mem>>
      %dma_start3A = tpu.memref_slice %arg7[%mul3A_48] : memref<10240xf32, #tpu.memory_space<vmem_shared>> -> memref<640xf32, #tpu.memory_space<vmem_shared>>
      tpu.enqueue_dma source(%arg3 : memref<640xf32, #tpu.memory_space<hbm>>) target(%dma_start3A : memref<640xf32, #tpu.memory_space<vmem_shared>>) target_semaphore(%run_scoped3A : memref<!tpu.dma_semaphore, #tpu.memory_space<semaphore_mem>>)
      %dma_wait3A = tpu.memref_slice %arg7[%mul3A_48] : memref<10240xf32, #tpu.memory_space<vmem_shared>> -> memref<640xf32, #tpu.memory_space<vmem_shared>>
      tpu.wait_dma2 semaphore(%run_scoped3A : memref<!tpu.dma_semaphore, #tpu.memory_space<semaphore_mem>>) src(%arg3 : memref<640xf32, #tpu.memory_space<hbm>>) dst(%dma_wait3A : memref<640xf32, #tpu.memory_space<vmem_shared>>)
      tpu.yield
    }) : () -> ()
    "tpu.region"() ({
      %run_scoped3A = tpu.sem_alloc : memref<!tpu.dma_semaphore, #tpu.memory_space<semaphore_mem>>
      %dma_start3A = arith.constant 0 : i32
      %dma_start3A_59 = arith.constant 0 : i32
      %dma_start3A_60 = tpu.memref_slice %arg2[%add3A, %dma_start3A, %dma_start3A_59] : memref<32x80x128xi32, #tpu.memory_space<hbm>> -> memref<1x80x128xi32, #tpu.memory_space<hbm>>
      %dma_start3A_61 = tpu.memref_squeeze %dma_start3A_60 : memref<1x80x128xi32, #tpu.memory_space<hbm>> -> memref<80x128xi32, #tpu.memory_space<hbm>>
      %dma_start3A_62 = arith.constant 0 : i32
      %dma_start3A_63 = arith.constant 0 : i32
      %dma_start3A_64 = tpu.memref_slice %arg2[%add3A, %dma_start3A_62, %dma_start3A_63] : memref<32x80x128xi32, #tpu.memory_space<hbm>> -> memref<1x80x128xi32, #tpu.memory_space<hbm>>
      %dma_start3A_65 = tpu.memref_squeeze %dma_start3A_64 : memref<1x80x128xi32, #tpu.memory_space<hbm>> -> memref<80x128xi32, #tpu.memory_space<hbm>>
      tpu.enqueue_dma source(%dma_start3A_65 : memref<80x128xi32, #tpu.memory_space<hbm>>) target(%arg5 : memref<80x128xi32, #tpu.memory_space<vmem>>) target_semaphore(%run_scoped3A : memref<!tpu.dma_semaphore, #tpu.memory_space<semaphore_mem>>)
      %dma_wait3A = arith.constant 0 : i32
      %dma_wait3A_66 = arith.constant 0 : i32
      %dma_wait3A_67 = tpu.memref_slice %arg2[%add3A, %dma_wait3A, %dma_wait3A_66] : memref<32x80x128xi32, #tpu.memory_space<hbm>> -> memref<1x80x128xi32, #tpu.memory_space<hbm>>
      %dma_wait3A_68 = tpu.memref_squeeze %dma_wait3A_67 : memref<1x80x128xi32, #tpu.memory_space<hbm>> -> memref<80x128xi32, #tpu.memory_space<hbm>>
      %dma_wait3A_69 = arith.constant 0 : i32
      %dma_wait3A_70 = arith.constant 0 : i32
      %dma_wait3A_71 = tpu.memref_slice %arg2[%add3A, %dma_wait3A_69, %dma_wait3A_70] : memref<32x80x128xi32, #tpu.memory_space<hbm>> -> memref<1x80x128xi32, #tpu.memory_space<hbm>>
      %dma_wait3A_72 = tpu.memref_squeeze %dma_wait3A_71 : memref<1x80x128xi32, #tpu.memory_space<hbm>> -> memref<80x128xi32, #tpu.memory_space<hbm>>
      tpu.wait_dma2 semaphore(%run_scoped3A : memref<!tpu.dma_semaphore, #tpu.memory_space<semaphore_mem>>) src(%dma_wait3A_72 : memref<80x128xi32, #tpu.memory_space<hbm>>) dst(%arg5 : memref<80x128xi32, #tpu.memory_space<vmem>>)
      tpu.yield
    }) : () -> ()
    %barrier3A = arith.constant 0 : index
    tpu.barrier barrier_id(%barrier3A)
    %scan3A = arith.constant 0 : i32
    %scan3A_49 = arith.constant 0 : i32
    %scan3A_50 = arith.constant 80 : i32
    %scan3A_51 = arith.addi %scan3A_49, %scan3A_50 : i32
    %scan3A_52 = arith.constant 1 : i32
    scf.for %scan3A_59 = %scan3A_49 to %scan3A_51 step %scan3A_52  : i32 {
      "tpu.region"() ({
        %run_scoped3A = tpu.sem_alloc : memref<!tpu.dma_semaphore, #tpu.memory_space<semaphore_mem>>
        %dma_start3A = arith.constant 0 : i32
        %dma_start3A_60 = tpu.memref_slice %arg5[%scan3A_59, %dma_start3A] : memref<80x128xi32, #tpu.memory_space<vmem>> -> memref<1x128xi32, #tpu.memory_space<vmem>>
        %dma_start3A_61 = tpu.memref_squeeze %dma_start3A_60 : memref<1x128xi32, #tpu.memory_space<vmem>> -> memref<128xi32, #tpu.memory_space<vmem>>
        %dma_start3A_62 = arith.constant 0 : i32
        %dma_start3A_63 = tpu.memref_slice %arg7[%dma_start3A_62] : memref<10240xf32, #tpu.memory_space<vmem_shared>> -> memref<10240xf32, #tpu.memory_space<vmem_shared>>
        tpu.enqueue_indirect_dma source(%arg6 : memref<128xf32, #tpu.memory_space<vmem>>) target(%dma_start3A_63 : memref<10240xf32, #tpu.memory_space<vmem_shared>>) offsets(%dma_start3A_61 : memref<128xi32, #tpu.memory_space<vmem>>) semaphore(%run_scoped3A : memref<!tpu.dma_semaphore, #tpu.memory_space<semaphore_mem>>) {add = true}
        %dma_wait3A = arith.constant 0 : i32
        %dma_wait3A_64 = tpu.memref_slice %arg5[%scan3A_59, %dma_wait3A] : memref<80x128xi32, #tpu.memory_space<vmem>> -> memref<1x128xi32, #tpu.memory_space<vmem>>
        %dma_wait3A_65 = tpu.memref_squeeze %dma_wait3A_64 : memref<1x128xi32, #tpu.memory_space<vmem>> -> memref<128xi32, #tpu.memory_space<vmem>>
        %dma_wait3A_66 = arith.constant 0 : i32
        %dma_wait3A_67 = tpu.memref_slice %arg7[%dma_wait3A_66] : memref<10240xf32, #tpu.memory_space<vmem_shared>> -> memref<10240xf32, #tpu.memory_space<vmem_shared>>
        tpu.wait_indirect_dma semaphore(%run_scoped3A : memref<!tpu.dma_semaphore, #tpu.memory_space<semaphore_mem>>) src(%arg6 : memref<128xf32, #tpu.memory_space<vmem>>) dst(%dma_wait3A_67 : memref<10240xf32, #tpu.memory_space<vmem_shared>>)
        tpu.yield
      }) : () -> ()
    }
    %scan3A_53 = arith.constant 80 : i32
    %barrier3A_54 = arith.constant 0 : index
    tpu.barrier barrier_id(%barrier3A_54)
    %mul3A_55 = arith.constant 640 : i32
    %mul3A_56 = arith.muli %arg1, %mul3A_55 : i32
    %mul3A_57 = arith.constant 640 : i32
    %mul3A_58 = arith.muli %arg1, %mul3A_57 : i32
    "tpu.region"() ({
      %run_scoped3A = tpu.sem_alloc : memref<!tpu.dma_semaphore, #tpu.memory_space<semaphore_mem>>
      %dma_start3A = tpu.memref_slice %arg4[%arg0, %mul3A_58] : memref<2x10240xf32, #tpu.memory_space<hbm>> -> memref<1x640xf32, #tpu.memory_space<hbm>>
      %dma_start3A_59 = tpu.memref_squeeze %dma_start3A : memref<1x640xf32, #tpu.memory_space<hbm>> -> memref<640xf32, #tpu.memory_space<hbm>>
      %dma_start3A_60 = tpu.memref_slice %arg7[%mul3A_56] : memref<10240xf32, #tpu.memory_space<vmem_shared>> -> memref<640xf32, #tpu.memory_space<vmem_shared>>
      tpu.enqueue_dma source(%dma_start3A_60 : memref<640xf32, #tpu.memory_space<vmem_shared>>) target(%dma_start3A_59 : memref<640xf32, #tpu.memory_space<hbm>>) target_semaphore(%run_scoped3A : memref<!tpu.dma_semaphore, #tpu.memory_space<semaphore_mem>>)
      %dma_wait3A = tpu.memref_slice %arg4[%arg0, %mul3A_58] : memref<2x10240xf32, #tpu.memory_space<hbm>> -> memref<1x640xf32, #tpu.memory_space<hbm>>
      %dma_wait3A_61 = tpu.memref_squeeze %dma_wait3A : memref<1x640xf32, #tpu.memory_space<hbm>> -> memref<640xf32, #tpu.memory_space<hbm>>
      %dma_wait3A_62 = tpu.memref_slice %arg7[%mul3A_56] : memref<10240xf32, #tpu.memory_space<vmem_shared>> -> memref<640xf32, #tpu.memory_space<vmem_shared>>
      tpu.wait_dma2 semaphore(%run_scoped3A : memref<!tpu.dma_semaphore, #tpu.memory_space<semaphore_mem>>) src(%dma_wait3A_62 : memref<640xf32, #tpu.memory_space<vmem_shared>>) dst(%dma_wait3A_61 : memref<640xf32, #tpu.memory_space<hbm>>)
      tpu.yield
    }) : () -> ()
    return
  }
}

#map = affine_map<(d0, d1) -> (0, 0, 0)>
#map1 = affine_map<(d0, d1) -> (0, 0)>
module attributes {stable_mosaic.version = 14 : i64} {
  func.func @agg(%arg0: i32, %arg1: i32, %arg2: memref<32x160x64xi32, #tpu.memory_space<hbm>>, %arg3: memref<32x160x64xi32, #tpu.memory_space<hbm>>, %arg4: memref<10000x128xf32, #tpu.memory_space<hbm>>, %arg5: memref<128x128xf32, #tpu.memory_space<hbm>>, %arg6: memref<2x10240x128xf32, #tpu.memory_space<hbm>>, %arg7: memref<40x64xi32, #tpu.memory_space<vmem>>, %arg8: memref<40x64xi32, #tpu.memory_space<vmem>>, %arg9: memref<4x64x128xf32, #tpu.memory_space<vmem>>, %arg10: memref<10240x128xf32, #tpu.memory_space<vmem_shared>>, %arg11: memref<!tpu.dma_semaphore, #tpu.memory_space<semaphore_mem>>, %arg12: memref<!tpu.dma_semaphore, #tpu.memory_space<semaphore_mem>>, %arg13: memref<!tpu.dma_semaphore, #tpu.memory_space<semaphore_mem>>, %arg14: memref<!tpu.dma_semaphore, #tpu.memory_space<semaphore_mem>>) attributes {dimension_semantics = [#tpu.dimension_semantics<core_parallel>, #tpu.dimension_semantics<subcore_parallel>], iteration_bounds = array<i64: 2, 16>, scalar_prefetch = 0 : i64, scratch_operands = 8 : i64, tpu.core_type = #tpu.core_type<sc_vector_subcore>, window_params = [{transform_indices = #map}, {transform_indices = #map}, {transform_indices = #map1}, {transform_indices = #map1}, {transform_indices = #map}]} {
    %mul3A = arith.constant 16 : i32
    %mul3A_0 = arith.muli %arg0, %mul3A : i32
    %add3A = arith.addi %mul3A_0, %arg1 : i32
    %mul3A_1 = arith.constant 640 : i32
    %mul3A_2 = arith.muli %arg1, %mul3A_1 : i32
    %add3A_3 = arith.constant 0 : i32
    %add3A_4 = arith.addi %mul3A_2, %add3A_3 : i32
    "tpu.region"() ({
      %run_scoped3A = tpu.sem_alloc : memref<!tpu.dma_semaphore, #tpu.memory_space<semaphore_mem>>
      %dma_start3A = arith.constant 0 : i32
      %dma_start3A_31 = tpu.memref_slice %arg10[%add3A_4, %dma_start3A] : memref<10240x128xf32, #tpu.memory_space<vmem_shared>> -> memref<128x128xf32, #tpu.memory_space<vmem_shared>>
      tpu.enqueue_dma source(%arg5 : memref<128x128xf32, #tpu.memory_space<hbm>>) target(%dma_start3A_31 : memref<128x128xf32, #tpu.memory_space<vmem_shared>>) target_semaphore(%run_scoped3A : memref<!tpu.dma_semaphore, #tpu.memory_space<semaphore_mem>>)
      %dma_wait3A = arith.constant 0 : i32
      %dma_wait3A_32 = tpu.memref_slice %arg10[%add3A_4, %dma_wait3A] : memref<10240x128xf32, #tpu.memory_space<vmem_shared>> -> memref<128x128xf32, #tpu.memory_space<vmem_shared>>
      tpu.wait_dma2 semaphore(%run_scoped3A : memref<!tpu.dma_semaphore, #tpu.memory_space<semaphore_mem>>) src(%arg5 : memref<128x128xf32, #tpu.memory_space<hbm>>) dst(%dma_wait3A_32 : memref<128x128xf32, #tpu.memory_space<vmem_shared>>)
      tpu.yield
    }) : () -> ()
    %mul3A_5 = arith.constant 640 : i32
    %mul3A_6 = arith.muli %arg1, %mul3A_5 : i32
    %add3A_7 = arith.constant 128 : i32
    %add3A_8 = arith.addi %mul3A_6, %add3A_7 : i32
    "tpu.region"() ({
      %run_scoped3A = tpu.sem_alloc : memref<!tpu.dma_semaphore, #tpu.memory_space<semaphore_mem>>
      %dma_start3A = arith.constant 0 : i32
      %dma_start3A_31 = tpu.memref_slice %arg10[%add3A_8, %dma_start3A] : memref<10240x128xf32, #tpu.memory_space<vmem_shared>> -> memref<128x128xf32, #tpu.memory_space<vmem_shared>>
      tpu.enqueue_dma source(%arg5 : memref<128x128xf32, #tpu.memory_space<hbm>>) target(%dma_start3A_31 : memref<128x128xf32, #tpu.memory_space<vmem_shared>>) target_semaphore(%run_scoped3A : memref<!tpu.dma_semaphore, #tpu.memory_space<semaphore_mem>>)
      %dma_wait3A = arith.constant 0 : i32
      %dma_wait3A_32 = tpu.memref_slice %arg10[%add3A_8, %dma_wait3A] : memref<10240x128xf32, #tpu.memory_space<vmem_shared>> -> memref<128x128xf32, #tpu.memory_space<vmem_shared>>
      tpu.wait_dma2 semaphore(%run_scoped3A : memref<!tpu.dma_semaphore, #tpu.memory_space<semaphore_mem>>) src(%arg5 : memref<128x128xf32, #tpu.memory_space<hbm>>) dst(%dma_wait3A_32 : memref<128x128xf32, #tpu.memory_space<vmem_shared>>)
      tpu.yield
    }) : () -> ()
    %mul3A_9 = arith.constant 640 : i32
    %mul3A_10 = arith.muli %arg1, %mul3A_9 : i32
    %add3A_11 = arith.constant 256 : i32
    %add3A_12 = arith.addi %mul3A_10, %add3A_11 : i32
    "tpu.region"() ({
      %run_scoped3A = tpu.sem_alloc : memref<!tpu.dma_semaphore, #tpu.memory_space<semaphore_mem>>
      %dma_start3A = arith.constant 0 : i32
      %dma_start3A_31 = tpu.memref_slice %arg10[%add3A_12, %dma_start3A] : memref<10240x128xf32, #tpu.memory_space<vmem_shared>> -> memref<128x128xf32, #tpu.memory_space<vmem_shared>>
      tpu.enqueue_dma source(%arg5 : memref<128x128xf32, #tpu.memory_space<hbm>>) target(%dma_start3A_31 : memref<128x128xf32, #tpu.memory_space<vmem_shared>>) target_semaphore(%run_scoped3A : memref<!tpu.dma_semaphore, #tpu.memory_space<semaphore_mem>>)
      %dma_wait3A = arith.constant 0 : i32
      %dma_wait3A_32 = tpu.memref_slice %arg10[%add3A_12, %dma_wait3A] : memref<10240x128xf32, #tpu.memory_space<vmem_shared>> -> memref<128x128xf32, #tpu.memory_space<vmem_shared>>
      tpu.wait_dma2 semaphore(%run_scoped3A : memref<!tpu.dma_semaphore, #tpu.memory_space<semaphore_mem>>) src(%arg5 : memref<128x128xf32, #tpu.memory_space<hbm>>) dst(%dma_wait3A_32 : memref<128x128xf32, #tpu.memory_space<vmem_shared>>)
      tpu.yield
    }) : () -> ()
    %mul3A_13 = arith.constant 640 : i32
    %mul3A_14 = arith.muli %arg1, %mul3A_13 : i32
    %add3A_15 = arith.constant 384 : i32
    %add3A_16 = arith.addi %mul3A_14, %add3A_15 : i32
    "tpu.region"() ({
      %run_scoped3A = tpu.sem_alloc : memref<!tpu.dma_semaphore, #tpu.memory_space<semaphore_mem>>
      %dma_start3A = arith.constant 0 : i32
      %dma_start3A_31 = tpu.memref_slice %arg10[%add3A_16, %dma_start3A] : memref<10240x128xf32, #tpu.memory_space<vmem_shared>> -> memref<128x128xf32, #tpu.memory_space<vmem_shared>>
      tpu.enqueue_dma source(%arg5 : memref<128x128xf32, #tpu.memory_space<hbm>>) target(%dma_start3A_31 : memref<128x128xf32, #tpu.memory_space<vmem_shared>>) target_semaphore(%run_scoped3A : memref<!tpu.dma_semaphore, #tpu.memory_space<semaphore_mem>>)
      %dma_wait3A = arith.constant 0 : i32
      %dma_wait3A_32 = tpu.memref_slice %arg10[%add3A_16, %dma_wait3A] : memref<10240x128xf32, #tpu.memory_space<vmem_shared>> -> memref<128x128xf32, #tpu.memory_space<vmem_shared>>
      tpu.wait_dma2 semaphore(%run_scoped3A : memref<!tpu.dma_semaphore, #tpu.memory_space<semaphore_mem>>) src(%arg5 : memref<128x128xf32, #tpu.memory_space<hbm>>) dst(%dma_wait3A_32 : memref<128x128xf32, #tpu.memory_space<vmem_shared>>)
      tpu.yield
    }) : () -> ()
    %mul3A_17 = arith.constant 640 : i32
    %mul3A_18 = arith.muli %arg1, %mul3A_17 : i32
    %add3A_19 = arith.constant 512 : i32
    %add3A_20 = arith.addi %mul3A_18, %add3A_19 : i32
    "tpu.region"() ({
      %run_scoped3A = tpu.sem_alloc : memref<!tpu.dma_semaphore, #tpu.memory_space<semaphore_mem>>
      %dma_start3A = arith.constant 0 : i32
      %dma_start3A_31 = tpu.memref_slice %arg10[%add3A_20, %dma_start3A] : memref<10240x128xf32, #tpu.memory_space<vmem_shared>> -> memref<128x128xf32, #tpu.memory_space<vmem_shared>>
      tpu.enqueue_dma source(%arg5 : memref<128x128xf32, #tpu.memory_space<hbm>>) target(%dma_start3A_31 : memref<128x128xf32, #tpu.memory_space<vmem_shared>>) target_semaphore(%run_scoped3A : memref<!tpu.dma_semaphore, #tpu.memory_space<semaphore_mem>>)
      %dma_wait3A = arith.constant 0 : i32
      %dma_wait3A_32 = tpu.memref_slice %arg10[%add3A_20, %dma_wait3A] : memref<10240x128xf32, #tpu.memory_space<vmem_shared>> -> memref<128x128xf32, #tpu.memory_space<vmem_shared>>
      tpu.wait_dma2 semaphore(%run_scoped3A : memref<!tpu.dma_semaphore, #tpu.memory_space<semaphore_mem>>) src(%arg5 : memref<128x128xf32, #tpu.memory_space<hbm>>) dst(%dma_wait3A_32 : memref<128x128xf32, #tpu.memory_space<vmem_shared>>)
      tpu.yield
    }) : () -> ()
    %barrier3A = arith.constant 0 : index
    tpu.barrier barrier_id(%barrier3A)
    %scan3A = arith.constant 0 : i32
    %scan3A_21 = arith.constant 0 : i32
    %scan3A_22 = arith.constant 4 : i32
    %scan3A_23 = arith.addi %scan3A_21, %scan3A_22 : i32
    %scan3A_24 = arith.constant 1 : i32
    scf.for %scan3A_31 = %scan3A_21 to %scan3A_23 step %scan3A_24  : i32 {
      %mul3A_32 = arith.constant 40 : i32
      %mul3A_33 = arith.muli %scan3A_31, %mul3A_32 : i32
      "tpu.region"() ({
        %run_scoped3A_143 = tpu.sem_alloc : memref<!tpu.dma_semaphore, #tpu.memory_space<semaphore_mem>>
        %dma_start3A_144 = arith.constant 0 : i32
        %dma_start3A_145 = arith.constant 0 : i32
        %dma_start3A_146 = tpu.memref_slice %arg2[%add3A, %dma_start3A_144, %dma_start3A_145] : memref<32x160x64xi32, #tpu.memory_space<hbm>> -> memref<1x160x64xi32, #tpu.memory_space<hbm>>
        %dma_start3A_147 = tpu.memref_squeeze %dma_start3A_146 : memref<1x160x64xi32, #tpu.memory_space<hbm>> -> memref<160x64xi32, #tpu.memory_space<hbm>>
        %dma_start3A_148 = arith.constant 0 : i32
        %dma_start3A_149 = tpu.memref_slice %dma_start3A_147[%mul3A_33, %dma_start3A_148] : memref<160x64xi32, #tpu.memory_space<hbm>> -> memref<40x64xi32, #tpu.memory_space<hbm>>
        %dma_start3A_150 = arith.constant 0 : i32
        %dma_start3A_151 = arith.constant 0 : i32
        %dma_start3A_152 = tpu.memref_slice %arg2[%add3A, %dma_start3A_150, %dma_start3A_151] : memref<32x160x64xi32, #tpu.memory_space<hbm>> -> memref<1x160x64xi32, #tpu.memory_space<hbm>>
        %dma_start3A_153 = tpu.memref_squeeze %dma_start3A_152 : memref<1x160x64xi32, #tpu.memory_space<hbm>> -> memref<160x64xi32, #tpu.memory_space<hbm>>
        %dma_start3A_154 = arith.constant 0 : i32
        %dma_start3A_155 = tpu.memref_slice %dma_start3A_153[%mul3A_33, %dma_start3A_154] : memref<160x64xi32, #tpu.memory_space<hbm>> -> memref<40x64xi32, #tpu.memory_space<hbm>>
        tpu.enqueue_dma source(%dma_start3A_155 : memref<40x64xi32, #tpu.memory_space<hbm>>) target(%arg7 : memref<40x64xi32, #tpu.memory_space<vmem>>) target_semaphore(%run_scoped3A_143 : memref<!tpu.dma_semaphore, #tpu.memory_space<semaphore_mem>>)
        %dma_wait3A_156 = arith.constant 0 : i32
        %dma_wait3A_157 = arith.constant 0 : i32
        %dma_wait3A_158 = tpu.memref_slice %arg2[%add3A, %dma_wait3A_156, %dma_wait3A_157] : memref<32x160x64xi32, #tpu.memory_space<hbm>> -> memref<1x160x64xi32, #tpu.memory_space<hbm>>
        %dma_wait3A_159 = tpu.memref_squeeze %dma_wait3A_158 : memref<1x160x64xi32, #tpu.memory_space<hbm>> -> memref<160x64xi32, #tpu.memory_space<hbm>>
        %dma_wait3A_160 = arith.constant 0 : i32
        %dma_wait3A_161 = tpu.memref_slice %dma_wait3A_159[%mul3A_33, %dma_wait3A_160] : memref<160x64xi32, #tpu.memory_space<hbm>> -> memref<40x64xi32, #tpu.memory_space<hbm>>
        %dma_wait3A_162 = arith.constant 0 : i32
        %dma_wait3A_163 = arith.constant 0 : i32
        %dma_wait3A_164 = tpu.memref_slice %arg2[%add3A, %dma_wait3A_162, %dma_wait3A_163] : memref<32x160x64xi32, #tpu.memory_space<hbm>> -> memref<1x160x64xi32, #tpu.memory_space<hbm>>
        %dma_wait3A_165 = tpu.memref_squeeze %dma_wait3A_164 : memref<1x160x64xi32, #tpu.memory_space<hbm>> -> memref<160x64xi32, #tpu.memory_space<hbm>>
        %dma_wait3A_166 = arith.constant 0 : i32
        %dma_wait3A_167 = tpu.memref_slice %dma_wait3A_165[%mul3A_33, %dma_wait3A_166] : memref<160x64xi32, #tpu.memory_space<hbm>> -> memref<40x64xi32, #tpu.memory_space<hbm>>
        tpu.wait_dma2 semaphore(%run_scoped3A_143 : memref<!tpu.dma_semaphore, #tpu.memory_space<semaphore_mem>>) src(%dma_wait3A_167 : memref<40x64xi32, #tpu.memory_space<hbm>>) dst(%arg7 : memref<40x64xi32, #tpu.memory_space<vmem>>)
        tpu.yield
      }) : () -> ()
      %mul3A_34 = arith.constant 40 : i32
      %mul3A_35 = arith.muli %scan3A_31, %mul3A_34 : i32
      "tpu.region"() ({
        %run_scoped3A_143 = tpu.sem_alloc : memref<!tpu.dma_semaphore, #tpu.memory_space<semaphore_mem>>
        %dma_start3A_144 = arith.constant 0 : i32
        %dma_start3A_145 = arith.constant 0 : i32
        %dma_start3A_146 = tpu.memref_slice %arg3[%add3A, %dma_start3A_144, %dma_start3A_145] : memref<32x160x64xi32, #tpu.memory_space<hbm>> -> memref<1x160x64xi32, #tpu.memory_space<hbm>>
        %dma_start3A_147 = tpu.memref_squeeze %dma_start3A_146 : memref<1x160x64xi32, #tpu.memory_space<hbm>> -> memref<160x64xi32, #tpu.memory_space<hbm>>
        %dma_start3A_148 = arith.constant 0 : i32
        %dma_start3A_149 = tpu.memref_slice %dma_start3A_147[%mul3A_35, %dma_start3A_148] : memref<160x64xi32, #tpu.memory_space<hbm>> -> memref<40x64xi32, #tpu.memory_space<hbm>>
        %dma_start3A_150 = arith.constant 0 : i32
        %dma_start3A_151 = arith.constant 0 : i32
        %dma_start3A_152 = tpu.memref_slice %arg3[%add3A, %dma_start3A_150, %dma_start3A_151] : memref<32x160x64xi32, #tpu.memory_space<hbm>> -> memref<1x160x64xi32, #tpu.memory_space<hbm>>
        %dma_start3A_153 = tpu.memref_squeeze %dma_start3A_152 : memref<1x160x64xi32, #tpu.memory_space<hbm>> -> memref<160x64xi32, #tpu.memory_space<hbm>>
        %dma_start3A_154 = arith.constant 0 : i32
        %dma_start3A_155 = tpu.memref_slice %dma_start3A_153[%mul3A_35, %dma_start3A_154] : memref<160x64xi32, #tpu.memory_space<hbm>> -> memref<40x64xi32, #tpu.memory_space<hbm>>
        tpu.enqueue_dma source(%dma_start3A_155 : memref<40x64xi32, #tpu.memory_space<hbm>>) target(%arg8 : memref<40x64xi32, #tpu.memory_space<vmem>>) target_semaphore(%run_scoped3A_143 : memref<!tpu.dma_semaphore, #tpu.memory_space<semaphore_mem>>)
        %dma_wait3A_156 = arith.constant 0 : i32
        %dma_wait3A_157 = arith.constant 0 : i32
        %dma_wait3A_158 = tpu.memref_slice %arg3[%add3A, %dma_wait3A_156, %dma_wait3A_157] : memref<32x160x64xi32, #tpu.memory_space<hbm>> -> memref<1x160x64xi32, #tpu.memory_space<hbm>>
        %dma_wait3A_159 = tpu.memref_squeeze %dma_wait3A_158 : memref<1x160x64xi32, #tpu.memory_space<hbm>> -> memref<160x64xi32, #tpu.memory_space<hbm>>
        %dma_wait3A_160 = arith.constant 0 : i32
        %dma_wait3A_161 = tpu.memref_slice %dma_wait3A_159[%mul3A_35, %dma_wait3A_160] : memref<160x64xi32, #tpu.memory_space<hbm>> -> memref<40x64xi32, #tpu.memory_space<hbm>>
        %dma_wait3A_162 = arith.constant 0 : i32
        %dma_wait3A_163 = arith.constant 0 : i32
        %dma_wait3A_164 = tpu.memref_slice %arg3[%add3A, %dma_wait3A_162, %dma_wait3A_163] : memref<32x160x64xi32, #tpu.memory_space<hbm>> -> memref<1x160x64xi32, #tpu.memory_space<hbm>>
        %dma_wait3A_165 = tpu.memref_squeeze %dma_wait3A_164 : memref<1x160x64xi32, #tpu.memory_space<hbm>> -> memref<160x64xi32, #tpu.memory_space<hbm>>
        %dma_wait3A_166 = arith.constant 0 : i32
        %dma_wait3A_167 = tpu.memref_slice %dma_wait3A_165[%mul3A_35, %dma_wait3A_166] : memref<160x64xi32, #tpu.memory_space<hbm>> -> memref<40x64xi32, #tpu.memory_space<hbm>>
        tpu.wait_dma2 semaphore(%run_scoped3A_143 : memref<!tpu.dma_semaphore, #tpu.memory_space<semaphore_mem>>) src(%dma_wait3A_167 : memref<40x64xi32, #tpu.memory_space<hbm>>) dst(%arg8 : memref<40x64xi32, #tpu.memory_space<vmem>>)
        tpu.yield
      }) : () -> ()
      %dma_start3A = arith.constant 0 : i32
      %dma_start3A_36 = arith.constant 0 : i32
      %dma_start3A_37 = arith.constant 0 : i32
      %dma_start3A_38 = arith.constant 0 : i32
      %dma_start3A_39 = tpu.memref_slice %arg9[%dma_start3A_36, %dma_start3A_37, %dma_start3A_38] : memref<4x64x128xf32, #tpu.memory_space<vmem>> -> memref<1x64x128xf32, #tpu.memory_space<vmem>>
      %dma_start3A_40 = tpu.memref_squeeze %dma_start3A_39 : memref<1x64x128xf32, #tpu.memory_space<vmem>> -> memref<64x128xf32, #tpu.memory_space<vmem>>
      %dma_start3A_41 = arith.constant 0 : i32
      %dma_start3A_42 = tpu.memref_slice %arg7[%dma_start3A, %dma_start3A_41] : memref<40x64xi32, #tpu.memory_space<vmem>> -> memref<1x64xi32, #tpu.memory_space<vmem>>
      %dma_start3A_43 = tpu.memref_squeeze %dma_start3A_42 : memref<1x64xi32, #tpu.memory_space<vmem>> -> memref<64xi32, #tpu.memory_space<vmem>>
      %dma_start3A_44 = arith.constant 0 : i32
      %dma_start3A_45 = arith.constant 0 : i32
      %dma_start3A_46 = tpu.memref_slice %arg4[%dma_start3A_44, %dma_start3A_45] : memref<10000x128xf32, #tpu.memory_space<hbm>> -> memref<10000x128xf32, #tpu.memory_space<hbm>>
      tpu.enqueue_indirect_dma source(%dma_start3A_46 : memref<10000x128xf32, #tpu.memory_space<hbm>>) target(%dma_start3A_40 : memref<64x128xf32, #tpu.memory_space<vmem>>) offsets(%dma_start3A_43 : memref<64xi32, #tpu.memory_space<vmem>>) semaphore(%arg11 : memref<!tpu.dma_semaphore, #tpu.memory_space<semaphore_mem>>)
      %dma_start3A_47 = arith.constant 1 : i32
      %dma_start3A_48 = arith.constant 1 : i32
      %dma_start3A_49 = arith.constant 0 : i32
      %dma_start3A_50 = arith.constant 0 : i32
      %dma_start3A_51 = tpu.memref_slice %arg9[%dma_start3A_48, %dma_start3A_49, %dma_start3A_50] : memref<4x64x128xf32, #tpu.memory_space<vmem>> -> memref<1x64x128xf32, #tpu.memory_space<vmem>>
      %dma_start3A_52 = tpu.memref_squeeze %dma_start3A_51 : memref<1x64x128xf32, #tpu.memory_space<vmem>> -> memref<64x128xf32, #tpu.memory_space<vmem>>
      %dma_start3A_53 = arith.constant 0 : i32
      %dma_start3A_54 = tpu.memref_slice %arg7[%dma_start3A_47, %dma_start3A_53] : memref<40x64xi32, #tpu.memory_space<vmem>> -> memref<1x64xi32, #tpu.memory_space<vmem>>
      %dma_start3A_55 = tpu.memref_squeeze %dma_start3A_54 : memref<1x64xi32, #tpu.memory_space<vmem>> -> memref<64xi32, #tpu.memory_space<vmem>>
      %dma_start3A_56 = arith.constant 0 : i32
      %dma_start3A_57 = arith.constant 0 : i32
      %dma_start3A_58 = tpu.memref_slice %arg4[%dma_start3A_56, %dma_start3A_57] : memref<10000x128xf32, #tpu.memory_space<hbm>> -> memref<10000x128xf32, #tpu.memory_space<hbm>>
      tpu.enqueue_indirect_dma source(%dma_start3A_58 : memref<10000x128xf32, #tpu.memory_space<hbm>>) target(%dma_start3A_52 : memref<64x128xf32, #tpu.memory_space<vmem>>) offsets(%dma_start3A_55 : memref<64xi32, #tpu.memory_space<vmem>>) semaphore(%arg12 : memref<!tpu.dma_semaphore, #tpu.memory_space<semaphore_mem>>)
      %dma_start3A_59 = arith.constant 2 : i32
      %dma_start3A_60 = arith.constant 2 : i32
      %dma_start3A_61 = arith.constant 0 : i32
      %dma_start3A_62 = arith.constant 0 : i32
      %dma_start3A_63 = tpu.memref_slice %arg9[%dma_start3A_60, %dma_start3A_61, %dma_start3A_62] : memref<4x64x128xf32, #tpu.memory_space<vmem>> -> memref<1x64x128xf32, #tpu.memory_space<vmem>>
      %dma_start3A_64 = tpu.memref_squeeze %dma_start3A_63 : memref<1x64x128xf32, #tpu.memory_space<vmem>> -> memref<64x128xf32, #tpu.memory_space<vmem>>
      %dma_start3A_65 = arith.constant 0 : i32
      %dma_start3A_66 = tpu.memref_slice %arg7[%dma_start3A_59, %dma_start3A_65] : memref<40x64xi32, #tpu.memory_space<vmem>> -> memref<1x64xi32, #tpu.memory_space<vmem>>
      %dma_start3A_67 = tpu.memref_squeeze %dma_start3A_66 : memref<1x64xi32, #tpu.memory_space<vmem>> -> memref<64xi32, #tpu.memory_space<vmem>>
      %dma_start3A_68 = arith.constant 0 : i32
      %dma_start3A_69 = arith.constant 0 : i32
      %dma_start3A_70 = tpu.memref_slice %arg4[%dma_start3A_68, %dma_start3A_69] : memref<10000x128xf32, #tpu.memory_space<hbm>> -> memref<10000x128xf32, #tpu.memory_space<hbm>>
      tpu.enqueue_indirect_dma source(%dma_start3A_70 : memref<10000x128xf32, #tpu.memory_space<hbm>>) target(%dma_start3A_64 : memref<64x128xf32, #tpu.memory_space<vmem>>) offsets(%dma_start3A_67 : memref<64xi32, #tpu.memory_space<vmem>>) semaphore(%arg13 : memref<!tpu.dma_semaphore, #tpu.memory_space<semaphore_mem>>)
      %dma_start3A_71 = arith.constant 3 : i32
      %dma_start3A_72 = arith.constant 3 : i32
      %dma_start3A_73 = arith.constant 0 : i32
      %dma_start3A_74 = arith.constant 0 : i32
      %dma_start3A_75 = tpu.memref_slice %arg9[%dma_start3A_72, %dma_start3A_73, %dma_start3A_74] : memref<4x64x128xf32, #tpu.memory_space<vmem>> -> memref<1x64x128xf32, #tpu.memory_space<vmem>>
      %dma_start3A_76 = tpu.memref_squeeze %dma_start3A_75 : memref<1x64x128xf32, #tpu.memory_space<vmem>> -> memref<64x128xf32, #tpu.memory_space<vmem>>
      %dma_start3A_77 = arith.constant 0 : i32
      %dma_start3A_78 = tpu.memref_slice %arg7[%dma_start3A_71, %dma_start3A_77] : memref<40x64xi32, #tpu.memory_space<vmem>> -> memref<1x64xi32, #tpu.memory_space<vmem>>
      %dma_start3A_79 = tpu.memref_squeeze %dma_start3A_78 : memref<1x64xi32, #tpu.memory_space<vmem>> -> memref<64xi32, #tpu.memory_space<vmem>>
      %dma_start3A_80 = arith.constant 0 : i32
      %dma_start3A_81 = arith.constant 0 : i32
      %dma_start3A_82 = tpu.memref_slice %arg4[%dma_start3A_80, %dma_start3A_81] : memref<10000x128xf32, #tpu.memory_space<hbm>> -> memref<10000x128xf32, #tpu.memory_space<hbm>>
      tpu.enqueue_indirect_dma source(%dma_start3A_82 : memref<10000x128xf32, #tpu.memory_space<hbm>>) target(%dma_start3A_76 : memref<64x128xf32, #tpu.memory_space<vmem>>) offsets(%dma_start3A_79 : memref<64xi32, #tpu.memory_space<vmem>>) semaphore(%arg14 : memref<!tpu.dma_semaphore, #tpu.memory_space<semaphore_mem>>)
      %scan3A_83 = arith.constant 0 : i32
      %scan3A_84 = arith.constant 0 : i32
      %scan3A_85 = arith.constant 9 : i32
      %scan3A_86 = arith.addi %scan3A_84, %scan3A_85 : i32
      %scan3A_87 = arith.constant 1 : i32
      scf.for %scan3A_143 = %scan3A_84 to %scan3A_86 step %scan3A_87  : i32 {
        %mul3A_144 = arith.constant 4 : i32
        %mul3A_145 = arith.muli %mul3A_144, %scan3A_143 : i32
        %dma_wait3A_146 = arith.constant 0 : i32
        %dma_wait3A_147 = arith.constant 0 : i32
        %dma_wait3A_148 = arith.constant 0 : i32
        %dma_wait3A_149 = arith.constant 0 : i32
        %dma_wait3A_150 = tpu.memref_slice %arg9[%dma_wait3A_147, %dma_wait3A_148, %dma_wait3A_149] : memref<4x64x128xf32, #tpu.memory_space<vmem>> -> memref<1x64x128xf32, #tpu.memory_space<vmem>>
        %dma_wait3A_151 = tpu.memref_squeeze %dma_wait3A_150 : memref<1x64x128xf32, #tpu.memory_space<vmem>> -> memref<64x128xf32, #tpu.memory_space<vmem>>
        %dma_wait3A_152 = arith.constant 0 : i32
        %dma_wait3A_153 = tpu.memref_slice %arg7[%dma_wait3A_146, %dma_wait3A_152] : memref<40x64xi32, #tpu.memory_space<vmem>> -> memref<1x64xi32, #tpu.memory_space<vmem>>
        %dma_wait3A_154 = tpu.memref_squeeze %dma_wait3A_153 : memref<1x64xi32, #tpu.memory_space<vmem>> -> memref<64xi32, #tpu.memory_space<vmem>>
        %dma_wait3A_155 = arith.constant 0 : i32
        %dma_wait3A_156 = arith.constant 0 : i32
        %dma_wait3A_157 = tpu.memref_slice %arg4[%dma_wait3A_155, %dma_wait3A_156] : memref<10000x128xf32, #tpu.memory_space<hbm>> -> memref<10000x128xf32, #tpu.memory_space<hbm>>
        tpu.wait_indirect_dma semaphore(%arg11 : memref<!tpu.dma_semaphore, #tpu.memory_space<semaphore_mem>>) src(%dma_wait3A_157 : memref<10000x128xf32, #tpu.memory_space<hbm>>) dst(%dma_wait3A_151 : memref<64x128xf32, #tpu.memory_space<vmem>>)
        %add3A_158 = arith.constant 0 : i32
        %add3A_159 = arith.addi %mul3A_145, %add3A_158 : i32
        %run_scoped3A_160 = arith.constant 0 : i32
        "tpu.region"() ({
          %run_scoped3A_266 = tpu.sem_alloc : memref<!tpu.dma_semaphore, #tpu.memory_space<semaphore_mem>>
          %dma_start3A_267 = arith.constant 0 : i32
          %dma_start3A_268 = arith.constant 0 : i32
          %dma_start3A_269 = tpu.memref_slice %arg9[%run_scoped3A_160, %dma_start3A_267, %dma_start3A_268] : memref<4x64x128xf32, #tpu.memory_space<vmem>> -> memref<1x64x128xf32, #tpu.memory_space<vmem>>
          %dma_start3A_270 = tpu.memref_squeeze %dma_start3A_269 : memref<1x64x128xf32, #tpu.memory_space<vmem>> -> memref<64x128xf32, #tpu.memory_space<vmem>>
          %dma_start3A_271 = arith.constant 0 : i32
          %dma_start3A_272 = tpu.memref_slice %arg8[%add3A_159, %dma_start3A_271] : memref<40x64xi32, #tpu.memory_space<vmem>> -> memref<1x64xi32, #tpu.memory_space<vmem>>
          %dma_start3A_273 = tpu.memref_squeeze %dma_start3A_272 : memref<1x64xi32, #tpu.memory_space<vmem>> -> memref<64xi32, #tpu.memory_space<vmem>>
          %dma_start3A_274 = arith.constant 0 : i32
          %dma_start3A_275 = arith.constant 0 : i32
          %dma_start3A_276 = tpu.memref_slice %arg10[%dma_start3A_274, %dma_start3A_275] : memref<10240x128xf32, #tpu.memory_space<vmem_shared>> -> memref<10240x128xf32, #tpu.memory_space<vmem_shared>>
          tpu.enqueue_indirect_dma source(%dma_start3A_270 : memref<64x128xf32, #tpu.memory_space<vmem>>) target(%dma_start3A_276 : memref<10240x128xf32, #tpu.memory_space<vmem_shared>>) offsets(%dma_start3A_273 : memref<64xi32, #tpu.memory_space<vmem>>) semaphore(%run_scoped3A_266 : memref<!tpu.dma_semaphore, #tpu.memory_space<semaphore_mem>>) {add = true}
          %dma_wait3A_277 = arith.constant 0 : i32
          %dma_wait3A_278 = arith.constant 0 : i32
          %dma_wait3A_279 = tpu.memref_slice %arg9[%run_scoped3A_160, %dma_wait3A_277, %dma_wait3A_278] : memref<4x64x128xf32, #tpu.memory_space<vmem>> -> memref<1x64x128xf32, #tpu.memory_space<vmem>>
          %dma_wait3A_280 = tpu.memref_squeeze %dma_wait3A_279 : memref<1x64x128xf32, #tpu.memory_space<vmem>> -> memref<64x128xf32, #tpu.memory_space<vmem>>
          %dma_wait3A_281 = arith.constant 0 : i32
          %dma_wait3A_282 = tpu.memref_slice %arg8[%add3A_159, %dma_wait3A_281] : memref<40x64xi32, #tpu.memory_space<vmem>> -> memref<1x64xi32, #tpu.memory_space<vmem>>
          %dma_wait3A_283 = tpu.memref_squeeze %dma_wait3A_282 : memref<1x64xi32, #tpu.memory_space<vmem>> -> memref<64xi32, #tpu.memory_space<vmem>>
          %dma_wait3A_284 = arith.constant 0 : i32
          %dma_wait3A_285 = arith.constant 0 : i32
          %dma_wait3A_286 = tpu.memref_slice %arg10[%dma_wait3A_284, %dma_wait3A_285] : memref<10240x128xf32, #tpu.memory_space<vmem_shared>> -> memref<10240x128xf32, #tpu.memory_space<vmem_shared>>
          tpu.wait_indirect_dma semaphore(%run_scoped3A_266 : memref<!tpu.dma_semaphore, #tpu.memory_space<semaphore_mem>>) src(%dma_wait3A_280 : memref<64x128xf32, #tpu.memory_space<vmem>>) dst(%dma_wait3A_286 : memref<10240x128xf32, #tpu.memory_space<vmem_shared>>)
          tpu.yield
        }) : () -> ()
        %add3A_161 = arith.constant 0 : i32
        %add3A_162 = arith.addi %mul3A_145, %add3A_161 : i32
        %add3A_163 = arith.constant 4 : i32
        %add3A_164 = arith.addi %add3A_162, %add3A_163 : i32
        %dma_start3A_165 = arith.constant 0 : i32
        %dma_start3A_166 = arith.constant 0 : i32
        %dma_start3A_167 = arith.constant 0 : i32
        %dma_start3A_168 = tpu.memref_slice %arg9[%dma_start3A_165, %dma_start3A_166, %dma_start3A_167] : memref<4x64x128xf32, #tpu.memory_space<vmem>> -> memref<1x64x128xf32, #tpu.memory_space<vmem>>
        %dma_start3A_169 = tpu.memref_squeeze %dma_start3A_168 : memref<1x64x128xf32, #tpu.memory_space<vmem>> -> memref<64x128xf32, #tpu.memory_space<vmem>>
        %dma_start3A_170 = arith.constant 0 : i32
        %dma_start3A_171 = tpu.memref_slice %arg7[%add3A_164, %dma_start3A_170] : memref<40x64xi32, #tpu.memory_space<vmem>> -> memref<1x64xi32, #tpu.memory_space<vmem>>
        %dma_start3A_172 = tpu.memref_squeeze %dma_start3A_171 : memref<1x64xi32, #tpu.memory_space<vmem>> -> memref<64xi32, #tpu.memory_space<vmem>>
        %dma_start3A_173 = arith.constant 0 : i32
        %dma_start3A_174 = arith.constant 0 : i32
        %dma_start3A_175 = tpu.memref_slice %arg4[%dma_start3A_173, %dma_start3A_174] : memref<10000x128xf32, #tpu.memory_space<hbm>> -> memref<10000x128xf32, #tpu.memory_space<hbm>>
        tpu.enqueue_indirect_dma source(%dma_start3A_175 : memref<10000x128xf32, #tpu.memory_space<hbm>>) target(%dma_start3A_169 : memref<64x128xf32, #tpu.memory_space<vmem>>) offsets(%dma_start3A_172 : memref<64xi32, #tpu.memory_space<vmem>>) semaphore(%arg11 : memref<!tpu.dma_semaphore, #tpu.memory_space<semaphore_mem>>)
        %dma_wait3A_176 = arith.constant 0 : i32
        %dma_wait3A_177 = arith.constant 1 : i32
        %dma_wait3A_178 = arith.constant 0 : i32
        %dma_wait3A_179 = arith.constant 0 : i32
        %dma_wait3A_180 = tpu.memref_slice %arg9[%dma_wait3A_177, %dma_wait3A_178, %dma_wait3A_179] : memref<4x64x128xf32, #tpu.memory_space<vmem>> -> memref<1x64x128xf32, #tpu.memory_space<vmem>>
        %dma_wait3A_181 = tpu.memref_squeeze %dma_wait3A_180 : memref<1x64x128xf32, #tpu.memory_space<vmem>> -> memref<64x128xf32, #tpu.memory_space<vmem>>
        %dma_wait3A_182 = arith.constant 0 : i32
        %dma_wait3A_183 = tpu.memref_slice %arg7[%dma_wait3A_176, %dma_wait3A_182] : memref<40x64xi32, #tpu.memory_space<vmem>> -> memref<1x64xi32, #tpu.memory_space<vmem>>
        %dma_wait3A_184 = tpu.memref_squeeze %dma_wait3A_183 : memref<1x64xi32, #tpu.memory_space<vmem>> -> memref<64xi32, #tpu.memory_space<vmem>>
        %dma_wait3A_185 = arith.constant 0 : i32
        %dma_wait3A_186 = arith.constant 0 : i32
        %dma_wait3A_187 = tpu.memref_slice %arg4[%dma_wait3A_185, %dma_wait3A_186] : memref<10000x128xf32, #tpu.memory_space<hbm>> -> memref<10000x128xf32, #tpu.memory_space<hbm>>
        tpu.wait_indirect_dma semaphore(%arg12 : memref<!tpu.dma_semaphore, #tpu.memory_space<semaphore_mem>>) src(%dma_wait3A_187 : memref<10000x128xf32, #tpu.memory_space<hbm>>) dst(%dma_wait3A_181 : memref<64x128xf32, #tpu.memory_space<vmem>>)
        %add3A_188 = arith.constant 1 : i32
        %add3A_189 = arith.addi %mul3A_145, %add3A_188 : i32
        %run_scoped3A_190 = arith.constant 1 : i32
        "tpu.region"() ({
          %run_scoped3A_266 = tpu.sem_alloc : memref<!tpu.dma_semaphore, #tpu.memory_space<semaphore_mem>>
          %dma_start3A_267 = arith.constant 0 : i32
          %dma_start3A_268 = arith.constant 0 : i32
          %dma_start3A_269 = tpu.memref_slice %arg9[%run_scoped3A_190, %dma_start3A_267, %dma_start3A_268] : memref<4x64x128xf32, #tpu.memory_space<vmem>> -> memref<1x64x128xf32, #tpu.memory_space<vmem>>
          %dma_start3A_270 = tpu.memref_squeeze %dma_start3A_269 : memref<1x64x128xf32, #tpu.memory_space<vmem>> -> memref<64x128xf32, #tpu.memory_space<vmem>>
          %dma_start3A_271 = arith.constant 0 : i32
          %dma_start3A_272 = tpu.memref_slice %arg8[%add3A_189, %dma_start3A_271] : memref<40x64xi32, #tpu.memory_space<vmem>> -> memref<1x64xi32, #tpu.memory_space<vmem>>
          %dma_start3A_273 = tpu.memref_squeeze %dma_start3A_272 : memref<1x64xi32, #tpu.memory_space<vmem>> -> memref<64xi32, #tpu.memory_space<vmem>>
          %dma_start3A_274 = arith.constant 0 : i32
          %dma_start3A_275 = arith.constant 0 : i32
          %dma_start3A_276 = tpu.memref_slice %arg10[%dma_start3A_274, %dma_start3A_275] : memref<10240x128xf32, #tpu.memory_space<vmem_shared>> -> memref<10240x128xf32, #tpu.memory_space<vmem_shared>>
          tpu.enqueue_indirect_dma source(%dma_start3A_270 : memref<64x128xf32, #tpu.memory_space<vmem>>) target(%dma_start3A_276 : memref<10240x128xf32, #tpu.memory_space<vmem_shared>>) offsets(%dma_start3A_273 : memref<64xi32, #tpu.memory_space<vmem>>) semaphore(%run_scoped3A_266 : memref<!tpu.dma_semaphore, #tpu.memory_space<semaphore_mem>>) {add = true}
          %dma_wait3A_277 = arith.constant 0 : i32
          %dma_wait3A_278 = arith.constant 0 : i32
          %dma_wait3A_279 = tpu.memref_slice %arg9[%run_scoped3A_190, %dma_wait3A_277, %dma_wait3A_278] : memref<4x64x128xf32, #tpu.memory_space<vmem>> -> memref<1x64x128xf32, #tpu.memory_space<vmem>>
          %dma_wait3A_280 = tpu.memref_squeeze %dma_wait3A_279 : memref<1x64x128xf32, #tpu.memory_space<vmem>> -> memref<64x128xf32, #tpu.memory_space<vmem>>
          %dma_wait3A_281 = arith.constant 0 : i32
          %dma_wait3A_282 = tpu.memref_slice %arg8[%add3A_189, %dma_wait3A_281] : memref<40x64xi32, #tpu.memory_space<vmem>> -> memref<1x64xi32, #tpu.memory_space<vmem>>
          %dma_wait3A_283 = tpu.memref_squeeze %dma_wait3A_282 : memref<1x64xi32, #tpu.memory_space<vmem>> -> memref<64xi32, #tpu.memory_space<vmem>>
          %dma_wait3A_284 = arith.constant 0 : i32
          %dma_wait3A_285 = arith.constant 0 : i32
          %dma_wait3A_286 = tpu.memref_slice %arg10[%dma_wait3A_284, %dma_wait3A_285] : memref<10240x128xf32, #tpu.memory_space<vmem_shared>> -> memref<10240x128xf32, #tpu.memory_space<vmem_shared>>
          tpu.wait_indirect_dma semaphore(%run_scoped3A_266 : memref<!tpu.dma_semaphore, #tpu.memory_space<semaphore_mem>>) src(%dma_wait3A_280 : memref<64x128xf32, #tpu.memory_space<vmem>>) dst(%dma_wait3A_286 : memref<10240x128xf32, #tpu.memory_space<vmem_shared>>)
          tpu.yield
        }) : () -> ()
        %add3A_191 = arith.constant 1 : i32
        %add3A_192 = arith.addi %mul3A_145, %add3A_191 : i32
        %add3A_193 = arith.constant 4 : i32
        %add3A_194 = arith.addi %add3A_192, %add3A_193 : i32
        %dma_start3A_195 = arith.constant 1 : i32
        %dma_start3A_196 = arith.constant 0 : i32
        %dma_start3A_197 = arith.constant 0 : i32
        %dma_start3A_198 = tpu.memref_slice %arg9[%dma_start3A_195, %dma_start3A_196, %dma_start3A_197] : memref<4x64x128xf32, #tpu.memory_space<vmem>> -> memref<1x64x128xf32, #tpu.memory_space<vmem>>
        %dma_start3A_199 = tpu.memref_squeeze %dma_start3A_198 : memref<1x64x128xf32, #tpu.memory_space<vmem>> -> memref<64x128xf32, #tpu.memory_space<vmem>>
        %dma_start3A_200 = arith.constant 0 : i32
        %dma_start3A_201 = tpu.memref_slice %arg7[%add3A_194, %dma_start3A_200] : memref<40x64xi32, #tpu.memory_space<vmem>> -> memref<1x64xi32, #tpu.memory_space<vmem>>
        %dma_start3A_202 = tpu.memref_squeeze %dma_start3A_201 : memref<1x64xi32, #tpu.memory_space<vmem>> -> memref<64xi32, #tpu.memory_space<vmem>>
        %dma_start3A_203 = arith.constant 0 : i32
        %dma_start3A_204 = arith.constant 0 : i32
        %dma_start3A_205 = tpu.memref_slice %arg4[%dma_start3A_203, %dma_start3A_204] : memref<10000x128xf32, #tpu.memory_space<hbm>> -> memref<10000x128xf32, #tpu.memory_space<hbm>>
        tpu.enqueue_indirect_dma source(%dma_start3A_205 : memref<10000x128xf32, #tpu.memory_space<hbm>>) target(%dma_start3A_199 : memref<64x128xf32, #tpu.memory_space<vmem>>) offsets(%dma_start3A_202 : memref<64xi32, #tpu.memory_space<vmem>>) semaphore(%arg12 : memref<!tpu.dma_semaphore, #tpu.memory_space<semaphore_mem>>)
        %dma_wait3A_206 = arith.constant 0 : i32
        %dma_wait3A_207 = arith.constant 2 : i32
        %dma_wait3A_208 = arith.constant 0 : i32
        %dma_wait3A_209 = arith.constant 0 : i32
        %dma_wait3A_210 = tpu.memref_slice %arg9[%dma_wait3A_207, %dma_wait3A_208, %dma_wait3A_209] : memref<4x64x128xf32, #tpu.memory_space<vmem>> -> memref<1x64x128xf32, #tpu.memory_space<vmem>>
        %dma_wait3A_211 = tpu.memref_squeeze %dma_wait3A_210 : memref<1x64x128xf32, #tpu.memory_space<vmem>> -> memref<64x128xf32, #tpu.memory_space<vmem>>
        %dma_wait3A_212 = arith.constant 0 : i32
        %dma_wait3A_213 = tpu.memref_slice %arg7[%dma_wait3A_206, %dma_wait3A_212] : memref<40x64xi32, #tpu.memory_space<vmem>> -> memref<1x64xi32, #tpu.memory_space<vmem>>
        %dma_wait3A_214 = tpu.memref_squeeze %dma_wait3A_213 : memref<1x64xi32, #tpu.memory_space<vmem>> -> memref<64xi32, #tpu.memory_space<vmem>>
        %dma_wait3A_215 = arith.constant 0 : i32
        %dma_wait3A_216 = arith.constant 0 : i32
        %dma_wait3A_217 = tpu.memref_slice %arg4[%dma_wait3A_215, %dma_wait3A_216] : memref<10000x128xf32, #tpu.memory_space<hbm>> -> memref<10000x128xf32, #tpu.memory_space<hbm>>
        tpu.wait_indirect_dma semaphore(%arg13 : memref<!tpu.dma_semaphore, #tpu.memory_space<semaphore_mem>>) src(%dma_wait3A_217 : memref<10000x128xf32, #tpu.memory_space<hbm>>) dst(%dma_wait3A_211 : memref<64x128xf32, #tpu.memory_space<vmem>>)
        %add3A_218 = arith.constant 2 : i32
        %add3A_219 = arith.addi %mul3A_145, %add3A_218 : i32
        %run_scoped3A_220 = arith.constant 2 : i32
        "tpu.region"() ({
          %run_scoped3A_266 = tpu.sem_alloc : memref<!tpu.dma_semaphore, #tpu.memory_space<semaphore_mem>>
          %dma_start3A_267 = arith.constant 0 : i32
          %dma_start3A_268 = arith.constant 0 : i32
          %dma_start3A_269 = tpu.memref_slice %arg9[%run_scoped3A_220, %dma_start3A_267, %dma_start3A_268] : memref<4x64x128xf32, #tpu.memory_space<vmem>> -> memref<1x64x128xf32, #tpu.memory_space<vmem>>
          %dma_start3A_270 = tpu.memref_squeeze %dma_start3A_269 : memref<1x64x128xf32, #tpu.memory_space<vmem>> -> memref<64x128xf32, #tpu.memory_space<vmem>>
          %dma_start3A_271 = arith.constant 0 : i32
          %dma_start3A_272 = tpu.memref_slice %arg8[%add3A_219, %dma_start3A_271] : memref<40x64xi32, #tpu.memory_space<vmem>> -> memref<1x64xi32, #tpu.memory_space<vmem>>
          %dma_start3A_273 = tpu.memref_squeeze %dma_start3A_272 : memref<1x64xi32, #tpu.memory_space<vmem>> -> memref<64xi32, #tpu.memory_space<vmem>>
          %dma_start3A_274 = arith.constant 0 : i32
          %dma_start3A_275 = arith.constant 0 : i32
          %dma_start3A_276 = tpu.memref_slice %arg10[%dma_start3A_274, %dma_start3A_275] : memref<10240x128xf32, #tpu.memory_space<vmem_shared>> -> memref<10240x128xf32, #tpu.memory_space<vmem_shared>>
          tpu.enqueue_indirect_dma source(%dma_start3A_270 : memref<64x128xf32, #tpu.memory_space<vmem>>) target(%dma_start3A_276 : memref<10240x128xf32, #tpu.memory_space<vmem_shared>>) offsets(%dma_start3A_273 : memref<64xi32, #tpu.memory_space<vmem>>) semaphore(%run_scoped3A_266 : memref<!tpu.dma_semaphore, #tpu.memory_space<semaphore_mem>>) {add = true}
          %dma_wait3A_277 = arith.constant 0 : i32
          %dma_wait3A_278 = arith.constant 0 : i32
          %dma_wait3A_279 = tpu.memref_slice %arg9[%run_scoped3A_220, %dma_wait3A_277, %dma_wait3A_278] : memref<4x64x128xf32, #tpu.memory_space<vmem>> -> memref<1x64x128xf32, #tpu.memory_space<vmem>>
          %dma_wait3A_280 = tpu.memref_squeeze %dma_wait3A_279 : memref<1x64x128xf32, #tpu.memory_space<vmem>> -> memref<64x128xf32, #tpu.memory_space<vmem>>
          %dma_wait3A_281 = arith.constant 0 : i32
          %dma_wait3A_282 = tpu.memref_slice %arg8[%add3A_219, %dma_wait3A_281] : memref<40x64xi32, #tpu.memory_space<vmem>> -> memref<1x64xi32, #tpu.memory_space<vmem>>
          %dma_wait3A_283 = tpu.memref_squeeze %dma_wait3A_282 : memref<1x64xi32, #tpu.memory_space<vmem>> -> memref<64xi32, #tpu.memory_space<vmem>>
          %dma_wait3A_284 = arith.constant 0 : i32
          %dma_wait3A_285 = arith.constant 0 : i32
          %dma_wait3A_286 = tpu.memref_slice %arg10[%dma_wait3A_284, %dma_wait3A_285] : memref<10240x128xf32, #tpu.memory_space<vmem_shared>> -> memref<10240x128xf32, #tpu.memory_space<vmem_shared>>
          tpu.wait_indirect_dma semaphore(%run_scoped3A_266 : memref<!tpu.dma_semaphore, #tpu.memory_space<semaphore_mem>>) src(%dma_wait3A_280 : memref<64x128xf32, #tpu.memory_space<vmem>>) dst(%dma_wait3A_286 : memref<10240x128xf32, #tpu.memory_space<vmem_shared>>)
          tpu.yield
        }) : () -> ()
        %add3A_221 = arith.constant 2 : i32
        %add3A_222 = arith.addi %mul3A_145, %add3A_221 : i32
        %add3A_223 = arith.constant 4 : i32
        %add3A_224 = arith.addi %add3A_222, %add3A_223 : i32
        %dma_start3A_225 = arith.constant 2 : i32
        %dma_start3A_226 = arith.constant 0 : i32
        %dma_start3A_227 = arith.constant 0 : i32
        %dma_start3A_228 = tpu.memref_slice %arg9[%dma_start3A_225, %dma_start3A_226, %dma_start3A_227] : memref<4x64x128xf32, #tpu.memory_space<vmem>> -> memref<1x64x128xf32, #tpu.memory_space<vmem>>
        %dma_start3A_229 = tpu.memref_squeeze %dma_start3A_228 : memref<1x64x128xf32, #tpu.memory_space<vmem>> -> memref<64x128xf32, #tpu.memory_space<vmem>>
        %dma_start3A_230 = arith.constant 0 : i32
        %dma_start3A_231 = tpu.memref_slice %arg7[%add3A_224, %dma_start3A_230] : memref<40x64xi32, #tpu.memory_space<vmem>> -> memref<1x64xi32, #tpu.memory_space<vmem>>
        %dma_start3A_232 = tpu.memref_squeeze %dma_start3A_231 : memref<1x64xi32, #tpu.memory_space<vmem>> -> memref<64xi32, #tpu.memory_space<vmem>>
        %dma_start3A_233 = arith.constant 0 : i32
        %dma_start3A_234 = arith.constant 0 : i32
        %dma_start3A_235 = tpu.memref_slice %arg4[%dma_start3A_233, %dma_start3A_234] : memref<10000x128xf32, #tpu.memory_space<hbm>> -> memref<10000x128xf32, #tpu.memory_space<hbm>>
        tpu.enqueue_indirect_dma source(%dma_start3A_235 : memref<10000x128xf32, #tpu.memory_space<hbm>>) target(%dma_start3A_229 : memref<64x128xf32, #tpu.memory_space<vmem>>) offsets(%dma_start3A_232 : memref<64xi32, #tpu.memory_space<vmem>>) semaphore(%arg13 : memref<!tpu.dma_semaphore, #tpu.memory_space<semaphore_mem>>)
        %dma_wait3A_236 = arith.constant 0 : i32
        %dma_wait3A_237 = arith.constant 3 : i32
        %dma_wait3A_238 = arith.constant 0 : i32
        %dma_wait3A_239 = arith.constant 0 : i32
        %dma_wait3A_240 = tpu.memref_slice %arg9[%dma_wait3A_237, %dma_wait3A_238, %dma_wait3A_239] : memref<4x64x128xf32, #tpu.memory_space<vmem>> -> memref<1x64x128xf32, #tpu.memory_space<vmem>>
        %dma_wait3A_241 = tpu.memref_squeeze %dma_wait3A_240 : memref<1x64x128xf32, #tpu.memory_space<vmem>> -> memref<64x128xf32, #tpu.memory_space<vmem>>
        %dma_wait3A_242 = arith.constant 0 : i32
        %dma_wait3A_243 = tpu.memref_slice %arg7[%dma_wait3A_236, %dma_wait3A_242] : memref<40x64xi32, #tpu.memory_space<vmem>> -> memref<1x64xi32, #tpu.memory_space<vmem>>
        %dma_wait3A_244 = tpu.memref_squeeze %dma_wait3A_243 : memref<1x64xi32, #tpu.memory_space<vmem>> -> memref<64xi32, #tpu.memory_space<vmem>>
        %dma_wait3A_245 = arith.constant 0 : i32
        %dma_wait3A_246 = arith.constant 0 : i32
        %dma_wait3A_247 = tpu.memref_slice %arg4[%dma_wait3A_245, %dma_wait3A_246] : memref<10000x128xf32, #tpu.memory_space<hbm>> -> memref<10000x128xf32, #tpu.memory_space<hbm>>
        tpu.wait_indirect_dma semaphore(%arg14 : memref<!tpu.dma_semaphore, #tpu.memory_space<semaphore_mem>>) src(%dma_wait3A_247 : memref<10000x128xf32, #tpu.memory_space<hbm>>) dst(%dma_wait3A_241 : memref<64x128xf32, #tpu.memory_space<vmem>>)
        %add3A_248 = arith.constant 3 : i32
        %add3A_249 = arith.addi %mul3A_145, %add3A_248 : i32
        %run_scoped3A_250 = arith.constant 3 : i32
        "tpu.region"() ({
          %run_scoped3A_266 = tpu.sem_alloc : memref<!tpu.dma_semaphore, #tpu.memory_space<semaphore_mem>>
          %dma_start3A_267 = arith.constant 0 : i32
          %dma_start3A_268 = arith.constant 0 : i32
          %dma_start3A_269 = tpu.memref_slice %arg9[%run_scoped3A_250, %dma_start3A_267, %dma_start3A_268] : memref<4x64x128xf32, #tpu.memory_space<vmem>> -> memref<1x64x128xf32, #tpu.memory_space<vmem>>
          %dma_start3A_270 = tpu.memref_squeeze %dma_start3A_269 : memref<1x64x128xf32, #tpu.memory_space<vmem>> -> memref<64x128xf32, #tpu.memory_space<vmem>>
          %dma_start3A_271 = arith.constant 0 : i32
          %dma_start3A_272 = tpu.memref_slice %arg8[%add3A_249, %dma_start3A_271] : memref<40x64xi32, #tpu.memory_space<vmem>> -> memref<1x64xi32, #tpu.memory_space<vmem>>
          %dma_start3A_273 = tpu.memref_squeeze %dma_start3A_272 : memref<1x64xi32, #tpu.memory_space<vmem>> -> memref<64xi32, #tpu.memory_space<vmem>>
          %dma_start3A_274 = arith.constant 0 : i32
          %dma_start3A_275 = arith.constant 0 : i32
          %dma_start3A_276 = tpu.memref_slice %arg10[%dma_start3A_274, %dma_start3A_275] : memref<10240x128xf32, #tpu.memory_space<vmem_shared>> -> memref<10240x128xf32, #tpu.memory_space<vmem_shared>>
          tpu.enqueue_indirect_dma source(%dma_start3A_270 : memref<64x128xf32, #tpu.memory_space<vmem>>) target(%dma_start3A_276 : memref<10240x128xf32, #tpu.memory_space<vmem_shared>>) offsets(%dma_start3A_273 : memref<64xi32, #tpu.memory_space<vmem>>) semaphore(%run_scoped3A_266 : memref<!tpu.dma_semaphore, #tpu.memory_space<semaphore_mem>>) {add = true}
          %dma_wait3A_277 = arith.constant 0 : i32
          %dma_wait3A_278 = arith.constant 0 : i32
          %dma_wait3A_279 = tpu.memref_slice %arg9[%run_scoped3A_250, %dma_wait3A_277, %dma_wait3A_278] : memref<4x64x128xf32, #tpu.memory_space<vmem>> -> memref<1x64x128xf32, #tpu.memory_space<vmem>>
          %dma_wait3A_280 = tpu.memref_squeeze %dma_wait3A_279 : memref<1x64x128xf32, #tpu.memory_space<vmem>> -> memref<64x128xf32, #tpu.memory_space<vmem>>
          %dma_wait3A_281 = arith.constant 0 : i32
          %dma_wait3A_282 = tpu.memref_slice %arg8[%add3A_249, %dma_wait3A_281] : memref<40x64xi32, #tpu.memory_space<vmem>> -> memref<1x64xi32, #tpu.memory_space<vmem>>
          %dma_wait3A_283 = tpu.memref_squeeze %dma_wait3A_282 : memref<1x64xi32, #tpu.memory_space<vmem>> -> memref<64xi32, #tpu.memory_space<vmem>>
          %dma_wait3A_284 = arith.constant 0 : i32
          %dma_wait3A_285 = arith.constant 0 : i32
          %dma_wait3A_286 = tpu.memref_slice %arg10[%dma_wait3A_284, %dma_wait3A_285] : memref<10240x128xf32, #tpu.memory_space<vmem_shared>> -> memref<10240x128xf32, #tpu.memory_space<vmem_shared>>
          tpu.wait_indirect_dma semaphore(%run_scoped3A_266 : memref<!tpu.dma_semaphore, #tpu.memory_space<semaphore_mem>>) src(%dma_wait3A_280 : memref<64x128xf32, #tpu.memory_space<vmem>>) dst(%dma_wait3A_286 : memref<10240x128xf32, #tpu.memory_space<vmem_shared>>)
          tpu.yield
        }) : () -> ()
        %add3A_251 = arith.constant 3 : i32
        %add3A_252 = arith.addi %mul3A_145, %add3A_251 : i32
        %add3A_253 = arith.constant 4 : i32
        %add3A_254 = arith.addi %add3A_252, %add3A_253 : i32
        %dma_start3A_255 = arith.constant 3 : i32
        %dma_start3A_256 = arith.constant 0 : i32
        %dma_start3A_257 = arith.constant 0 : i32
        %dma_start3A_258 = tpu.memref_slice %arg9[%dma_start3A_255, %dma_start3A_256, %dma_start3A_257] : memref<4x64x128xf32, #tpu.memory_space<vmem>> -> memref<1x64x128xf32, #tpu.memory_space<vmem>>
        %dma_start3A_259 = tpu.memref_squeeze %dma_start3A_258 : memref<1x64x128xf32, #tpu.memory_space<vmem>> -> memref<64x128xf32, #tpu.memory_space<vmem>>
        %dma_start3A_260 = arith.constant 0 : i32
        %dma_start3A_261 = tpu.memref_slice %arg7[%add3A_254, %dma_start3A_260] : memref<40x64xi32, #tpu.memory_space<vmem>> -> memref<1x64xi32, #tpu.memory_space<vmem>>
        %dma_start3A_262 = tpu.memref_squeeze %dma_start3A_261 : memref<1x64xi32, #tpu.memory_space<vmem>> -> memref<64xi32, #tpu.memory_space<vmem>>
        %dma_start3A_263 = arith.constant 0 : i32
        %dma_start3A_264 = arith.constant 0 : i32
        %dma_start3A_265 = tpu.memref_slice %arg4[%dma_start3A_263, %dma_start3A_264] : memref<10000x128xf32, #tpu.memory_space<hbm>> -> memref<10000x128xf32, #tpu.memory_space<hbm>>
        tpu.enqueue_indirect_dma source(%dma_start3A_265 : memref<10000x128xf32, #tpu.memory_space<hbm>>) target(%dma_start3A_259 : memref<64x128xf32, #tpu.memory_space<vmem>>) offsets(%dma_start3A_262 : memref<64xi32, #tpu.memory_space<vmem>>) semaphore(%arg14 : memref<!tpu.dma_semaphore, #tpu.memory_space<semaphore_mem>>)
      }
      %scan3A_88 = arith.constant 9 : i32
      %dma_wait3A = arith.constant 0 : i32
      %dma_wait3A_89 = arith.constant 0 : i32
      %dma_wait3A_90 = arith.constant 0 : i32
      %dma_wait3A_91 = arith.constant 0 : i32
      %dma_wait3A_92 = tpu.memref_slice %arg9[%dma_wait3A_89, %dma_wait3A_90, %dma_wait3A_91] : memref<4x64x128xf32, #tpu.memory_space<vmem>> -> memref<1x64x128xf32, #tpu.memory_space<vmem>>
      %dma_wait3A_93 = tpu.memref_squeeze %dma_wait3A_92 : memref<1x64x128xf32, #tpu.memory_space<vmem>> -> memref<64x128xf32, #tpu.memory_space<vmem>>
      %dma_wait3A_94 = arith.constant 0 : i32
      %dma_wait3A_95 = tpu.memref_slice %arg7[%dma_wait3A, %dma_wait3A_94] : memref<40x64xi32, #tpu.memory_space<vmem>> -> memref<1x64xi32, #tpu.memory_space<vmem>>
      %dma_wait3A_96 = tpu.memref_squeeze %dma_wait3A_95 : memref<1x64xi32, #tpu.memory_space<vmem>> -> memref<64xi32, #tpu.memory_space<vmem>>
      %dma_wait3A_97 = arith.constant 0 : i32
      %dma_wait3A_98 = arith.constant 0 : i32
      %dma_wait3A_99 = tpu.memref_slice %arg4[%dma_wait3A_97, %dma_wait3A_98] : memref<10000x128xf32, #tpu.memory_space<hbm>> -> memref<10000x128xf32, #tpu.memory_space<hbm>>
      tpu.wait_indirect_dma semaphore(%arg11 : memref<!tpu.dma_semaphore, #tpu.memory_space<semaphore_mem>>) src(%dma_wait3A_99 : memref<10000x128xf32, #tpu.memory_space<hbm>>) dst(%dma_wait3A_93 : memref<64x128xf32, #tpu.memory_space<vmem>>)
      %run_scoped3A = arith.constant 0 : i32
      %run_scoped3A_100 = arith.constant 36 : i32
      "tpu.region"() ({
        %run_scoped3A_143 = tpu.sem_alloc : memref<!tpu.dma_semaphore, #tpu.memory_space<semaphore_mem>>
        %dma_start3A_144 = arith.constant 0 : i32
        %dma_start3A_145 = arith.constant 0 : i32
        %dma_start3A_146 = tpu.memref_slice %arg9[%run_scoped3A, %dma_start3A_144, %dma_start3A_145] : memref<4x64x128xf32, #tpu.memory_space<vmem>> -> memref<1x64x128xf32, #tpu.memory_space<vmem>>
        %dma_start3A_147 = tpu.memref_squeeze %dma_start3A_146 : memref<1x64x128xf32, #tpu.memory_space<vmem>> -> memref<64x128xf32, #tpu.memory_space<vmem>>
        %dma_start3A_148 = arith.constant 0 : i32
        %dma_start3A_149 = tpu.memref_slice %arg8[%run_scoped3A_100, %dma_start3A_148] : memref<40x64xi32, #tpu.memory_space<vmem>> -> memref<1x64xi32, #tpu.memory_space<vmem>>
        %dma_start3A_150 = tpu.memref_squeeze %dma_start3A_149 : memref<1x64xi32, #tpu.memory_space<vmem>> -> memref<64xi32, #tpu.memory_space<vmem>>
        %dma_start3A_151 = arith.constant 0 : i32
        %dma_start3A_152 = arith.constant 0 : i32
        %dma_start3A_153 = tpu.memref_slice %arg10[%dma_start3A_151, %dma_start3A_152] : memref<10240x128xf32, #tpu.memory_space<vmem_shared>> -> memref<10240x128xf32, #tpu.memory_space<vmem_shared>>
        tpu.enqueue_indirect_dma source(%dma_start3A_147 : memref<64x128xf32, #tpu.memory_space<vmem>>) target(%dma_start3A_153 : memref<10240x128xf32, #tpu.memory_space<vmem_shared>>) offsets(%dma_start3A_150 : memref<64xi32, #tpu.memory_space<vmem>>) semaphore(%run_scoped3A_143 : memref<!tpu.dma_semaphore, #tpu.memory_space<semaphore_mem>>) {add = true}
        %dma_wait3A_154 = arith.constant 0 : i32
        %dma_wait3A_155 = arith.constant 0 : i32
        %dma_wait3A_156 = tpu.memref_slice %arg9[%run_scoped3A, %dma_wait3A_154, %dma_wait3A_155] : memref<4x64x128xf32, #tpu.memory_space<vmem>> -> memref<1x64x128xf32, #tpu.memory_space<vmem>>
        %dma_wait3A_157 = tpu.memref_squeeze %dma_wait3A_156 : memref<1x64x128xf32, #tpu.memory_space<vmem>> -> memref<64x128xf32, #tpu.memory_space<vmem>>
        %dma_wait3A_158 = arith.constant 0 : i32
        %dma_wait3A_159 = tpu.memref_slice %arg8[%run_scoped3A_100, %dma_wait3A_158] : memref<40x64xi32, #tpu.memory_space<vmem>> -> memref<1x64xi32, #tpu.memory_space<vmem>>
        %dma_wait3A_160 = tpu.memref_squeeze %dma_wait3A_159 : memref<1x64xi32, #tpu.memory_space<vmem>> -> memref<64xi32, #tpu.memory_space<vmem>>
        %dma_wait3A_161 = arith.constant 0 : i32
        %dma_wait3A_162 = arith.constant 0 : i32
        %dma_wait3A_163 = tpu.memref_slice %arg10[%dma_wait3A_161, %dma_wait3A_162] : memref<10240x128xf32, #tpu.memory_space<vmem_shared>> -> memref<10240x128xf32, #tpu.memory_space<vmem_shared>>
        tpu.wait_indirect_dma semaphore(%run_scoped3A_143 : memref<!tpu.dma_semaphore, #tpu.memory_space<semaphore_mem>>) src(%dma_wait3A_157 : memref<64x128xf32, #tpu.memory_space<vmem>>) dst(%dma_wait3A_163 : memref<10240x128xf32, #tpu.memory_space<vmem_shared>>)
        tpu.yield
      }) : () -> ()
      %dma_wait3A_101 = arith.constant 0 : i32
      %dma_wait3A_102 = arith.constant 1 : i32
      %dma_wait3A_103 = arith.constant 0 : i32
      %dma_wait3A_104 = arith.constant 0 : i32
      %dma_wait3A_105 = tpu.memref_slice %arg9[%dma_wait3A_102, %dma_wait3A_103, %dma_wait3A_104] : memref<4x64x128xf32, #tpu.memory_space<vmem>> -> memref<1x64x128xf32, #tpu.memory_space<vmem>>
      %dma_wait3A_106 = tpu.memref_squeeze %dma_wait3A_105 : memref<1x64x128xf32, #tpu.memory_space<vmem>> -> memref<64x128xf32, #tpu.memory_space<vmem>>
      %dma_wait3A_107 = arith.constant 0 : i32
      %dma_wait3A_108 = tpu.memref_slice %arg7[%dma_wait3A_101, %dma_wait3A_107] : memref<40x64xi32, #tpu.memory_space<vmem>> -> memref<1x64xi32, #tpu.memory_space<vmem>>
      %dma_wait3A_109 = tpu.memref_squeeze %dma_wait3A_108 : memref<1x64xi32, #tpu.memory_space<vmem>> -> memref<64xi32, #tpu.memory_space<vmem>>
      %dma_wait3A_110 = arith.constant 0 : i32
      %dma_wait3A_111 = arith.constant 0 : i32
      %dma_wait3A_112 = tpu.memref_slice %arg4[%dma_wait3A_110, %dma_wait3A_111] : memref<10000x128xf32, #tpu.memory_space<hbm>> -> memref<10000x128xf32, #tpu.memory_space<hbm>>
      tpu.wait_indirect_dma semaphore(%arg12 : memref<!tpu.dma_semaphore, #tpu.memory_space<semaphore_mem>>) src(%dma_wait3A_112 : memref<10000x128xf32, #tpu.memory_space<hbm>>) dst(%dma_wait3A_106 : memref<64x128xf32, #tpu.memory_space<vmem>>)
      %run_scoped3A_113 = arith.constant 1 : i32
      %run_scoped3A_114 = arith.constant 37 : i32
      "tpu.region"() ({
        %run_scoped3A_143 = tpu.sem_alloc : memref<!tpu.dma_semaphore, #tpu.memory_space<semaphore_mem>>
        %dma_start3A_144 = arith.constant 0 : i32
        %dma_start3A_145 = arith.constant 0 : i32
        %dma_start3A_146 = tpu.memref_slice %arg9[%run_scoped3A_113, %dma_start3A_144, %dma_start3A_145] : memref<4x64x128xf32, #tpu.memory_space<vmem>> -> memref<1x64x128xf32, #tpu.memory_space<vmem>>
        %dma_start3A_147 = tpu.memref_squeeze %dma_start3A_146 : memref<1x64x128xf32, #tpu.memory_space<vmem>> -> memref<64x128xf32, #tpu.memory_space<vmem>>
        %dma_start3A_148 = arith.constant 0 : i32
        %dma_start3A_149 = tpu.memref_slice %arg8[%run_scoped3A_114, %dma_start3A_148] : memref<40x64xi32, #tpu.memory_space<vmem>> -> memref<1x64xi32, #tpu.memory_space<vmem>>
        %dma_start3A_150 = tpu.memref_squeeze %dma_start3A_149 : memref<1x64xi32, #tpu.memory_space<vmem>> -> memref<64xi32, #tpu.memory_space<vmem>>
        %dma_start3A_151 = arith.constant 0 : i32
        %dma_start3A_152 = arith.constant 0 : i32
        %dma_start3A_153 = tpu.memref_slice %arg10[%dma_start3A_151, %dma_start3A_152] : memref<10240x128xf32, #tpu.memory_space<vmem_shared>> -> memref<10240x128xf32, #tpu.memory_space<vmem_shared>>
        tpu.enqueue_indirect_dma source(%dma_start3A_147 : memref<64x128xf32, #tpu.memory_space<vmem>>) target(%dma_start3A_153 : memref<10240x128xf32, #tpu.memory_space<vmem_shared>>) offsets(%dma_start3A_150 : memref<64xi32, #tpu.memory_space<vmem>>) semaphore(%run_scoped3A_143 : memref<!tpu.dma_semaphore, #tpu.memory_space<semaphore_mem>>) {add = true}
        %dma_wait3A_154 = arith.constant 0 : i32
        %dma_wait3A_155 = arith.constant 0 : i32
        %dma_wait3A_156 = tpu.memref_slice %arg9[%run_scoped3A_113, %dma_wait3A_154, %dma_wait3A_155] : memref<4x64x128xf32, #tpu.memory_space<vmem>> -> memref<1x64x128xf32, #tpu.memory_space<vmem>>
        %dma_wait3A_157 = tpu.memref_squeeze %dma_wait3A_156 : memref<1x64x128xf32, #tpu.memory_space<vmem>> -> memref<64x128xf32, #tpu.memory_space<vmem>>
        %dma_wait3A_158 = arith.constant 0 : i32
        %dma_wait3A_159 = tpu.memref_slice %arg8[%run_scoped3A_114, %dma_wait3A_158] : memref<40x64xi32, #tpu.memory_space<vmem>> -> memref<1x64xi32, #tpu.memory_space<vmem>>
        %dma_wait3A_160 = tpu.memref_squeeze %dma_wait3A_159 : memref<1x64xi32, #tpu.memory_space<vmem>> -> memref<64xi32, #tpu.memory_space<vmem>>
        %dma_wait3A_161 = arith.constant 0 : i32
        %dma_wait3A_162 = arith.constant 0 : i32
        %dma_wait3A_163 = tpu.memref_slice %arg10[%dma_wait3A_161, %dma_wait3A_162] : memref<10240x128xf32, #tpu.memory_space<vmem_shared>> -> memref<10240x128xf32, #tpu.memory_space<vmem_shared>>
        tpu.wait_indirect_dma semaphore(%run_scoped3A_143 : memref<!tpu.dma_semaphore, #tpu.memory_space<semaphore_mem>>) src(%dma_wait3A_157 : memref<64x128xf32, #tpu.memory_space<vmem>>) dst(%dma_wait3A_163 : memref<10240x128xf32, #tpu.memory_space<vmem_shared>>)
        tpu.yield
      }) : () -> ()
      %dma_wait3A_115 = arith.constant 0 : i32
      %dma_wait3A_116 = arith.constant 2 : i32
      %dma_wait3A_117 = arith.constant 0 : i32
      %dma_wait3A_118 = arith.constant 0 : i32
      %dma_wait3A_119 = tpu.memref_slice %arg9[%dma_wait3A_116, %dma_wait3A_117, %dma_wait3A_118] : memref<4x64x128xf32, #tpu.memory_space<vmem>> -> memref<1x64x128xf32, #tpu.memory_space<vmem>>
      %dma_wait3A_120 = tpu.memref_squeeze %dma_wait3A_119 : memref<1x64x128xf32, #tpu.memory_space<vmem>> -> memref<64x128xf32, #tpu.memory_space<vmem>>
      %dma_wait3A_121 = arith.constant 0 : i32
      %dma_wait3A_122 = tpu.memref_slice %arg7[%dma_wait3A_115, %dma_wait3A_121] : memref<40x64xi32, #tpu.memory_space<vmem>> -> memref<1x64xi32, #tpu.memory_space<vmem>>
      %dma_wait3A_123 = tpu.memref_squeeze %dma_wait3A_122 : memref<1x64xi32, #tpu.memory_space<vmem>> -> memref<64xi32, #tpu.memory_space<vmem>>
      %dma_wait3A_124 = arith.constant 0 : i32
      %dma_wait3A_125 = arith.constant 0 : i32
      %dma_wait3A_126 = tpu.memref_slice %arg4[%dma_wait3A_124, %dma_wait3A_125] : memref<10000x128xf32, #tpu.memory_space<hbm>> -> memref<10000x128xf32, #tpu.memory_space<hbm>>
      tpu.wait_indirect_dma semaphore(%arg13 : memref<!tpu.dma_semaphore, #tpu.memory_space<semaphore_mem>>) src(%dma_wait3A_126 : memref<10000x128xf32, #tpu.memory_space<hbm>>) dst(%dma_wait3A_120 : memref<64x128xf32, #tpu.memory_space<vmem>>)
      %run_scoped3A_127 = arith.constant 2 : i32
      %run_scoped3A_128 = arith.constant 38 : i32
      "tpu.region"() ({
        %run_scoped3A_143 = tpu.sem_alloc : memref<!tpu.dma_semaphore, #tpu.memory_space<semaphore_mem>>
        %dma_start3A_144 = arith.constant 0 : i32
        %dma_start3A_145 = arith.constant 0 : i32
        %dma_start3A_146 = tpu.memref_slice %arg9[%run_scoped3A_127, %dma_start3A_144, %dma_start3A_145] : memref<4x64x128xf32, #tpu.memory_space<vmem>> -> memref<1x64x128xf32, #tpu.memory_space<vmem>>
        %dma_start3A_147 = tpu.memref_squeeze %dma_start3A_146 : memref<1x64x128xf32, #tpu.memory_space<vmem>> -> memref<64x128xf32, #tpu.memory_space<vmem>>
        %dma_start3A_148 = arith.constant 0 : i32
        %dma_start3A_149 = tpu.memref_slice %arg8[%run_scoped3A_128, %dma_start3A_148] : memref<40x64xi32, #tpu.memory_space<vmem>> -> memref<1x64xi32, #tpu.memory_space<vmem>>
        %dma_start3A_150 = tpu.memref_squeeze %dma_start3A_149 : memref<1x64xi32, #tpu.memory_space<vmem>> -> memref<64xi32, #tpu.memory_space<vmem>>
        %dma_start3A_151 = arith.constant 0 : i32
        %dma_start3A_152 = arith.constant 0 : i32
        %dma_start3A_153 = tpu.memref_slice %arg10[%dma_start3A_151, %dma_start3A_152] : memref<10240x128xf32, #tpu.memory_space<vmem_shared>> -> memref<10240x128xf32, #tpu.memory_space<vmem_shared>>
        tpu.enqueue_indirect_dma source(%dma_start3A_147 : memref<64x128xf32, #tpu.memory_space<vmem>>) target(%dma_start3A_153 : memref<10240x128xf32, #tpu.memory_space<vmem_shared>>) offsets(%dma_start3A_150 : memref<64xi32, #tpu.memory_space<vmem>>) semaphore(%run_scoped3A_143 : memref<!tpu.dma_semaphore, #tpu.memory_space<semaphore_mem>>) {add = true}
        %dma_wait3A_154 = arith.constant 0 : i32
        %dma_wait3A_155 = arith.constant 0 : i32
        %dma_wait3A_156 = tpu.memref_slice %arg9[%run_scoped3A_127, %dma_wait3A_154, %dma_wait3A_155] : memref<4x64x128xf32, #tpu.memory_space<vmem>> -> memref<1x64x128xf32, #tpu.memory_space<vmem>>
        %dma_wait3A_157 = tpu.memref_squeeze %dma_wait3A_156 : memref<1x64x128xf32, #tpu.memory_space<vmem>> -> memref<64x128xf32, #tpu.memory_space<vmem>>
        %dma_wait3A_158 = arith.constant 0 : i32
        %dma_wait3A_159 = tpu.memref_slice %arg8[%run_scoped3A_128, %dma_wait3A_158] : memref<40x64xi32, #tpu.memory_space<vmem>> -> memref<1x64xi32, #tpu.memory_space<vmem>>
        %dma_wait3A_160 = tpu.memref_squeeze %dma_wait3A_159 : memref<1x64xi32, #tpu.memory_space<vmem>> -> memref<64xi32, #tpu.memory_space<vmem>>
        %dma_wait3A_161 = arith.constant 0 : i32
        %dma_wait3A_162 = arith.constant 0 : i32
        %dma_wait3A_163 = tpu.memref_slice %arg10[%dma_wait3A_161, %dma_wait3A_162] : memref<10240x128xf32, #tpu.memory_space<vmem_shared>> -> memref<10240x128xf32, #tpu.memory_space<vmem_shared>>
        tpu.wait_indirect_dma semaphore(%run_scoped3A_143 : memref<!tpu.dma_semaphore, #tpu.memory_space<semaphore_mem>>) src(%dma_wait3A_157 : memref<64x128xf32, #tpu.memory_space<vmem>>) dst(%dma_wait3A_163 : memref<10240x128xf32, #tpu.memory_space<vmem_shared>>)
        tpu.yield
      }) : () -> ()
      %dma_wait3A_129 = arith.constant 0 : i32
      %dma_wait3A_130 = arith.constant 3 : i32
      %dma_wait3A_131 = arith.constant 0 : i32
      %dma_wait3A_132 = arith.constant 0 : i32
      %dma_wait3A_133 = tpu.memref_slice %arg9[%dma_wait3A_130, %dma_wait3A_131, %dma_wait3A_132] : memref<4x64x128xf32, #tpu.memory_space<vmem>> -> memref<1x64x128xf32, #tpu.memory_space<vmem>>
      %dma_wait3A_134 = tpu.memref_squeeze %dma_wait3A_133 : memref<1x64x128xf32, #tpu.memory_space<vmem>> -> memref<64x128xf32, #tpu.memory_space<vmem>>
      %dma_wait3A_135 = arith.constant 0 : i32
      %dma_wait3A_136 = tpu.memref_slice %arg7[%dma_wait3A_129, %dma_wait3A_135] : memref<40x64xi32, #tpu.memory_space<vmem>> -> memref<1x64xi32, #tpu.memory_space<vmem>>
      %dma_wait3A_137 = tpu.memref_squeeze %dma_wait3A_136 : memref<1x64xi32, #tpu.memory_space<vmem>> -> memref<64xi32, #tpu.memory_space<vmem>>
      %dma_wait3A_138 = arith.constant 0 : i32
      %dma_wait3A_139 = arith.constant 0 : i32
      %dma_wait3A_140 = tpu.memref_slice %arg4[%dma_wait3A_138, %dma_wait3A_139] : memref<10000x128xf32, #tpu.memory_space<hbm>> -> memref<10000x128xf32, #tpu.memory_space<hbm>>
      tpu.wait_indirect_dma semaphore(%arg14 : memref<!tpu.dma_semaphore, #tpu.memory_space<semaphore_mem>>) src(%dma_wait3A_140 : memref<10000x128xf32, #tpu.memory_space<hbm>>) dst(%dma_wait3A_134 : memref<64x128xf32, #tpu.memory_space<vmem>>)
      %run_scoped3A_141 = arith.constant 3 : i32
      %run_scoped3A_142 = arith.constant 39 : i32
      "tpu.region"() ({
        %run_scoped3A_143 = tpu.sem_alloc : memref<!tpu.dma_semaphore, #tpu.memory_space<semaphore_mem>>
        %dma_start3A_144 = arith.constant 0 : i32
        %dma_start3A_145 = arith.constant 0 : i32
        %dma_start3A_146 = tpu.memref_slice %arg9[%run_scoped3A_141, %dma_start3A_144, %dma_start3A_145] : memref<4x64x128xf32, #tpu.memory_space<vmem>> -> memref<1x64x128xf32, #tpu.memory_space<vmem>>
        %dma_start3A_147 = tpu.memref_squeeze %dma_start3A_146 : memref<1x64x128xf32, #tpu.memory_space<vmem>> -> memref<64x128xf32, #tpu.memory_space<vmem>>
        %dma_start3A_148 = arith.constant 0 : i32
        %dma_start3A_149 = tpu.memref_slice %arg8[%run_scoped3A_142, %dma_start3A_148] : memref<40x64xi32, #tpu.memory_space<vmem>> -> memref<1x64xi32, #tpu.memory_space<vmem>>
        %dma_start3A_150 = tpu.memref_squeeze %dma_start3A_149 : memref<1x64xi32, #tpu.memory_space<vmem>> -> memref<64xi32, #tpu.memory_space<vmem>>
        %dma_start3A_151 = arith.constant 0 : i32
        %dma_start3A_152 = arith.constant 0 : i32
        %dma_start3A_153 = tpu.memref_slice %arg10[%dma_start3A_151, %dma_start3A_152] : memref<10240x128xf32, #tpu.memory_space<vmem_shared>> -> memref<10240x128xf32, #tpu.memory_space<vmem_shared>>
        tpu.enqueue_indirect_dma source(%dma_start3A_147 : memref<64x128xf32, #tpu.memory_space<vmem>>) target(%dma_start3A_153 : memref<10240x128xf32, #tpu.memory_space<vmem_shared>>) offsets(%dma_start3A_150 : memref<64xi32, #tpu.memory_space<vmem>>) semaphore(%run_scoped3A_143 : memref<!tpu.dma_semaphore, #tpu.memory_space<semaphore_mem>>) {add = true}
        %dma_wait3A_154 = arith.constant 0 : i32
        %dma_wait3A_155 = arith.constant 0 : i32
        %dma_wait3A_156 = tpu.memref_slice %arg9[%run_scoped3A_141, %dma_wait3A_154, %dma_wait3A_155] : memref<4x64x128xf32, #tpu.memory_space<vmem>> -> memref<1x64x128xf32, #tpu.memory_space<vmem>>
        %dma_wait3A_157 = tpu.memref_squeeze %dma_wait3A_156 : memref<1x64x128xf32, #tpu.memory_space<vmem>> -> memref<64x128xf32, #tpu.memory_space<vmem>>
        %dma_wait3A_158 = arith.constant 0 : i32
        %dma_wait3A_159 = tpu.memref_slice %arg8[%run_scoped3A_142, %dma_wait3A_158] : memref<40x64xi32, #tpu.memory_space<vmem>> -> memref<1x64xi32, #tpu.memory_space<vmem>>
        %dma_wait3A_160 = tpu.memref_squeeze %dma_wait3A_159 : memref<1x64xi32, #tpu.memory_space<vmem>> -> memref<64xi32, #tpu.memory_space<vmem>>
        %dma_wait3A_161 = arith.constant 0 : i32
        %dma_wait3A_162 = arith.constant 0 : i32
        %dma_wait3A_163 = tpu.memref_slice %arg10[%dma_wait3A_161, %dma_wait3A_162] : memref<10240x128xf32, #tpu.memory_space<vmem_shared>> -> memref<10240x128xf32, #tpu.memory_space<vmem_shared>>
        tpu.wait_indirect_dma semaphore(%run_scoped3A_143 : memref<!tpu.dma_semaphore, #tpu.memory_space<semaphore_mem>>) src(%dma_wait3A_157 : memref<64x128xf32, #tpu.memory_space<vmem>>) dst(%dma_wait3A_163 : memref<10240x128xf32, #tpu.memory_space<vmem_shared>>)
        tpu.yield
      }) : () -> ()
    }
    %scan3A_25 = arith.constant 4 : i32
    %barrier3A_26 = arith.constant 0 : index
    tpu.barrier barrier_id(%barrier3A_26)
    %mul3A_27 = arith.constant 640 : i32
    %mul3A_28 = arith.muli %arg1, %mul3A_27 : i32
    %mul3A_29 = arith.constant 640 : i32
    %mul3A_30 = arith.muli %arg1, %mul3A_29 : i32
    "tpu.region"() ({
      %run_scoped3A = tpu.sem_alloc : memref<!tpu.dma_semaphore, #tpu.memory_space<semaphore_mem>>
      %dma_start3A = arith.constant 0 : i32
      %dma_start3A_31 = tpu.memref_slice %arg6[%arg0, %mul3A_30, %dma_start3A] : memref<2x10240x128xf32, #tpu.memory_space<hbm>> -> memref<1x640x128xf32, #tpu.memory_space<hbm>>
      %dma_start3A_32 = tpu.memref_squeeze %dma_start3A_31 : memref<1x640x128xf32, #tpu.memory_space<hbm>> -> memref<640x128xf32, #tpu.memory_space<hbm>>
      %dma_start3A_33 = arith.constant 0 : i32
      %dma_start3A_34 = tpu.memref_slice %arg10[%mul3A_28, %dma_start3A_33] : memref<10240x128xf32, #tpu.memory_space<vmem_shared>> -> memref<640x128xf32, #tpu.memory_space<vmem_shared>>
      tpu.enqueue_dma source(%dma_start3A_34 : memref<640x128xf32, #tpu.memory_space<vmem_shared>>) target(%dma_start3A_32 : memref<640x128xf32, #tpu.memory_space<hbm>>) target_semaphore(%run_scoped3A : memref<!tpu.dma_semaphore, #tpu.memory_space<semaphore_mem>>)
      %dma_wait3A = arith.constant 0 : i32
      %dma_wait3A_35 = tpu.memref_slice %arg6[%arg0, %mul3A_30, %dma_wait3A] : memref<2x10240x128xf32, #tpu.memory_space<hbm>> -> memref<1x640x128xf32, #tpu.memory_space<hbm>>
      %dma_wait3A_36 = tpu.memref_squeeze %dma_wait3A_35 : memref<1x640x128xf32, #tpu.memory_space<hbm>> -> memref<640x128xf32, #tpu.memory_space<hbm>>
      %dma_wait3A_37 = arith.constant 0 : i32
      %dma_wait3A_38 = tpu.memref_slice %arg10[%mul3A_28, %dma_wait3A_37] : memref<10240x128xf32, #tpu.memory_space<vmem_shared>> -> memref<640x128xf32, #tpu.memory_space<vmem_shared>>
      tpu.wait_dma2 semaphore(%run_scoped3A : memref<!tpu.dma_semaphore, #tpu.memory_space<semaphore_mem>>) src(%dma_wait3A_38 : memref<640x128xf32, #tpu.memory_space<vmem_shared>>) dst(%dma_wait3A_36 : memref<640x128xf32, #tpu.memory_space<hbm>>)
      tpu.yield
    }) : () -> ()
    return
  }
}

#map = affine_map<(d0, d1) -> (0, 0, 0)>
#map1 = affine_map<(d0, d1) -> (0, 0)>
module attributes {stable_mosaic.version = 14 : i64} {
  func.func @agg(%arg0: i32, %arg1: i32, %arg2: memref<32x160x64xi32, #tpu.memory_space<hbm>>, %arg3: memref<32x160x64xi32, #tpu.memory_space<hbm>>, %arg4: memref<10000x128xf32, #tpu.memory_space<hbm>>, %arg5: memref<128x128xf32, #tpu.memory_space<hbm>>, %arg6: memref<2x10240x128xf32, #tpu.memory_space<hbm>>, %arg7: memref<40x64xi32, #tpu.memory_space<vmem>>, %arg8: memref<40x64xi32, #tpu.memory_space<vmem>>, %arg9: memref<4x64x128xf32, #tpu.memory_space<vmem>>, %arg10: memref<10240x128xf32, #tpu.memory_space<vmem_shared>>, %arg11: memref<!tpu.dma_semaphore, #tpu.memory_space<semaphore_mem>>, %arg12: memref<!tpu.dma_semaphore, #tpu.memory_space<semaphore_mem>>, %arg13: memref<!tpu.dma_semaphore, #tpu.memory_space<semaphore_mem>>, %arg14: memref<!tpu.dma_semaphore, #tpu.memory_space<semaphore_mem>>) attributes {dimension_semantics = [#tpu.dimension_semantics<core_parallel>, #tpu.dimension_semantics<subcore_parallel>], iteration_bounds = array<i64: 2, 16>, scalar_prefetch = 0 : i64, scratch_operands = 8 : i64, tpu.core_type = #tpu.core_type<sc_vector_subcore>, window_params = [{transform_indices = #map}, {transform_indices = #map}, {transform_indices = #map1}, {transform_indices = #map1}, {transform_indices = #map}]} {
    %mul3A = arith.constant 16 : i32
    %mul3A_0 = arith.muli %arg0, %mul3A : i32
    %add3A = arith.addi %mul3A_0, %arg1 : i32
    %mul3A_1 = arith.constant 640 : i32
    %mul3A_2 = arith.muli %arg1, %mul3A_1 : i32
    %add3A_3 = arith.constant 0 : i32
    %add3A_4 = arith.addi %mul3A_2, %add3A_3 : i32
    "tpu.region"() ({
      %run_scoped3A = tpu.sem_alloc : memref<!tpu.dma_semaphore, #tpu.memory_space<semaphore_mem>>
      %dma_start3A = arith.constant 0 : i32
      %dma_start3A_31 = tpu.memref_slice %arg10[%add3A_4, %dma_start3A] : memref<10240x128xf32, #tpu.memory_space<vmem_shared>> -> memref<128x128xf32, #tpu.memory_space<vmem_shared>>
      tpu.enqueue_dma source(%arg5 : memref<128x128xf32, #tpu.memory_space<hbm>>) target(%dma_start3A_31 : memref<128x128xf32, #tpu.memory_space<vmem_shared>>) target_semaphore(%run_scoped3A : memref<!tpu.dma_semaphore, #tpu.memory_space<semaphore_mem>>)
      %dma_wait3A = arith.constant 0 : i32
      %dma_wait3A_32 = tpu.memref_slice %arg10[%add3A_4, %dma_wait3A] : memref<10240x128xf32, #tpu.memory_space<vmem_shared>> -> memref<128x128xf32, #tpu.memory_space<vmem_shared>>
      tpu.wait_dma2 semaphore(%run_scoped3A : memref<!tpu.dma_semaphore, #tpu.memory_space<semaphore_mem>>) src(%arg5 : memref<128x128xf32, #tpu.memory_space<hbm>>) dst(%dma_wait3A_32 : memref<128x128xf32, #tpu.memory_space<vmem_shared>>)
      tpu.yield
    }) : () -> ()
    %mul3A_5 = arith.constant 640 : i32
    %mul3A_6 = arith.muli %arg1, %mul3A_5 : i32
    %add3A_7 = arith.constant 128 : i32
    %add3A_8 = arith.addi %mul3A_6, %add3A_7 : i32
    "tpu.region"() ({
      %run_scoped3A = tpu.sem_alloc : memref<!tpu.dma_semaphore, #tpu.memory_space<semaphore_mem>>
      %dma_start3A = arith.constant 0 : i32
      %dma_start3A_31 = tpu.memref_slice %arg10[%add3A_8, %dma_start3A] : memref<10240x128xf32, #tpu.memory_space<vmem_shared>> -> memref<128x128xf32, #tpu.memory_space<vmem_shared>>
      tpu.enqueue_dma source(%arg5 : memref<128x128xf32, #tpu.memory_space<hbm>>) target(%dma_start3A_31 : memref<128x128xf32, #tpu.memory_space<vmem_shared>>) target_semaphore(%run_scoped3A : memref<!tpu.dma_semaphore, #tpu.memory_space<semaphore_mem>>)
      %dma_wait3A = arith.constant 0 : i32
      %dma_wait3A_32 = tpu.memref_slice %arg10[%add3A_8, %dma_wait3A] : memref<10240x128xf32, #tpu.memory_space<vmem_shared>> -> memref<128x128xf32, #tpu.memory_space<vmem_shared>>
      tpu.wait_dma2 semaphore(%run_scoped3A : memref<!tpu.dma_semaphore, #tpu.memory_space<semaphore_mem>>) src(%arg5 : memref<128x128xf32, #tpu.memory_space<hbm>>) dst(%dma_wait3A_32 : memref<128x128xf32, #tpu.memory_space<vmem_shared>>)
      tpu.yield
    }) : () -> ()
    %mul3A_9 = arith.constant 640 : i32
    %mul3A_10 = arith.muli %arg1, %mul3A_9 : i32
    %add3A_11 = arith.constant 256 : i32
    %add3A_12 = arith.addi %mul3A_10, %add3A_11 : i32
    "tpu.region"() ({
      %run_scoped3A = tpu.sem_alloc : memref<!tpu.dma_semaphore, #tpu.memory_space<semaphore_mem>>
      %dma_start3A = arith.constant 0 : i32
      %dma_start3A_31 = tpu.memref_slice %arg10[%add3A_12, %dma_start3A] : memref<10240x128xf32, #tpu.memory_space<vmem_shared>> -> memref<128x128xf32, #tpu.memory_space<vmem_shared>>
      tpu.enqueue_dma source(%arg5 : memref<128x128xf32, #tpu.memory_space<hbm>>) target(%dma_start3A_31 : memref<128x128xf32, #tpu.memory_space<vmem_shared>>) target_semaphore(%run_scoped3A : memref<!tpu.dma_semaphore, #tpu.memory_space<semaphore_mem>>)
      %dma_wait3A = arith.constant 0 : i32
      %dma_wait3A_32 = tpu.memref_slice %arg10[%add3A_12, %dma_wait3A] : memref<10240x128xf32, #tpu.memory_space<vmem_shared>> -> memref<128x128xf32, #tpu.memory_space<vmem_shared>>
      tpu.wait_dma2 semaphore(%run_scoped3A : memref<!tpu.dma_semaphore, #tpu.memory_space<semaphore_mem>>) src(%arg5 : memref<128x128xf32, #tpu.memory_space<hbm>>) dst(%dma_wait3A_32 : memref<128x128xf32, #tpu.memory_space<vmem_shared>>)
      tpu.yield
    }) : () -> ()
    %mul3A_13 = arith.constant 640 : i32
    %mul3A_14 = arith.muli %arg1, %mul3A_13 : i32
    %add3A_15 = arith.constant 384 : i32
    %add3A_16 = arith.addi %mul3A_14, %add3A_15 : i32
    "tpu.region"() ({
      %run_scoped3A = tpu.sem_alloc : memref<!tpu.dma_semaphore, #tpu.memory_space<semaphore_mem>>
      %dma_start3A = arith.constant 0 : i32
      %dma_start3A_31 = tpu.memref_slice %arg10[%add3A_16, %dma_start3A] : memref<10240x128xf32, #tpu.memory_space<vmem_shared>> -> memref<128x128xf32, #tpu.memory_space<vmem_shared>>
      tpu.enqueue_dma source(%arg5 : memref<128x128xf32, #tpu.memory_space<hbm>>) target(%dma_start3A_31 : memref<128x128xf32, #tpu.memory_space<vmem_shared>>) target_semaphore(%run_scoped3A : memref<!tpu.dma_semaphore, #tpu.memory_space<semaphore_mem>>)
      %dma_wait3A = arith.constant 0 : i32
      %dma_wait3A_32 = tpu.memref_slice %arg10[%add3A_16, %dma_wait3A] : memref<10240x128xf32, #tpu.memory_space<vmem_shared>> -> memref<128x128xf32, #tpu.memory_space<vmem_shared>>
      tpu.wait_dma2 semaphore(%run_scoped3A : memref<!tpu.dma_semaphore, #tpu.memory_space<semaphore_mem>>) src(%arg5 : memref<128x128xf32, #tpu.memory_space<hbm>>) dst(%dma_wait3A_32 : memref<128x128xf32, #tpu.memory_space<vmem_shared>>)
      tpu.yield
    }) : () -> ()
    %mul3A_17 = arith.constant 640 : i32
    %mul3A_18 = arith.muli %arg1, %mul3A_17 : i32
    %add3A_19 = arith.constant 512 : i32
    %add3A_20 = arith.addi %mul3A_18, %add3A_19 : i32
    "tpu.region"() ({
      %run_scoped3A = tpu.sem_alloc : memref<!tpu.dma_semaphore, #tpu.memory_space<semaphore_mem>>
      %dma_start3A = arith.constant 0 : i32
      %dma_start3A_31 = tpu.memref_slice %arg10[%add3A_20, %dma_start3A] : memref<10240x128xf32, #tpu.memory_space<vmem_shared>> -> memref<128x128xf32, #tpu.memory_space<vmem_shared>>
      tpu.enqueue_dma source(%arg5 : memref<128x128xf32, #tpu.memory_space<hbm>>) target(%dma_start3A_31 : memref<128x128xf32, #tpu.memory_space<vmem_shared>>) target_semaphore(%run_scoped3A : memref<!tpu.dma_semaphore, #tpu.memory_space<semaphore_mem>>)
      %dma_wait3A = arith.constant 0 : i32
      %dma_wait3A_32 = tpu.memref_slice %arg10[%add3A_20, %dma_wait3A] : memref<10240x128xf32, #tpu.memory_space<vmem_shared>> -> memref<128x128xf32, #tpu.memory_space<vmem_shared>>
      tpu.wait_dma2 semaphore(%run_scoped3A : memref<!tpu.dma_semaphore, #tpu.memory_space<semaphore_mem>>) src(%arg5 : memref<128x128xf32, #tpu.memory_space<hbm>>) dst(%dma_wait3A_32 : memref<128x128xf32, #tpu.memory_space<vmem_shared>>)
      tpu.yield
    }) : () -> ()
    %barrier3A = arith.constant 0 : index
    tpu.barrier barrier_id(%barrier3A)
    %scan3A = arith.constant 0 : i32
    %scan3A_21 = arith.constant 0 : i32
    %scan3A_22 = arith.constant 4 : i32
    %scan3A_23 = arith.addi %scan3A_21, %scan3A_22 : i32
    %scan3A_24 = arith.constant 1 : i32
    scf.for %scan3A_31 = %scan3A_21 to %scan3A_23 step %scan3A_24  : i32 {
      %mul3A_32 = arith.constant 40 : i32
      %mul3A_33 = arith.muli %scan3A_31, %mul3A_32 : i32
      "tpu.region"() ({
        %run_scoped3A_143 = tpu.sem_alloc : memref<!tpu.dma_semaphore, #tpu.memory_space<semaphore_mem>>
        %dma_start3A_144 = arith.constant 0 : i32
        %dma_start3A_145 = arith.constant 0 : i32
        %dma_start3A_146 = tpu.memref_slice %arg2[%add3A, %dma_start3A_144, %dma_start3A_145] : memref<32x160x64xi32, #tpu.memory_space<hbm>> -> memref<1x160x64xi32, #tpu.memory_space<hbm>>
        %dma_start3A_147 = tpu.memref_squeeze %dma_start3A_146 : memref<1x160x64xi32, #tpu.memory_space<hbm>> -> memref<160x64xi32, #tpu.memory_space<hbm>>
        %dma_start3A_148 = arith.constant 0 : i32
        %dma_start3A_149 = tpu.memref_slice %dma_start3A_147[%mul3A_33, %dma_start3A_148] : memref<160x64xi32, #tpu.memory_space<hbm>> -> memref<40x64xi32, #tpu.memory_space<hbm>>
        %dma_start3A_150 = arith.constant 0 : i32
        %dma_start3A_151 = arith.constant 0 : i32
        %dma_start3A_152 = tpu.memref_slice %arg2[%add3A, %dma_start3A_150, %dma_start3A_151] : memref<32x160x64xi32, #tpu.memory_space<hbm>> -> memref<1x160x64xi32, #tpu.memory_space<hbm>>
        %dma_start3A_153 = tpu.memref_squeeze %dma_start3A_152 : memref<1x160x64xi32, #tpu.memory_space<hbm>> -> memref<160x64xi32, #tpu.memory_space<hbm>>
        %dma_start3A_154 = arith.constant 0 : i32
        %dma_start3A_155 = tpu.memref_slice %dma_start3A_153[%mul3A_33, %dma_start3A_154] : memref<160x64xi32, #tpu.memory_space<hbm>> -> memref<40x64xi32, #tpu.memory_space<hbm>>
        tpu.enqueue_dma source(%dma_start3A_155 : memref<40x64xi32, #tpu.memory_space<hbm>>) target(%arg7 : memref<40x64xi32, #tpu.memory_space<vmem>>) target_semaphore(%run_scoped3A_143 : memref<!tpu.dma_semaphore, #tpu.memory_space<semaphore_mem>>)
        %dma_wait3A_156 = arith.constant 0 : i32
        %dma_wait3A_157 = arith.constant 0 : i32
        %dma_wait3A_158 = tpu.memref_slice %arg2[%add3A, %dma_wait3A_156, %dma_wait3A_157] : memref<32x160x64xi32, #tpu.memory_space<hbm>> -> memref<1x160x64xi32, #tpu.memory_space<hbm>>
        %dma_wait3A_159 = tpu.memref_squeeze %dma_wait3A_158 : memref<1x160x64xi32, #tpu.memory_space<hbm>> -> memref<160x64xi32, #tpu.memory_space<hbm>>
        %dma_wait3A_160 = arith.constant 0 : i32
        %dma_wait3A_161 = tpu.memref_slice %dma_wait3A_159[%mul3A_33, %dma_wait3A_160] : memref<160x64xi32, #tpu.memory_space<hbm>> -> memref<40x64xi32, #tpu.memory_space<hbm>>
        %dma_wait3A_162 = arith.constant 0 : i32
        %dma_wait3A_163 = arith.constant 0 : i32
        %dma_wait3A_164 = tpu.memref_slice %arg2[%add3A, %dma_wait3A_162, %dma_wait3A_163] : memref<32x160x64xi32, #tpu.memory_space<hbm>> -> memref<1x160x64xi32, #tpu.memory_space<hbm>>
        %dma_wait3A_165 = tpu.memref_squeeze %dma_wait3A_164 : memref<1x160x64xi32, #tpu.memory_space<hbm>> -> memref<160x64xi32, #tpu.memory_space<hbm>>
        %dma_wait3A_166 = arith.constant 0 : i32
        %dma_wait3A_167 = tpu.memref_slice %dma_wait3A_165[%mul3A_33, %dma_wait3A_166] : memref<160x64xi32, #tpu.memory_space<hbm>> -> memref<40x64xi32, #tpu.memory_space<hbm>>
        tpu.wait_dma2 semaphore(%run_scoped3A_143 : memref<!tpu.dma_semaphore, #tpu.memory_space<semaphore_mem>>) src(%dma_wait3A_167 : memref<40x64xi32, #tpu.memory_space<hbm>>) dst(%arg7 : memref<40x64xi32, #tpu.memory_space<vmem>>)
        tpu.yield
      }) : () -> ()
      %mul3A_34 = arith.constant 40 : i32
      %mul3A_35 = arith.muli %scan3A_31, %mul3A_34 : i32
      "tpu.region"() ({
        %run_scoped3A_143 = tpu.sem_alloc : memref<!tpu.dma_semaphore, #tpu.memory_space<semaphore_mem>>
        %dma_start3A_144 = arith.constant 0 : i32
        %dma_start3A_145 = arith.constant 0 : i32
        %dma_start3A_146 = tpu.memref_slice %arg3[%add3A, %dma_start3A_144, %dma_start3A_145] : memref<32x160x64xi32, #tpu.memory_space<hbm>> -> memref<1x160x64xi32, #tpu.memory_space<hbm>>
        %dma_start3A_147 = tpu.memref_squeeze %dma_start3A_146 : memref<1x160x64xi32, #tpu.memory_space<hbm>> -> memref<160x64xi32, #tpu.memory_space<hbm>>
        %dma_start3A_148 = arith.constant 0 : i32
        %dma_start3A_149 = tpu.memref_slice %dma_start3A_147[%mul3A_35, %dma_start3A_148] : memref<160x64xi32, #tpu.memory_space<hbm>> -> memref<40x64xi32, #tpu.memory_space<hbm>>
        %dma_start3A_150 = arith.constant 0 : i32
        %dma_start3A_151 = arith.constant 0 : i32
        %dma_start3A_152 = tpu.memref_slice %arg3[%add3A, %dma_start3A_150, %dma_start3A_151] : memref<32x160x64xi32, #tpu.memory_space<hbm>> -> memref<1x160x64xi32, #tpu.memory_space<hbm>>
        %dma_start3A_153 = tpu.memref_squeeze %dma_start3A_152 : memref<1x160x64xi32, #tpu.memory_space<hbm>> -> memref<160x64xi32, #tpu.memory_space<hbm>>
        %dma_start3A_154 = arith.constant 0 : i32
        %dma_start3A_155 = tpu.memref_slice %dma_start3A_153[%mul3A_35, %dma_start3A_154] : memref<160x64xi32, #tpu.memory_space<hbm>> -> memref<40x64xi32, #tpu.memory_space<hbm>>
        tpu.enqueue_dma source(%dma_start3A_155 : memref<40x64xi32, #tpu.memory_space<hbm>>) target(%arg8 : memref<40x64xi32, #tpu.memory_space<vmem>>) target_semaphore(%run_scoped3A_143 : memref<!tpu.dma_semaphore, #tpu.memory_space<semaphore_mem>>)
        %dma_wait3A_156 = arith.constant 0 : i32
        %dma_wait3A_157 = arith.constant 0 : i32
        %dma_wait3A_158 = tpu.memref_slice %arg3[%add3A, %dma_wait3A_156, %dma_wait3A_157] : memref<32x160x64xi32, #tpu.memory_space<hbm>> -> memref<1x160x64xi32, #tpu.memory_space<hbm>>
        %dma_wait3A_159 = tpu.memref_squeeze %dma_wait3A_158 : memref<1x160x64xi32, #tpu.memory_space<hbm>> -> memref<160x64xi32, #tpu.memory_space<hbm>>
        %dma_wait3A_160 = arith.constant 0 : i32
        %dma_wait3A_161 = tpu.memref_slice %dma_wait3A_159[%mul3A_35, %dma_wait3A_160] : memref<160x64xi32, #tpu.memory_space<hbm>> -> memref<40x64xi32, #tpu.memory_space<hbm>>
        %dma_wait3A_162 = arith.constant 0 : i32
        %dma_wait3A_163 = arith.constant 0 : i32
        %dma_wait3A_164 = tpu.memref_slice %arg3[%add3A, %dma_wait3A_162, %dma_wait3A_163] : memref<32x160x64xi32, #tpu.memory_space<hbm>> -> memref<1x160x64xi32, #tpu.memory_space<hbm>>
        %dma_wait3A_165 = tpu.memref_squeeze %dma_wait3A_164 : memref<1x160x64xi32, #tpu.memory_space<hbm>> -> memref<160x64xi32, #tpu.memory_space<hbm>>
        %dma_wait3A_166 = arith.constant 0 : i32
        %dma_wait3A_167 = tpu.memref_slice %dma_wait3A_165[%mul3A_35, %dma_wait3A_166] : memref<160x64xi32, #tpu.memory_space<hbm>> -> memref<40x64xi32, #tpu.memory_space<hbm>>
        tpu.wait_dma2 semaphore(%run_scoped3A_143 : memref<!tpu.dma_semaphore, #tpu.memory_space<semaphore_mem>>) src(%dma_wait3A_167 : memref<40x64xi32, #tpu.memory_space<hbm>>) dst(%arg8 : memref<40x64xi32, #tpu.memory_space<vmem>>)
        tpu.yield
      }) : () -> ()
      %dma_start3A = arith.constant 0 : i32
      %dma_start3A_36 = arith.constant 0 : i32
      %dma_start3A_37 = arith.constant 0 : i32
      %dma_start3A_38 = arith.constant 0 : i32
      %dma_start3A_39 = tpu.memref_slice %arg9[%dma_start3A_36, %dma_start3A_37, %dma_start3A_38] : memref<4x64x128xf32, #tpu.memory_space<vmem>> -> memref<1x64x128xf32, #tpu.memory_space<vmem>>
      %dma_start3A_40 = tpu.memref_squeeze %dma_start3A_39 : memref<1x64x128xf32, #tpu.memory_space<vmem>> -> memref<64x128xf32, #tpu.memory_space<vmem>>
      %dma_start3A_41 = arith.constant 0 : i32
      %dma_start3A_42 = tpu.memref_slice %arg7[%dma_start3A, %dma_start3A_41] : memref<40x64xi32, #tpu.memory_space<vmem>> -> memref<1x64xi32, #tpu.memory_space<vmem>>
      %dma_start3A_43 = tpu.memref_squeeze %dma_start3A_42 : memref<1x64xi32, #tpu.memory_space<vmem>> -> memref<64xi32, #tpu.memory_space<vmem>>
      %dma_start3A_44 = arith.constant 0 : i32
      %dma_start3A_45 = arith.constant 0 : i32
      %dma_start3A_46 = tpu.memref_slice %arg4[%dma_start3A_44, %dma_start3A_45] : memref<10000x128xf32, #tpu.memory_space<hbm>> -> memref<10000x128xf32, #tpu.memory_space<hbm>>
      tpu.enqueue_indirect_dma source(%dma_start3A_46 : memref<10000x128xf32, #tpu.memory_space<hbm>>) target(%dma_start3A_40 : memref<64x128xf32, #tpu.memory_space<vmem>>) offsets(%dma_start3A_43 : memref<64xi32, #tpu.memory_space<vmem>>) semaphore(%arg11 : memref<!tpu.dma_semaphore, #tpu.memory_space<semaphore_mem>>)
      %dma_start3A_47 = arith.constant 1 : i32
      %dma_start3A_48 = arith.constant 1 : i32
      %dma_start3A_49 = arith.constant 0 : i32
      %dma_start3A_50 = arith.constant 0 : i32
      %dma_start3A_51 = tpu.memref_slice %arg9[%dma_start3A_48, %dma_start3A_49, %dma_start3A_50] : memref<4x64x128xf32, #tpu.memory_space<vmem>> -> memref<1x64x128xf32, #tpu.memory_space<vmem>>
      %dma_start3A_52 = tpu.memref_squeeze %dma_start3A_51 : memref<1x64x128xf32, #tpu.memory_space<vmem>> -> memref<64x128xf32, #tpu.memory_space<vmem>>
      %dma_start3A_53 = arith.constant 0 : i32
      %dma_start3A_54 = tpu.memref_slice %arg7[%dma_start3A_47, %dma_start3A_53] : memref<40x64xi32, #tpu.memory_space<vmem>> -> memref<1x64xi32, #tpu.memory_space<vmem>>
      %dma_start3A_55 = tpu.memref_squeeze %dma_start3A_54 : memref<1x64xi32, #tpu.memory_space<vmem>> -> memref<64xi32, #tpu.memory_space<vmem>>
      %dma_start3A_56 = arith.constant 0 : i32
      %dma_start3A_57 = arith.constant 0 : i32
      %dma_start3A_58 = tpu.memref_slice %arg4[%dma_start3A_56, %dma_start3A_57] : memref<10000x128xf32, #tpu.memory_space<hbm>> -> memref<10000x128xf32, #tpu.memory_space<hbm>>
      tpu.enqueue_indirect_dma source(%dma_start3A_58 : memref<10000x128xf32, #tpu.memory_space<hbm>>) target(%dma_start3A_52 : memref<64x128xf32, #tpu.memory_space<vmem>>) offsets(%dma_start3A_55 : memref<64xi32, #tpu.memory_space<vmem>>) semaphore(%arg12 : memref<!tpu.dma_semaphore, #tpu.memory_space<semaphore_mem>>)
      %dma_start3A_59 = arith.constant 2 : i32
      %dma_start3A_60 = arith.constant 2 : i32
      %dma_start3A_61 = arith.constant 0 : i32
      %dma_start3A_62 = arith.constant 0 : i32
      %dma_start3A_63 = tpu.memref_slice %arg9[%dma_start3A_60, %dma_start3A_61, %dma_start3A_62] : memref<4x64x128xf32, #tpu.memory_space<vmem>> -> memref<1x64x128xf32, #tpu.memory_space<vmem>>
      %dma_start3A_64 = tpu.memref_squeeze %dma_start3A_63 : memref<1x64x128xf32, #tpu.memory_space<vmem>> -> memref<64x128xf32, #tpu.memory_space<vmem>>
      %dma_start3A_65 = arith.constant 0 : i32
      %dma_start3A_66 = tpu.memref_slice %arg7[%dma_start3A_59, %dma_start3A_65] : memref<40x64xi32, #tpu.memory_space<vmem>> -> memref<1x64xi32, #tpu.memory_space<vmem>>
      %dma_start3A_67 = tpu.memref_squeeze %dma_start3A_66 : memref<1x64xi32, #tpu.memory_space<vmem>> -> memref<64xi32, #tpu.memory_space<vmem>>
      %dma_start3A_68 = arith.constant 0 : i32
      %dma_start3A_69 = arith.constant 0 : i32
      %dma_start3A_70 = tpu.memref_slice %arg4[%dma_start3A_68, %dma_start3A_69] : memref<10000x128xf32, #tpu.memory_space<hbm>> -> memref<10000x128xf32, #tpu.memory_space<hbm>>
      tpu.enqueue_indirect_dma source(%dma_start3A_70 : memref<10000x128xf32, #tpu.memory_space<hbm>>) target(%dma_start3A_64 : memref<64x128xf32, #tpu.memory_space<vmem>>) offsets(%dma_start3A_67 : memref<64xi32, #tpu.memory_space<vmem>>) semaphore(%arg13 : memref<!tpu.dma_semaphore, #tpu.memory_space<semaphore_mem>>)
      %dma_start3A_71 = arith.constant 3 : i32
      %dma_start3A_72 = arith.constant 3 : i32
      %dma_start3A_73 = arith.constant 0 : i32
      %dma_start3A_74 = arith.constant 0 : i32
      %dma_start3A_75 = tpu.memref_slice %arg9[%dma_start3A_72, %dma_start3A_73, %dma_start3A_74] : memref<4x64x128xf32, #tpu.memory_space<vmem>> -> memref<1x64x128xf32, #tpu.memory_space<vmem>>
      %dma_start3A_76 = tpu.memref_squeeze %dma_start3A_75 : memref<1x64x128xf32, #tpu.memory_space<vmem>> -> memref<64x128xf32, #tpu.memory_space<vmem>>
      %dma_start3A_77 = arith.constant 0 : i32
      %dma_start3A_78 = tpu.memref_slice %arg7[%dma_start3A_71, %dma_start3A_77] : memref<40x64xi32, #tpu.memory_space<vmem>> -> memref<1x64xi32, #tpu.memory_space<vmem>>
      %dma_start3A_79 = tpu.memref_squeeze %dma_start3A_78 : memref<1x64xi32, #tpu.memory_space<vmem>> -> memref<64xi32, #tpu.memory_space<vmem>>
      %dma_start3A_80 = arith.constant 0 : i32
      %dma_start3A_81 = arith.constant 0 : i32
      %dma_start3A_82 = tpu.memref_slice %arg4[%dma_start3A_80, %dma_start3A_81] : memref<10000x128xf32, #tpu.memory_space<hbm>> -> memref<10000x128xf32, #tpu.memory_space<hbm>>
      tpu.enqueue_indirect_dma source(%dma_start3A_82 : memref<10000x128xf32, #tpu.memory_space<hbm>>) target(%dma_start3A_76 : memref<64x128xf32, #tpu.memory_space<vmem>>) offsets(%dma_start3A_79 : memref<64xi32, #tpu.memory_space<vmem>>) semaphore(%arg14 : memref<!tpu.dma_semaphore, #tpu.memory_space<semaphore_mem>>)
      %scan3A_83 = arith.constant 0 : i32
      %scan3A_84 = arith.constant 0 : i32
      %scan3A_85 = arith.constant 9 : i32
      %scan3A_86 = arith.addi %scan3A_84, %scan3A_85 : i32
      %scan3A_87 = arith.constant 1 : i32
      scf.for %scan3A_143 = %scan3A_84 to %scan3A_86 step %scan3A_87  : i32 {
        %mul3A_144 = arith.constant 4 : i32
        %mul3A_145 = arith.muli %mul3A_144, %scan3A_143 : i32
        %dma_wait3A_146 = arith.constant 0 : i32
        %dma_wait3A_147 = arith.constant 0 : i32
        %dma_wait3A_148 = arith.constant 0 : i32
        %dma_wait3A_149 = arith.constant 0 : i32
        %dma_wait3A_150 = tpu.memref_slice %arg9[%dma_wait3A_147, %dma_wait3A_148, %dma_wait3A_149] : memref<4x64x128xf32, #tpu.memory_space<vmem>> -> memref<1x64x128xf32, #tpu.memory_space<vmem>>
        %dma_wait3A_151 = tpu.memref_squeeze %dma_wait3A_150 : memref<1x64x128xf32, #tpu.memory_space<vmem>> -> memref<64x128xf32, #tpu.memory_space<vmem>>
        %dma_wait3A_152 = arith.constant 0 : i32
        %dma_wait3A_153 = tpu.memref_slice %arg7[%dma_wait3A_146, %dma_wait3A_152] : memref<40x64xi32, #tpu.memory_space<vmem>> -> memref<1x64xi32, #tpu.memory_space<vmem>>
        %dma_wait3A_154 = tpu.memref_squeeze %dma_wait3A_153 : memref<1x64xi32, #tpu.memory_space<vmem>> -> memref<64xi32, #tpu.memory_space<vmem>>
        %dma_wait3A_155 = arith.constant 0 : i32
        %dma_wait3A_156 = arith.constant 0 : i32
        %dma_wait3A_157 = tpu.memref_slice %arg4[%dma_wait3A_155, %dma_wait3A_156] : memref<10000x128xf32, #tpu.memory_space<hbm>> -> memref<10000x128xf32, #tpu.memory_space<hbm>>
        tpu.wait_indirect_dma semaphore(%arg11 : memref<!tpu.dma_semaphore, #tpu.memory_space<semaphore_mem>>) src(%dma_wait3A_157 : memref<10000x128xf32, #tpu.memory_space<hbm>>) dst(%dma_wait3A_151 : memref<64x128xf32, #tpu.memory_space<vmem>>)
        %add3A_158 = arith.constant 0 : i32
        %add3A_159 = arith.addi %mul3A_145, %add3A_158 : i32
        %run_scoped3A_160 = arith.constant 0 : i32
        "tpu.region"() ({
          %run_scoped3A_266 = tpu.sem_alloc : memref<!tpu.dma_semaphore, #tpu.memory_space<semaphore_mem>>
          %dma_start3A_267 = arith.constant 0 : i32
          %dma_start3A_268 = arith.constant 0 : i32
          %dma_start3A_269 = tpu.memref_slice %arg9[%run_scoped3A_160, %dma_start3A_267, %dma_start3A_268] : memref<4x64x128xf32, #tpu.memory_space<vmem>> -> memref<1x64x128xf32, #tpu.memory_space<vmem>>
          %dma_start3A_270 = tpu.memref_squeeze %dma_start3A_269 : memref<1x64x128xf32, #tpu.memory_space<vmem>> -> memref<64x128xf32, #tpu.memory_space<vmem>>
          %dma_start3A_271 = arith.constant 0 : i32
          %dma_start3A_272 = tpu.memref_slice %arg8[%add3A_159, %dma_start3A_271] : memref<40x64xi32, #tpu.memory_space<vmem>> -> memref<1x64xi32, #tpu.memory_space<vmem>>
          %dma_start3A_273 = tpu.memref_squeeze %dma_start3A_272 : memref<1x64xi32, #tpu.memory_space<vmem>> -> memref<64xi32, #tpu.memory_space<vmem>>
          %dma_start3A_274 = arith.constant 0 : i32
          %dma_start3A_275 = arith.constant 0 : i32
          %dma_start3A_276 = tpu.memref_slice %arg10[%dma_start3A_274, %dma_start3A_275] : memref<10240x128xf32, #tpu.memory_space<vmem_shared>> -> memref<10240x128xf32, #tpu.memory_space<vmem_shared>>
          tpu.enqueue_indirect_dma source(%dma_start3A_270 : memref<64x128xf32, #tpu.memory_space<vmem>>) target(%dma_start3A_276 : memref<10240x128xf32, #tpu.memory_space<vmem_shared>>) offsets(%dma_start3A_273 : memref<64xi32, #tpu.memory_space<vmem>>) semaphore(%run_scoped3A_266 : memref<!tpu.dma_semaphore, #tpu.memory_space<semaphore_mem>>) {add = true}
          %dma_wait3A_277 = arith.constant 0 : i32
          %dma_wait3A_278 = arith.constant 0 : i32
          %dma_wait3A_279 = tpu.memref_slice %arg9[%run_scoped3A_160, %dma_wait3A_277, %dma_wait3A_278] : memref<4x64x128xf32, #tpu.memory_space<vmem>> -> memref<1x64x128xf32, #tpu.memory_space<vmem>>
          %dma_wait3A_280 = tpu.memref_squeeze %dma_wait3A_279 : memref<1x64x128xf32, #tpu.memory_space<vmem>> -> memref<64x128xf32, #tpu.memory_space<vmem>>
          %dma_wait3A_281 = arith.constant 0 : i32
          %dma_wait3A_282 = tpu.memref_slice %arg8[%add3A_159, %dma_wait3A_281] : memref<40x64xi32, #tpu.memory_space<vmem>> -> memref<1x64xi32, #tpu.memory_space<vmem>>
          %dma_wait3A_283 = tpu.memref_squeeze %dma_wait3A_282 : memref<1x64xi32, #tpu.memory_space<vmem>> -> memref<64xi32, #tpu.memory_space<vmem>>
          %dma_wait3A_284 = arith.constant 0 : i32
          %dma_wait3A_285 = arith.constant 0 : i32
          %dma_wait3A_286 = tpu.memref_slice %arg10[%dma_wait3A_284, %dma_wait3A_285] : memref<10240x128xf32, #tpu.memory_space<vmem_shared>> -> memref<10240x128xf32, #tpu.memory_space<vmem_shared>>
          tpu.wait_indirect_dma semaphore(%run_scoped3A_266 : memref<!tpu.dma_semaphore, #tpu.memory_space<semaphore_mem>>) src(%dma_wait3A_280 : memref<64x128xf32, #tpu.memory_space<vmem>>) dst(%dma_wait3A_286 : memref<10240x128xf32, #tpu.memory_space<vmem_shared>>)
          tpu.yield
        }) : () -> ()
        %add3A_161 = arith.constant 0 : i32
        %add3A_162 = arith.addi %mul3A_145, %add3A_161 : i32
        %add3A_163 = arith.constant 4 : i32
        %add3A_164 = arith.addi %add3A_162, %add3A_163 : i32
        %dma_start3A_165 = arith.constant 0 : i32
        %dma_start3A_166 = arith.constant 0 : i32
        %dma_start3A_167 = arith.constant 0 : i32
        %dma_start3A_168 = tpu.memref_slice %arg9[%dma_start3A_165, %dma_start3A_166, %dma_start3A_167] : memref<4x64x128xf32, #tpu.memory_space<vmem>> -> memref<1x64x128xf32, #tpu.memory_space<vmem>>
        %dma_start3A_169 = tpu.memref_squeeze %dma_start3A_168 : memref<1x64x128xf32, #tpu.memory_space<vmem>> -> memref<64x128xf32, #tpu.memory_space<vmem>>
        %dma_start3A_170 = arith.constant 0 : i32
        %dma_start3A_171 = tpu.memref_slice %arg7[%add3A_164, %dma_start3A_170] : memref<40x64xi32, #tpu.memory_space<vmem>> -> memref<1x64xi32, #tpu.memory_space<vmem>>
        %dma_start3A_172 = tpu.memref_squeeze %dma_start3A_171 : memref<1x64xi32, #tpu.memory_space<vmem>> -> memref<64xi32, #tpu.memory_space<vmem>>
        %dma_start3A_173 = arith.constant 0 : i32
        %dma_start3A_174 = arith.constant 0 : i32
        %dma_start3A_175 = tpu.memref_slice %arg4[%dma_start3A_173, %dma_start3A_174] : memref<10000x128xf32, #tpu.memory_space<hbm>> -> memref<10000x128xf32, #tpu.memory_space<hbm>>
        tpu.enqueue_indirect_dma source(%dma_start3A_175 : memref<10000x128xf32, #tpu.memory_space<hbm>>) target(%dma_start3A_169 : memref<64x128xf32, #tpu.memory_space<vmem>>) offsets(%dma_start3A_172 : memref<64xi32, #tpu.memory_space<vmem>>) semaphore(%arg11 : memref<!tpu.dma_semaphore, #tpu.memory_space<semaphore_mem>>)
        %dma_wait3A_176 = arith.constant 0 : i32
        %dma_wait3A_177 = arith.constant 1 : i32
        %dma_wait3A_178 = arith.constant 0 : i32
        %dma_wait3A_179 = arith.constant 0 : i32
        %dma_wait3A_180 = tpu.memref_slice %arg9[%dma_wait3A_177, %dma_wait3A_178, %dma_wait3A_179] : memref<4x64x128xf32, #tpu.memory_space<vmem>> -> memref<1x64x128xf32, #tpu.memory_space<vmem>>
        %dma_wait3A_181 = tpu.memref_squeeze %dma_wait3A_180 : memref<1x64x128xf32, #tpu.memory_space<vmem>> -> memref<64x128xf32, #tpu.memory_space<vmem>>
        %dma_wait3A_182 = arith.constant 0 : i32
        %dma_wait3A_183 = tpu.memref_slice %arg7[%dma_wait3A_176, %dma_wait3A_182] : memref<40x64xi32, #tpu.memory_space<vmem>> -> memref<1x64xi32, #tpu.memory_space<vmem>>
        %dma_wait3A_184 = tpu.memref_squeeze %dma_wait3A_183 : memref<1x64xi32, #tpu.memory_space<vmem>> -> memref<64xi32, #tpu.memory_space<vmem>>
        %dma_wait3A_185 = arith.constant 0 : i32
        %dma_wait3A_186 = arith.constant 0 : i32
        %dma_wait3A_187 = tpu.memref_slice %arg4[%dma_wait3A_185, %dma_wait3A_186] : memref<10000x128xf32, #tpu.memory_space<hbm>> -> memref<10000x128xf32, #tpu.memory_space<hbm>>
        tpu.wait_indirect_dma semaphore(%arg12 : memref<!tpu.dma_semaphore, #tpu.memory_space<semaphore_mem>>) src(%dma_wait3A_187 : memref<10000x128xf32, #tpu.memory_space<hbm>>) dst(%dma_wait3A_181 : memref<64x128xf32, #tpu.memory_space<vmem>>)
        %add3A_188 = arith.constant 1 : i32
        %add3A_189 = arith.addi %mul3A_145, %add3A_188 : i32
        %run_scoped3A_190 = arith.constant 1 : i32
        "tpu.region"() ({
          %run_scoped3A_266 = tpu.sem_alloc : memref<!tpu.dma_semaphore, #tpu.memory_space<semaphore_mem>>
          %dma_start3A_267 = arith.constant 0 : i32
          %dma_start3A_268 = arith.constant 0 : i32
          %dma_start3A_269 = tpu.memref_slice %arg9[%run_scoped3A_190, %dma_start3A_267, %dma_start3A_268] : memref<4x64x128xf32, #tpu.memory_space<vmem>> -> memref<1x64x128xf32, #tpu.memory_space<vmem>>
          %dma_start3A_270 = tpu.memref_squeeze %dma_start3A_269 : memref<1x64x128xf32, #tpu.memory_space<vmem>> -> memref<64x128xf32, #tpu.memory_space<vmem>>
          %dma_start3A_271 = arith.constant 0 : i32
          %dma_start3A_272 = tpu.memref_slice %arg8[%add3A_189, %dma_start3A_271] : memref<40x64xi32, #tpu.memory_space<vmem>> -> memref<1x64xi32, #tpu.memory_space<vmem>>
          %dma_start3A_273 = tpu.memref_squeeze %dma_start3A_272 : memref<1x64xi32, #tpu.memory_space<vmem>> -> memref<64xi32, #tpu.memory_space<vmem>>
          %dma_start3A_274 = arith.constant 0 : i32
          %dma_start3A_275 = arith.constant 0 : i32
          %dma_start3A_276 = tpu.memref_slice %arg10[%dma_start3A_274, %dma_start3A_275] : memref<10240x128xf32, #tpu.memory_space<vmem_shared>> -> memref<10240x128xf32, #tpu.memory_space<vmem_shared>>
          tpu.enqueue_indirect_dma source(%dma_start3A_270 : memref<64x128xf32, #tpu.memory_space<vmem>>) target(%dma_start3A_276 : memref<10240x128xf32, #tpu.memory_space<vmem_shared>>) offsets(%dma_start3A_273 : memref<64xi32, #tpu.memory_space<vmem>>) semaphore(%run_scoped3A_266 : memref<!tpu.dma_semaphore, #tpu.memory_space<semaphore_mem>>) {add = true}
          %dma_wait3A_277 = arith.constant 0 : i32
          %dma_wait3A_278 = arith.constant 0 : i32
          %dma_wait3A_279 = tpu.memref_slice %arg9[%run_scoped3A_190, %dma_wait3A_277, %dma_wait3A_278] : memref<4x64x128xf32, #tpu.memory_space<vmem>> -> memref<1x64x128xf32, #tpu.memory_space<vmem>>
          %dma_wait3A_280 = tpu.memref_squeeze %dma_wait3A_279 : memref<1x64x128xf32, #tpu.memory_space<vmem>> -> memref<64x128xf32, #tpu.memory_space<vmem>>
          %dma_wait3A_281 = arith.constant 0 : i32
          %dma_wait3A_282 = tpu.memref_slice %arg8[%add3A_189, %dma_wait3A_281] : memref<40x64xi32, #tpu.memory_space<vmem>> -> memref<1x64xi32, #tpu.memory_space<vmem>>
          %dma_wait3A_283 = tpu.memref_squeeze %dma_wait3A_282 : memref<1x64xi32, #tpu.memory_space<vmem>> -> memref<64xi32, #tpu.memory_space<vmem>>
          %dma_wait3A_284 = arith.constant 0 : i32
          %dma_wait3A_285 = arith.constant 0 : i32
          %dma_wait3A_286 = tpu.memref_slice %arg10[%dma_wait3A_284, %dma_wait3A_285] : memref<10240x128xf32, #tpu.memory_space<vmem_shared>> -> memref<10240x128xf32, #tpu.memory_space<vmem_shared>>
          tpu.wait_indirect_dma semaphore(%run_scoped3A_266 : memref<!tpu.dma_semaphore, #tpu.memory_space<semaphore_mem>>) src(%dma_wait3A_280 : memref<64x128xf32, #tpu.memory_space<vmem>>) dst(%dma_wait3A_286 : memref<10240x128xf32, #tpu.memory_space<vmem_shared>>)
          tpu.yield
        }) : () -> ()
        %add3A_191 = arith.constant 1 : i32
        %add3A_192 = arith.addi %mul3A_145, %add3A_191 : i32
        %add3A_193 = arith.constant 4 : i32
        %add3A_194 = arith.addi %add3A_192, %add3A_193 : i32
        %dma_start3A_195 = arith.constant 1 : i32
        %dma_start3A_196 = arith.constant 0 : i32
        %dma_start3A_197 = arith.constant 0 : i32
        %dma_start3A_198 = tpu.memref_slice %arg9[%dma_start3A_195, %dma_start3A_196, %dma_start3A_197] : memref<4x64x128xf32, #tpu.memory_space<vmem>> -> memref<1x64x128xf32, #tpu.memory_space<vmem>>
        %dma_start3A_199 = tpu.memref_squeeze %dma_start3A_198 : memref<1x64x128xf32, #tpu.memory_space<vmem>> -> memref<64x128xf32, #tpu.memory_space<vmem>>
        %dma_start3A_200 = arith.constant 0 : i32
        %dma_start3A_201 = tpu.memref_slice %arg7[%add3A_194, %dma_start3A_200] : memref<40x64xi32, #tpu.memory_space<vmem>> -> memref<1x64xi32, #tpu.memory_space<vmem>>
        %dma_start3A_202 = tpu.memref_squeeze %dma_start3A_201 : memref<1x64xi32, #tpu.memory_space<vmem>> -> memref<64xi32, #tpu.memory_space<vmem>>
        %dma_start3A_203 = arith.constant 0 : i32
        %dma_start3A_204 = arith.constant 0 : i32
        %dma_start3A_205 = tpu.memref_slice %arg4[%dma_start3A_203, %dma_start3A_204] : memref<10000x128xf32, #tpu.memory_space<hbm>> -> memref<10000x128xf32, #tpu.memory_space<hbm>>
        tpu.enqueue_indirect_dma source(%dma_start3A_205 : memref<10000x128xf32, #tpu.memory_space<hbm>>) target(%dma_start3A_199 : memref<64x128xf32, #tpu.memory_space<vmem>>) offsets(%dma_start3A_202 : memref<64xi32, #tpu.memory_space<vmem>>) semaphore(%arg12 : memref<!tpu.dma_semaphore, #tpu.memory_space<semaphore_mem>>)
        %dma_wait3A_206 = arith.constant 0 : i32
        %dma_wait3A_207 = arith.constant 2 : i32
        %dma_wait3A_208 = arith.constant 0 : i32
        %dma_wait3A_209 = arith.constant 0 : i32
        %dma_wait3A_210 = tpu.memref_slice %arg9[%dma_wait3A_207, %dma_wait3A_208, %dma_wait3A_209] : memref<4x64x128xf32, #tpu.memory_space<vmem>> -> memref<1x64x128xf32, #tpu.memory_space<vmem>>
        %dma_wait3A_211 = tpu.memref_squeeze %dma_wait3A_210 : memref<1x64x128xf32, #tpu.memory_space<vmem>> -> memref<64x128xf32, #tpu.memory_space<vmem>>
        %dma_wait3A_212 = arith.constant 0 : i32
        %dma_wait3A_213 = tpu.memref_slice %arg7[%dma_wait3A_206, %dma_wait3A_212] : memref<40x64xi32, #tpu.memory_space<vmem>> -> memref<1x64xi32, #tpu.memory_space<vmem>>
        %dma_wait3A_214 = tpu.memref_squeeze %dma_wait3A_213 : memref<1x64xi32, #tpu.memory_space<vmem>> -> memref<64xi32, #tpu.memory_space<vmem>>
        %dma_wait3A_215 = arith.constant 0 : i32
        %dma_wait3A_216 = arith.constant 0 : i32
        %dma_wait3A_217 = tpu.memref_slice %arg4[%dma_wait3A_215, %dma_wait3A_216] : memref<10000x128xf32, #tpu.memory_space<hbm>> -> memref<10000x128xf32, #tpu.memory_space<hbm>>
        tpu.wait_indirect_dma semaphore(%arg13 : memref<!tpu.dma_semaphore, #tpu.memory_space<semaphore_mem>>) src(%dma_wait3A_217 : memref<10000x128xf32, #tpu.memory_space<hbm>>) dst(%dma_wait3A_211 : memref<64x128xf32, #tpu.memory_space<vmem>>)
        %add3A_218 = arith.constant 2 : i32
        %add3A_219 = arith.addi %mul3A_145, %add3A_218 : i32
        %run_scoped3A_220 = arith.constant 2 : i32
        "tpu.region"() ({
          %run_scoped3A_266 = tpu.sem_alloc : memref<!tpu.dma_semaphore, #tpu.memory_space<semaphore_mem>>
          %dma_start3A_267 = arith.constant 0 : i32
          %dma_start3A_268 = arith.constant 0 : i32
          %dma_start3A_269 = tpu.memref_slice %arg9[%run_scoped3A_220, %dma_start3A_267, %dma_start3A_268] : memref<4x64x128xf32, #tpu.memory_space<vmem>> -> memref<1x64x128xf32, #tpu.memory_space<vmem>>
          %dma_start3A_270 = tpu.memref_squeeze %dma_start3A_269 : memref<1x64x128xf32, #tpu.memory_space<vmem>> -> memref<64x128xf32, #tpu.memory_space<vmem>>
          %dma_start3A_271 = arith.constant 0 : i32
          %dma_start3A_272 = tpu.memref_slice %arg8[%add3A_219, %dma_start3A_271] : memref<40x64xi32, #tpu.memory_space<vmem>> -> memref<1x64xi32, #tpu.memory_space<vmem>>
          %dma_start3A_273 = tpu.memref_squeeze %dma_start3A_272 : memref<1x64xi32, #tpu.memory_space<vmem>> -> memref<64xi32, #tpu.memory_space<vmem>>
          %dma_start3A_274 = arith.constant 0 : i32
          %dma_start3A_275 = arith.constant 0 : i32
          %dma_start3A_276 = tpu.memref_slice %arg10[%dma_start3A_274, %dma_start3A_275] : memref<10240x128xf32, #tpu.memory_space<vmem_shared>> -> memref<10240x128xf32, #tpu.memory_space<vmem_shared>>
          tpu.enqueue_indirect_dma source(%dma_start3A_270 : memref<64x128xf32, #tpu.memory_space<vmem>>) target(%dma_start3A_276 : memref<10240x128xf32, #tpu.memory_space<vmem_shared>>) offsets(%dma_start3A_273 : memref<64xi32, #tpu.memory_space<vmem>>) semaphore(%run_scoped3A_266 : memref<!tpu.dma_semaphore, #tpu.memory_space<semaphore_mem>>) {add = true}
          %dma_wait3A_277 = arith.constant 0 : i32
          %dma_wait3A_278 = arith.constant 0 : i32
          %dma_wait3A_279 = tpu.memref_slice %arg9[%run_scoped3A_220, %dma_wait3A_277, %dma_wait3A_278] : memref<4x64x128xf32, #tpu.memory_space<vmem>> -> memref<1x64x128xf32, #tpu.memory_space<vmem>>
          %dma_wait3A_280 = tpu.memref_squeeze %dma_wait3A_279 : memref<1x64x128xf32, #tpu.memory_space<vmem>> -> memref<64x128xf32, #tpu.memory_space<vmem>>
          %dma_wait3A_281 = arith.constant 0 : i32
          %dma_wait3A_282 = tpu.memref_slice %arg8[%add3A_219, %dma_wait3A_281] : memref<40x64xi32, #tpu.memory_space<vmem>> -> memref<1x64xi32, #tpu.memory_space<vmem>>
          %dma_wait3A_283 = tpu.memref_squeeze %dma_wait3A_282 : memref<1x64xi32, #tpu.memory_space<vmem>> -> memref<64xi32, #tpu.memory_space<vmem>>
          %dma_wait3A_284 = arith.constant 0 : i32
          %dma_wait3A_285 = arith.constant 0 : i32
          %dma_wait3A_286 = tpu.memref_slice %arg10[%dma_wait3A_284, %dma_wait3A_285] : memref<10240x128xf32, #tpu.memory_space<vmem_shared>> -> memref<10240x128xf32, #tpu.memory_space<vmem_shared>>
          tpu.wait_indirect_dma semaphore(%run_scoped3A_266 : memref<!tpu.dma_semaphore, #tpu.memory_space<semaphore_mem>>) src(%dma_wait3A_280 : memref<64x128xf32, #tpu.memory_space<vmem>>) dst(%dma_wait3A_286 : memref<10240x128xf32, #tpu.memory_space<vmem_shared>>)
          tpu.yield
        }) : () -> ()
        %add3A_221 = arith.constant 2 : i32
        %add3A_222 = arith.addi %mul3A_145, %add3A_221 : i32
        %add3A_223 = arith.constant 4 : i32
        %add3A_224 = arith.addi %add3A_222, %add3A_223 : i32
        %dma_start3A_225 = arith.constant 2 : i32
        %dma_start3A_226 = arith.constant 0 : i32
        %dma_start3A_227 = arith.constant 0 : i32
        %dma_start3A_228 = tpu.memref_slice %arg9[%dma_start3A_225, %dma_start3A_226, %dma_start3A_227] : memref<4x64x128xf32, #tpu.memory_space<vmem>> -> memref<1x64x128xf32, #tpu.memory_space<vmem>>
        %dma_start3A_229 = tpu.memref_squeeze %dma_start3A_228 : memref<1x64x128xf32, #tpu.memory_space<vmem>> -> memref<64x128xf32, #tpu.memory_space<vmem>>
        %dma_start3A_230 = arith.constant 0 : i32
        %dma_start3A_231 = tpu.memref_slice %arg7[%add3A_224, %dma_start3A_230] : memref<40x64xi32, #tpu.memory_space<vmem>> -> memref<1x64xi32, #tpu.memory_space<vmem>>
        %dma_start3A_232 = tpu.memref_squeeze %dma_start3A_231 : memref<1x64xi32, #tpu.memory_space<vmem>> -> memref<64xi32, #tpu.memory_space<vmem>>
        %dma_start3A_233 = arith.constant 0 : i32
        %dma_start3A_234 = arith.constant 0 : i32
        %dma_start3A_235 = tpu.memref_slice %arg4[%dma_start3A_233, %dma_start3A_234] : memref<10000x128xf32, #tpu.memory_space<hbm>> -> memref<10000x128xf32, #tpu.memory_space<hbm>>
        tpu.enqueue_indirect_dma source(%dma_start3A_235 : memref<10000x128xf32, #tpu.memory_space<hbm>>) target(%dma_start3A_229 : memref<64x128xf32, #tpu.memory_space<vmem>>) offsets(%dma_start3A_232 : memref<64xi32, #tpu.memory_space<vmem>>) semaphore(%arg13 : memref<!tpu.dma_semaphore, #tpu.memory_space<semaphore_mem>>)
        %dma_wait3A_236 = arith.constant 0 : i32
        %dma_wait3A_237 = arith.constant 3 : i32
        %dma_wait3A_238 = arith.constant 0 : i32
        %dma_wait3A_239 = arith.constant 0 : i32
        %dma_wait3A_240 = tpu.memref_slice %arg9[%dma_wait3A_237, %dma_wait3A_238, %dma_wait3A_239] : memref<4x64x128xf32, #tpu.memory_space<vmem>> -> memref<1x64x128xf32, #tpu.memory_space<vmem>>
        %dma_wait3A_241 = tpu.memref_squeeze %dma_wait3A_240 : memref<1x64x128xf32, #tpu.memory_space<vmem>> -> memref<64x128xf32, #tpu.memory_space<vmem>>
        %dma_wait3A_242 = arith.constant 0 : i32
        %dma_wait3A_243 = tpu.memref_slice %arg7[%dma_wait3A_236, %dma_wait3A_242] : memref<40x64xi32, #tpu.memory_space<vmem>> -> memref<1x64xi32, #tpu.memory_space<vmem>>
        %dma_wait3A_244 = tpu.memref_squeeze %dma_wait3A_243 : memref<1x64xi32, #tpu.memory_space<vmem>> -> memref<64xi32, #tpu.memory_space<vmem>>
        %dma_wait3A_245 = arith.constant 0 : i32
        %dma_wait3A_246 = arith.constant 0 : i32
        %dma_wait3A_247 = tpu.memref_slice %arg4[%dma_wait3A_245, %dma_wait3A_246] : memref<10000x128xf32, #tpu.memory_space<hbm>> -> memref<10000x128xf32, #tpu.memory_space<hbm>>
        tpu.wait_indirect_dma semaphore(%arg14 : memref<!tpu.dma_semaphore, #tpu.memory_space<semaphore_mem>>) src(%dma_wait3A_247 : memref<10000x128xf32, #tpu.memory_space<hbm>>) dst(%dma_wait3A_241 : memref<64x128xf32, #tpu.memory_space<vmem>>)
        %add3A_248 = arith.constant 3 : i32
        %add3A_249 = arith.addi %mul3A_145, %add3A_248 : i32
        %run_scoped3A_250 = arith.constant 3 : i32
        "tpu.region"() ({
          %run_scoped3A_266 = tpu.sem_alloc : memref<!tpu.dma_semaphore, #tpu.memory_space<semaphore_mem>>
          %dma_start3A_267 = arith.constant 0 : i32
          %dma_start3A_268 = arith.constant 0 : i32
          %dma_start3A_269 = tpu.memref_slice %arg9[%run_scoped3A_250, %dma_start3A_267, %dma_start3A_268] : memref<4x64x128xf32, #tpu.memory_space<vmem>> -> memref<1x64x128xf32, #tpu.memory_space<vmem>>
          %dma_start3A_270 = tpu.memref_squeeze %dma_start3A_269 : memref<1x64x128xf32, #tpu.memory_space<vmem>> -> memref<64x128xf32, #tpu.memory_space<vmem>>
          %dma_start3A_271 = arith.constant 0 : i32
          %dma_start3A_272 = tpu.memref_slice %arg8[%add3A_249, %dma_start3A_271] : memref<40x64xi32, #tpu.memory_space<vmem>> -> memref<1x64xi32, #tpu.memory_space<vmem>>
          %dma_start3A_273 = tpu.memref_squeeze %dma_start3A_272 : memref<1x64xi32, #tpu.memory_space<vmem>> -> memref<64xi32, #tpu.memory_space<vmem>>
          %dma_start3A_274 = arith.constant 0 : i32
          %dma_start3A_275 = arith.constant 0 : i32
          %dma_start3A_276 = tpu.memref_slice %arg10[%dma_start3A_274, %dma_start3A_275] : memref<10240x128xf32, #tpu.memory_space<vmem_shared>> -> memref<10240x128xf32, #tpu.memory_space<vmem_shared>>
          tpu.enqueue_indirect_dma source(%dma_start3A_270 : memref<64x128xf32, #tpu.memory_space<vmem>>) target(%dma_start3A_276 : memref<10240x128xf32, #tpu.memory_space<vmem_shared>>) offsets(%dma_start3A_273 : memref<64xi32, #tpu.memory_space<vmem>>) semaphore(%run_scoped3A_266 : memref<!tpu.dma_semaphore, #tpu.memory_space<semaphore_mem>>) {add = true}
          %dma_wait3A_277 = arith.constant 0 : i32
          %dma_wait3A_278 = arith.constant 0 : i32
          %dma_wait3A_279 = tpu.memref_slice %arg9[%run_scoped3A_250, %dma_wait3A_277, %dma_wait3A_278] : memref<4x64x128xf32, #tpu.memory_space<vmem>> -> memref<1x64x128xf32, #tpu.memory_space<vmem>>
          %dma_wait3A_280 = tpu.memref_squeeze %dma_wait3A_279 : memref<1x64x128xf32, #tpu.memory_space<vmem>> -> memref<64x128xf32, #tpu.memory_space<vmem>>
          %dma_wait3A_281 = arith.constant 0 : i32
          %dma_wait3A_282 = tpu.memref_slice %arg8[%add3A_249, %dma_wait3A_281] : memref<40x64xi32, #tpu.memory_space<vmem>> -> memref<1x64xi32, #tpu.memory_space<vmem>>
          %dma_wait3A_283 = tpu.memref_squeeze %dma_wait3A_282 : memref<1x64xi32, #tpu.memory_space<vmem>> -> memref<64xi32, #tpu.memory_space<vmem>>
          %dma_wait3A_284 = arith.constant 0 : i32
          %dma_wait3A_285 = arith.constant 0 : i32
          %dma_wait3A_286 = tpu.memref_slice %arg10[%dma_wait3A_284, %dma_wait3A_285] : memref<10240x128xf32, #tpu.memory_space<vmem_shared>> -> memref<10240x128xf32, #tpu.memory_space<vmem_shared>>
          tpu.wait_indirect_dma semaphore(%run_scoped3A_266 : memref<!tpu.dma_semaphore, #tpu.memory_space<semaphore_mem>>) src(%dma_wait3A_280 : memref<64x128xf32, #tpu.memory_space<vmem>>) dst(%dma_wait3A_286 : memref<10240x128xf32, #tpu.memory_space<vmem_shared>>)
          tpu.yield
        }) : () -> ()
        %add3A_251 = arith.constant 3 : i32
        %add3A_252 = arith.addi %mul3A_145, %add3A_251 : i32
        %add3A_253 = arith.constant 4 : i32
        %add3A_254 = arith.addi %add3A_252, %add3A_253 : i32
        %dma_start3A_255 = arith.constant 3 : i32
        %dma_start3A_256 = arith.constant 0 : i32
        %dma_start3A_257 = arith.constant 0 : i32
        %dma_start3A_258 = tpu.memref_slice %arg9[%dma_start3A_255, %dma_start3A_256, %dma_start3A_257] : memref<4x64x128xf32, #tpu.memory_space<vmem>> -> memref<1x64x128xf32, #tpu.memory_space<vmem>>
        %dma_start3A_259 = tpu.memref_squeeze %dma_start3A_258 : memref<1x64x128xf32, #tpu.memory_space<vmem>> -> memref<64x128xf32, #tpu.memory_space<vmem>>
        %dma_start3A_260 = arith.constant 0 : i32
        %dma_start3A_261 = tpu.memref_slice %arg7[%add3A_254, %dma_start3A_260] : memref<40x64xi32, #tpu.memory_space<vmem>> -> memref<1x64xi32, #tpu.memory_space<vmem>>
        %dma_start3A_262 = tpu.memref_squeeze %dma_start3A_261 : memref<1x64xi32, #tpu.memory_space<vmem>> -> memref<64xi32, #tpu.memory_space<vmem>>
        %dma_start3A_263 = arith.constant 0 : i32
        %dma_start3A_264 = arith.constant 0 : i32
        %dma_start3A_265 = tpu.memref_slice %arg4[%dma_start3A_263, %dma_start3A_264] : memref<10000x128xf32, #tpu.memory_space<hbm>> -> memref<10000x128xf32, #tpu.memory_space<hbm>>
        tpu.enqueue_indirect_dma source(%dma_start3A_265 : memref<10000x128xf32, #tpu.memory_space<hbm>>) target(%dma_start3A_259 : memref<64x128xf32, #tpu.memory_space<vmem>>) offsets(%dma_start3A_262 : memref<64xi32, #tpu.memory_space<vmem>>) semaphore(%arg14 : memref<!tpu.dma_semaphore, #tpu.memory_space<semaphore_mem>>)
      }
      %scan3A_88 = arith.constant 9 : i32
      %dma_wait3A = arith.constant 0 : i32
      %dma_wait3A_89 = arith.constant 0 : i32
      %dma_wait3A_90 = arith.constant 0 : i32
      %dma_wait3A_91 = arith.constant 0 : i32
      %dma_wait3A_92 = tpu.memref_slice %arg9[%dma_wait3A_89, %dma_wait3A_90, %dma_wait3A_91] : memref<4x64x128xf32, #tpu.memory_space<vmem>> -> memref<1x64x128xf32, #tpu.memory_space<vmem>>
      %dma_wait3A_93 = tpu.memref_squeeze %dma_wait3A_92 : memref<1x64x128xf32, #tpu.memory_space<vmem>> -> memref<64x128xf32, #tpu.memory_space<vmem>>
      %dma_wait3A_94 = arith.constant 0 : i32
      %dma_wait3A_95 = tpu.memref_slice %arg7[%dma_wait3A, %dma_wait3A_94] : memref<40x64xi32, #tpu.memory_space<vmem>> -> memref<1x64xi32, #tpu.memory_space<vmem>>
      %dma_wait3A_96 = tpu.memref_squeeze %dma_wait3A_95 : memref<1x64xi32, #tpu.memory_space<vmem>> -> memref<64xi32, #tpu.memory_space<vmem>>
      %dma_wait3A_97 = arith.constant 0 : i32
      %dma_wait3A_98 = arith.constant 0 : i32
      %dma_wait3A_99 = tpu.memref_slice %arg4[%dma_wait3A_97, %dma_wait3A_98] : memref<10000x128xf32, #tpu.memory_space<hbm>> -> memref<10000x128xf32, #tpu.memory_space<hbm>>
      tpu.wait_indirect_dma semaphore(%arg11 : memref<!tpu.dma_semaphore, #tpu.memory_space<semaphore_mem>>) src(%dma_wait3A_99 : memref<10000x128xf32, #tpu.memory_space<hbm>>) dst(%dma_wait3A_93 : memref<64x128xf32, #tpu.memory_space<vmem>>)
      %run_scoped3A = arith.constant 0 : i32
      %run_scoped3A_100 = arith.constant 36 : i32
      "tpu.region"() ({
        %run_scoped3A_143 = tpu.sem_alloc : memref<!tpu.dma_semaphore, #tpu.memory_space<semaphore_mem>>
        %dma_start3A_144 = arith.constant 0 : i32
        %dma_start3A_145 = arith.constant 0 : i32
        %dma_start3A_146 = tpu.memref_slice %arg9[%run_scoped3A, %dma_start3A_144, %dma_start3A_145] : memref<4x64x128xf32, #tpu.memory_space<vmem>> -> memref<1x64x128xf32, #tpu.memory_space<vmem>>
        %dma_start3A_147 = tpu.memref_squeeze %dma_start3A_146 : memref<1x64x128xf32, #tpu.memory_space<vmem>> -> memref<64x128xf32, #tpu.memory_space<vmem>>
        %dma_start3A_148 = arith.constant 0 : i32
        %dma_start3A_149 = tpu.memref_slice %arg8[%run_scoped3A_100, %dma_start3A_148] : memref<40x64xi32, #tpu.memory_space<vmem>> -> memref<1x64xi32, #tpu.memory_space<vmem>>
        %dma_start3A_150 = tpu.memref_squeeze %dma_start3A_149 : memref<1x64xi32, #tpu.memory_space<vmem>> -> memref<64xi32, #tpu.memory_space<vmem>>
        %dma_start3A_151 = arith.constant 0 : i32
        %dma_start3A_152 = arith.constant 0 : i32
        %dma_start3A_153 = tpu.memref_slice %arg10[%dma_start3A_151, %dma_start3A_152] : memref<10240x128xf32, #tpu.memory_space<vmem_shared>> -> memref<10240x128xf32, #tpu.memory_space<vmem_shared>>
        tpu.enqueue_indirect_dma source(%dma_start3A_147 : memref<64x128xf32, #tpu.memory_space<vmem>>) target(%dma_start3A_153 : memref<10240x128xf32, #tpu.memory_space<vmem_shared>>) offsets(%dma_start3A_150 : memref<64xi32, #tpu.memory_space<vmem>>) semaphore(%run_scoped3A_143 : memref<!tpu.dma_semaphore, #tpu.memory_space<semaphore_mem>>) {add = true}
        %dma_wait3A_154 = arith.constant 0 : i32
        %dma_wait3A_155 = arith.constant 0 : i32
        %dma_wait3A_156 = tpu.memref_slice %arg9[%run_scoped3A, %dma_wait3A_154, %dma_wait3A_155] : memref<4x64x128xf32, #tpu.memory_space<vmem>> -> memref<1x64x128xf32, #tpu.memory_space<vmem>>
        %dma_wait3A_157 = tpu.memref_squeeze %dma_wait3A_156 : memref<1x64x128xf32, #tpu.memory_space<vmem>> -> memref<64x128xf32, #tpu.memory_space<vmem>>
        %dma_wait3A_158 = arith.constant 0 : i32
        %dma_wait3A_159 = tpu.memref_slice %arg8[%run_scoped3A_100, %dma_wait3A_158] : memref<40x64xi32, #tpu.memory_space<vmem>> -> memref<1x64xi32, #tpu.memory_space<vmem>>
        %dma_wait3A_160 = tpu.memref_squeeze %dma_wait3A_159 : memref<1x64xi32, #tpu.memory_space<vmem>> -> memref<64xi32, #tpu.memory_space<vmem>>
        %dma_wait3A_161 = arith.constant 0 : i32
        %dma_wait3A_162 = arith.constant 0 : i32
        %dma_wait3A_163 = tpu.memref_slice %arg10[%dma_wait3A_161, %dma_wait3A_162] : memref<10240x128xf32, #tpu.memory_space<vmem_shared>> -> memref<10240x128xf32, #tpu.memory_space<vmem_shared>>
        tpu.wait_indirect_dma semaphore(%run_scoped3A_143 : memref<!tpu.dma_semaphore, #tpu.memory_space<semaphore_mem>>) src(%dma_wait3A_157 : memref<64x128xf32, #tpu.memory_space<vmem>>) dst(%dma_wait3A_163 : memref<10240x128xf32, #tpu.memory_space<vmem_shared>>)
        tpu.yield
      }) : () -> ()
      %dma_wait3A_101 = arith.constant 0 : i32
      %dma_wait3A_102 = arith.constant 1 : i32
      %dma_wait3A_103 = arith.constant 0 : i32
      %dma_wait3A_104 = arith.constant 0 : i32
      %dma_wait3A_105 = tpu.memref_slice %arg9[%dma_wait3A_102, %dma_wait3A_103, %dma_wait3A_104] : memref<4x64x128xf32, #tpu.memory_space<vmem>> -> memref<1x64x128xf32, #tpu.memory_space<vmem>>
      %dma_wait3A_106 = tpu.memref_squeeze %dma_wait3A_105 : memref<1x64x128xf32, #tpu.memory_space<vmem>> -> memref<64x128xf32, #tpu.memory_space<vmem>>
      %dma_wait3A_107 = arith.constant 0 : i32
      %dma_wait3A_108 = tpu.memref_slice %arg7[%dma_wait3A_101, %dma_wait3A_107] : memref<40x64xi32, #tpu.memory_space<vmem>> -> memref<1x64xi32, #tpu.memory_space<vmem>>
      %dma_wait3A_109 = tpu.memref_squeeze %dma_wait3A_108 : memref<1x64xi32, #tpu.memory_space<vmem>> -> memref<64xi32, #tpu.memory_space<vmem>>
      %dma_wait3A_110 = arith.constant 0 : i32
      %dma_wait3A_111 = arith.constant 0 : i32
      %dma_wait3A_112 = tpu.memref_slice %arg4[%dma_wait3A_110, %dma_wait3A_111] : memref<10000x128xf32, #tpu.memory_space<hbm>> -> memref<10000x128xf32, #tpu.memory_space<hbm>>
      tpu.wait_indirect_dma semaphore(%arg12 : memref<!tpu.dma_semaphore, #tpu.memory_space<semaphore_mem>>) src(%dma_wait3A_112 : memref<10000x128xf32, #tpu.memory_space<hbm>>) dst(%dma_wait3A_106 : memref<64x128xf32, #tpu.memory_space<vmem>>)
      %run_scoped3A_113 = arith.constant 1 : i32
      %run_scoped3A_114 = arith.constant 37 : i32
      "tpu.region"() ({
        %run_scoped3A_143 = tpu.sem_alloc : memref<!tpu.dma_semaphore, #tpu.memory_space<semaphore_mem>>
        %dma_start3A_144 = arith.constant 0 : i32
        %dma_start3A_145 = arith.constant 0 : i32
        %dma_start3A_146 = tpu.memref_slice %arg9[%run_scoped3A_113, %dma_start3A_144, %dma_start3A_145] : memref<4x64x128xf32, #tpu.memory_space<vmem>> -> memref<1x64x128xf32, #tpu.memory_space<vmem>>
        %dma_start3A_147 = tpu.memref_squeeze %dma_start3A_146 : memref<1x64x128xf32, #tpu.memory_space<vmem>> -> memref<64x128xf32, #tpu.memory_space<vmem>>
        %dma_start3A_148 = arith.constant 0 : i32
        %dma_start3A_149 = tpu.memref_slice %arg8[%run_scoped3A_114, %dma_start3A_148] : memref<40x64xi32, #tpu.memory_space<vmem>> -> memref<1x64xi32, #tpu.memory_space<vmem>>
        %dma_start3A_150 = tpu.memref_squeeze %dma_start3A_149 : memref<1x64xi32, #tpu.memory_space<vmem>> -> memref<64xi32, #tpu.memory_space<vmem>>
        %dma_start3A_151 = arith.constant 0 : i32
        %dma_start3A_152 = arith.constant 0 : i32
        %dma_start3A_153 = tpu.memref_slice %arg10[%dma_start3A_151, %dma_start3A_152] : memref<10240x128xf32, #tpu.memory_space<vmem_shared>> -> memref<10240x128xf32, #tpu.memory_space<vmem_shared>>
        tpu.enqueue_indirect_dma source(%dma_start3A_147 : memref<64x128xf32, #tpu.memory_space<vmem>>) target(%dma_start3A_153 : memref<10240x128xf32, #tpu.memory_space<vmem_shared>>) offsets(%dma_start3A_150 : memref<64xi32, #tpu.memory_space<vmem>>) semaphore(%run_scoped3A_143 : memref<!tpu.dma_semaphore, #tpu.memory_space<semaphore_mem>>) {add = true}
        %dma_wait3A_154 = arith.constant 0 : i32
        %dma_wait3A_155 = arith.constant 0 : i32
        %dma_wait3A_156 = tpu.memref_slice %arg9[%run_scoped3A_113, %dma_wait3A_154, %dma_wait3A_155] : memref<4x64x128xf32, #tpu.memory_space<vmem>> -> memref<1x64x128xf32, #tpu.memory_space<vmem>>
        %dma_wait3A_157 = tpu.memref_squeeze %dma_wait3A_156 : memref<1x64x128xf32, #tpu.memory_space<vmem>> -> memref<64x128xf32, #tpu.memory_space<vmem>>
        %dma_wait3A_158 = arith.constant 0 : i32
        %dma_wait3A_159 = tpu.memref_slice %arg8[%run_scoped3A_114, %dma_wait3A_158] : memref<40x64xi32, #tpu.memory_space<vmem>> -> memref<1x64xi32, #tpu.memory_space<vmem>>
        %dma_wait3A_160 = tpu.memref_squeeze %dma_wait3A_159 : memref<1x64xi32, #tpu.memory_space<vmem>> -> memref<64xi32, #tpu.memory_space<vmem>>
        %dma_wait3A_161 = arith.constant 0 : i32
        %dma_wait3A_162 = arith.constant 0 : i32
        %dma_wait3A_163 = tpu.memref_slice %arg10[%dma_wait3A_161, %dma_wait3A_162] : memref<10240x128xf32, #tpu.memory_space<vmem_shared>> -> memref<10240x128xf32, #tpu.memory_space<vmem_shared>>
        tpu.wait_indirect_dma semaphore(%run_scoped3A_143 : memref<!tpu.dma_semaphore, #tpu.memory_space<semaphore_mem>>) src(%dma_wait3A_157 : memref<64x128xf32, #tpu.memory_space<vmem>>) dst(%dma_wait3A_163 : memref<10240x128xf32, #tpu.memory_space<vmem_shared>>)
        tpu.yield
      }) : () -> ()
      %dma_wait3A_115 = arith.constant 0 : i32
      %dma_wait3A_116 = arith.constant 2 : i32
      %dma_wait3A_117 = arith.constant 0 : i32
      %dma_wait3A_118 = arith.constant 0 : i32
      %dma_wait3A_119 = tpu.memref_slice %arg9[%dma_wait3A_116, %dma_wait3A_117, %dma_wait3A_118] : memref<4x64x128xf32, #tpu.memory_space<vmem>> -> memref<1x64x128xf32, #tpu.memory_space<vmem>>
      %dma_wait3A_120 = tpu.memref_squeeze %dma_wait3A_119 : memref<1x64x128xf32, #tpu.memory_space<vmem>> -> memref<64x128xf32, #tpu.memory_space<vmem>>
      %dma_wait3A_121 = arith.constant 0 : i32
      %dma_wait3A_122 = tpu.memref_slice %arg7[%dma_wait3A_115, %dma_wait3A_121] : memref<40x64xi32, #tpu.memory_space<vmem>> -> memref<1x64xi32, #tpu.memory_space<vmem>>
      %dma_wait3A_123 = tpu.memref_squeeze %dma_wait3A_122 : memref<1x64xi32, #tpu.memory_space<vmem>> -> memref<64xi32, #tpu.memory_space<vmem>>
      %dma_wait3A_124 = arith.constant 0 : i32
      %dma_wait3A_125 = arith.constant 0 : i32
      %dma_wait3A_126 = tpu.memref_slice %arg4[%dma_wait3A_124, %dma_wait3A_125] : memref<10000x128xf32, #tpu.memory_space<hbm>> -> memref<10000x128xf32, #tpu.memory_space<hbm>>
      tpu.wait_indirect_dma semaphore(%arg13 : memref<!tpu.dma_semaphore, #tpu.memory_space<semaphore_mem>>) src(%dma_wait3A_126 : memref<10000x128xf32, #tpu.memory_space<hbm>>) dst(%dma_wait3A_120 : memref<64x128xf32, #tpu.memory_space<vmem>>)
      %run_scoped3A_127 = arith.constant 2 : i32
      %run_scoped3A_128 = arith.constant 38 : i32
      "tpu.region"() ({
        %run_scoped3A_143 = tpu.sem_alloc : memref<!tpu.dma_semaphore, #tpu.memory_space<semaphore_mem>>
        %dma_start3A_144 = arith.constant 0 : i32
        %dma_start3A_145 = arith.constant 0 : i32
        %dma_start3A_146 = tpu.memref_slice %arg9[%run_scoped3A_127, %dma_start3A_144, %dma_start3A_145] : memref<4x64x128xf32, #tpu.memory_space<vmem>> -> memref<1x64x128xf32, #tpu.memory_space<vmem>>
        %dma_start3A_147 = tpu.memref_squeeze %dma_start3A_146 : memref<1x64x128xf32, #tpu.memory_space<vmem>> -> memref<64x128xf32, #tpu.memory_space<vmem>>
        %dma_start3A_148 = arith.constant 0 : i32
        %dma_start3A_149 = tpu.memref_slice %arg8[%run_scoped3A_128, %dma_start3A_148] : memref<40x64xi32, #tpu.memory_space<vmem>> -> memref<1x64xi32, #tpu.memory_space<vmem>>
        %dma_start3A_150 = tpu.memref_squeeze %dma_start3A_149 : memref<1x64xi32, #tpu.memory_space<vmem>> -> memref<64xi32, #tpu.memory_space<vmem>>
        %dma_start3A_151 = arith.constant 0 : i32
        %dma_start3A_152 = arith.constant 0 : i32
        %dma_start3A_153 = tpu.memref_slice %arg10[%dma_start3A_151, %dma_start3A_152] : memref<10240x128xf32, #tpu.memory_space<vmem_shared>> -> memref<10240x128xf32, #tpu.memory_space<vmem_shared>>
        tpu.enqueue_indirect_dma source(%dma_start3A_147 : memref<64x128xf32, #tpu.memory_space<vmem>>) target(%dma_start3A_153 : memref<10240x128xf32, #tpu.memory_space<vmem_shared>>) offsets(%dma_start3A_150 : memref<64xi32, #tpu.memory_space<vmem>>) semaphore(%run_scoped3A_143 : memref<!tpu.dma_semaphore, #tpu.memory_space<semaphore_mem>>) {add = true}
        %dma_wait3A_154 = arith.constant 0 : i32
        %dma_wait3A_155 = arith.constant 0 : i32
        %dma_wait3A_156 = tpu.memref_slice %arg9[%run_scoped3A_127, %dma_wait3A_154, %dma_wait3A_155] : memref<4x64x128xf32, #tpu.memory_space<vmem>> -> memref<1x64x128xf32, #tpu.memory_space<vmem>>
        %dma_wait3A_157 = tpu.memref_squeeze %dma_wait3A_156 : memref<1x64x128xf32, #tpu.memory_space<vmem>> -> memref<64x128xf32, #tpu.memory_space<vmem>>
        %dma_wait3A_158 = arith.constant 0 : i32
        %dma_wait3A_159 = tpu.memref_slice %arg8[%run_scoped3A_128, %dma_wait3A_158] : memref<40x64xi32, #tpu.memory_space<vmem>> -> memref<1x64xi32, #tpu.memory_space<vmem>>
        %dma_wait3A_160 = tpu.memref_squeeze %dma_wait3A_159 : memref<1x64xi32, #tpu.memory_space<vmem>> -> memref<64xi32, #tpu.memory_space<vmem>>
        %dma_wait3A_161 = arith.constant 0 : i32
        %dma_wait3A_162 = arith.constant 0 : i32
        %dma_wait3A_163 = tpu.memref_slice %arg10[%dma_wait3A_161, %dma_wait3A_162] : memref<10240x128xf32, #tpu.memory_space<vmem_shared>> -> memref<10240x128xf32, #tpu.memory_space<vmem_shared>>
        tpu.wait_indirect_dma semaphore(%run_scoped3A_143 : memref<!tpu.dma_semaphore, #tpu.memory_space<semaphore_mem>>) src(%dma_wait3A_157 : memref<64x128xf32, #tpu.memory_space<vmem>>) dst(%dma_wait3A_163 : memref<10240x128xf32, #tpu.memory_space<vmem_shared>>)
        tpu.yield
      }) : () -> ()
      %dma_wait3A_129 = arith.constant 0 : i32
      %dma_wait3A_130 = arith.constant 3 : i32
      %dma_wait3A_131 = arith.constant 0 : i32
      %dma_wait3A_132 = arith.constant 0 : i32
      %dma_wait3A_133 = tpu.memref_slice %arg9[%dma_wait3A_130, %dma_wait3A_131, %dma_wait3A_132] : memref<4x64x128xf32, #tpu.memory_space<vmem>> -> memref<1x64x128xf32, #tpu.memory_space<vmem>>
      %dma_wait3A_134 = tpu.memref_squeeze %dma_wait3A_133 : memref<1x64x128xf32, #tpu.memory_space<vmem>> -> memref<64x128xf32, #tpu.memory_space<vmem>>
      %dma_wait3A_135 = arith.constant 0 : i32
      %dma_wait3A_136 = tpu.memref_slice %arg7[%dma_wait3A_129, %dma_wait3A_135] : memref<40x64xi32, #tpu.memory_space<vmem>> -> memref<1x64xi32, #tpu.memory_space<vmem>>
      %dma_wait3A_137 = tpu.memref_squeeze %dma_wait3A_136 : memref<1x64xi32, #tpu.memory_space<vmem>> -> memref<64xi32, #tpu.memory_space<vmem>>
      %dma_wait3A_138 = arith.constant 0 : i32
      %dma_wait3A_139 = arith.constant 0 : i32
      %dma_wait3A_140 = tpu.memref_slice %arg4[%dma_wait3A_138, %dma_wait3A_139] : memref<10000x128xf32, #tpu.memory_space<hbm>> -> memref<10000x128xf32, #tpu.memory_space<hbm>>
      tpu.wait_indirect_dma semaphore(%arg14 : memref<!tpu.dma_semaphore, #tpu.memory_space<semaphore_mem>>) src(%dma_wait3A_140 : memref<10000x128xf32, #tpu.memory_space<hbm>>) dst(%dma_wait3A_134 : memref<64x128xf32, #tpu.memory_space<vmem>>)
      %run_scoped3A_141 = arith.constant 3 : i32
      %run_scoped3A_142 = arith.constant 39 : i32
      "tpu.region"() ({
        %run_scoped3A_143 = tpu.sem_alloc : memref<!tpu.dma_semaphore, #tpu.memory_space<semaphore_mem>>
        %dma_start3A_144 = arith.constant 0 : i32
        %dma_start3A_145 = arith.constant 0 : i32
        %dma_start3A_146 = tpu.memref_slice %arg9[%run_scoped3A_141, %dma_start3A_144, %dma_start3A_145] : memref<4x64x128xf32, #tpu.memory_space<vmem>> -> memref<1x64x128xf32, #tpu.memory_space<vmem>>
        %dma_start3A_147 = tpu.memref_squeeze %dma_start3A_146 : memref<1x64x128xf32, #tpu.memory_space<vmem>> -> memref<64x128xf32, #tpu.memory_space<vmem>>
        %dma_start3A_148 = arith.constant 0 : i32
        %dma_start3A_149 = tpu.memref_slice %arg8[%run_scoped3A_142, %dma_start3A_148] : memref<40x64xi32, #tpu.memory_space<vmem>> -> memref<1x64xi32, #tpu.memory_space<vmem>>
        %dma_start3A_150 = tpu.memref_squeeze %dma_start3A_149 : memref<1x64xi32, #tpu.memory_space<vmem>> -> memref<64xi32, #tpu.memory_space<vmem>>
        %dma_start3A_151 = arith.constant 0 : i32
        %dma_start3A_152 = arith.constant 0 : i32
        %dma_start3A_153 = tpu.memref_slice %arg10[%dma_start3A_151, %dma_start3A_152] : memref<10240x128xf32, #tpu.memory_space<vmem_shared>> -> memref<10240x128xf32, #tpu.memory_space<vmem_shared>>
        tpu.enqueue_indirect_dma source(%dma_start3A_147 : memref<64x128xf32, #tpu.memory_space<vmem>>) target(%dma_start3A_153 : memref<10240x128xf32, #tpu.memory_space<vmem_shared>>) offsets(%dma_start3A_150 : memref<64xi32, #tpu.memory_space<vmem>>) semaphore(%run_scoped3A_143 : memref<!tpu.dma_semaphore, #tpu.memory_space<semaphore_mem>>) {add = true}
        %dma_wait3A_154 = arith.constant 0 : i32
        %dma_wait3A_155 = arith.constant 0 : i32
        %dma_wait3A_156 = tpu.memref_slice %arg9[%run_scoped3A_141, %dma_wait3A_154, %dma_wait3A_155] : memref<4x64x128xf32, #tpu.memory_space<vmem>> -> memref<1x64x128xf32, #tpu.memory_space<vmem>>
        %dma_wait3A_157 = tpu.memref_squeeze %dma_wait3A_156 : memref<1x64x128xf32, #tpu.memory_space<vmem>> -> memref<64x128xf32, #tpu.memory_space<vmem>>
        %dma_wait3A_158 = arith.constant 0 : i32
        %dma_wait3A_159 = tpu.memref_slice %arg8[%run_scoped3A_142, %dma_wait3A_158] : memref<40x64xi32, #tpu.memory_space<vmem>> -> memref<1x64xi32, #tpu.memory_space<vmem>>
        %dma_wait3A_160 = tpu.memref_squeeze %dma_wait3A_159 : memref<1x64xi32, #tpu.memory_space<vmem>> -> memref<64xi32, #tpu.memory_space<vmem>>
        %dma_wait3A_161 = arith.constant 0 : i32
        %dma_wait3A_162 = arith.constant 0 : i32
        %dma_wait3A_163 = tpu.memref_slice %arg10[%dma_wait3A_161, %dma_wait3A_162] : memref<10240x128xf32, #tpu.memory_space<vmem_shared>> -> memref<10240x128xf32, #tpu.memory_space<vmem_shared>>
        tpu.wait_indirect_dma semaphore(%run_scoped3A_143 : memref<!tpu.dma_semaphore, #tpu.memory_space<semaphore_mem>>) src(%dma_wait3A_157 : memref<64x128xf32, #tpu.memory_space<vmem>>) dst(%dma_wait3A_163 : memref<10240x128xf32, #tpu.memory_space<vmem_shared>>)
        tpu.yield
      }) : () -> ()
    }
    %scan3A_25 = arith.constant 4 : i32
    %barrier3A_26 = arith.constant 0 : index
    tpu.barrier barrier_id(%barrier3A_26)
    %mul3A_27 = arith.constant 640 : i32
    %mul3A_28 = arith.muli %arg1, %mul3A_27 : i32
    %mul3A_29 = arith.constant 640 : i32
    %mul3A_30 = arith.muli %arg1, %mul3A_29 : i32
    "tpu.region"() ({
      %run_scoped3A = tpu.sem_alloc : memref<!tpu.dma_semaphore, #tpu.memory_space<semaphore_mem>>
      %dma_start3A = arith.constant 0 : i32
      %dma_start3A_31 = tpu.memref_slice %arg6[%arg0, %mul3A_30, %dma_start3A] : memref<2x10240x128xf32, #tpu.memory_space<hbm>> -> memref<1x640x128xf32, #tpu.memory_space<hbm>>
      %dma_start3A_32 = tpu.memref_squeeze %dma_start3A_31 : memref<1x640x128xf32, #tpu.memory_space<hbm>> -> memref<640x128xf32, #tpu.memory_space<hbm>>
      %dma_start3A_33 = arith.constant 0 : i32
      %dma_start3A_34 = tpu.memref_slice %arg10[%mul3A_28, %dma_start3A_33] : memref<10240x128xf32, #tpu.memory_space<vmem_shared>> -> memref<640x128xf32, #tpu.memory_space<vmem_shared>>
      tpu.enqueue_dma source(%dma_start3A_34 : memref<640x128xf32, #tpu.memory_space<vmem_shared>>) target(%dma_start3A_32 : memref<640x128xf32, #tpu.memory_space<hbm>>) target_semaphore(%run_scoped3A : memref<!tpu.dma_semaphore, #tpu.memory_space<semaphore_mem>>)
      %dma_wait3A = arith.constant 0 : i32
      %dma_wait3A_35 = tpu.memref_slice %arg6[%arg0, %mul3A_30, %dma_wait3A] : memref<2x10240x128xf32, #tpu.memory_space<hbm>> -> memref<1x640x128xf32, #tpu.memory_space<hbm>>
      %dma_wait3A_36 = tpu.memref_squeeze %dma_wait3A_35 : memref<1x640x128xf32, #tpu.memory_space<hbm>> -> memref<640x128xf32, #tpu.memory_space<hbm>>
      %dma_wait3A_37 = arith.constant 0 : i32
      %dma_wait3A_38 = tpu.memref_slice %arg10[%mul3A_28, %dma_wait3A_37] : memref<10240x128xf32, #tpu.memory_space<vmem_shared>> -> memref<640x128xf32, #tpu.memory_space<vmem_shared>>
      tpu.wait_dma2 semaphore(%run_scoped3A : memref<!tpu.dma_semaphore, #tpu.memory_space<semaphore_mem>>) src(%dma_wait3A_38 : memref<640x128xf32, #tpu.memory_space<vmem_shared>>) dst(%dma_wait3A_36 : memref<640x128xf32, #tpu.memory_space<hbm>>)
      tpu.yield
    }) : () -> ()
    return
  }
}

module attributes {stable_mosaic.version = 14 : i64} {
  func.func @_mm_scale_body(%arg0: i32, %arg1: memref<2000x1xf32, #tpu.memory_space<vmem>>, %arg2: memref<2000x128xf32, #tpu.memory_space<vmem>>, %arg3: memref<128x128xf32, #tpu.memory_space<vmem>>, %arg4: memref<2000x128xf32, #tpu.memory_space<vmem>>) attributes {dimension_semantics = [#tpu.dimension_semantics<arbitrary>], iteration_bounds = array<i64: 5>, scalar_prefetch = 0 : i64, scratch_operands = 0 : i64, tpu.core_type = #tpu.core_type<tc>, window_params = [{transform_indices = @transform_0, window_bounds = array<i64: 2000, 1>}, {transform_indices = @transform_1, window_bounds = array<i64: 2000, 128>}, {pipeline_mode = #tpu.pipeline_mode<synchronous>, transform_indices = @transform_2, window_bounds = array<i64: 128, 128>}, {transform_indices = @transform_3, window_bounds = array<i64: 2000, 128>}]} {
    %get3A = arith.constant 0 : index
    %get3A_0 = arith.constant 0 : index
    %get3A_1 = vector.load %arg2[%get3A, %get3A_0] : memref<2000x128xf32, #tpu.memory_space<vmem>>, vector<2000x128xf32>
    %get3A_2 = arith.constant 0 : index
    %get3A_3 = arith.constant 0 : index
    %get3A_4 = vector.load %arg3[%get3A_2, %get3A_3] : memref<128x128xf32, #tpu.memory_space<vmem>>, vector<128x128xf32>
    %dot_general3A = arith.constant dense<0.000000e+00> : vector<2000x128xf32>
    %dot_general3A_5 = tpu.matmul %get3A_1, %get3A_4, %dot_general3A {dimension_numbers = #tpu.dot_dimension_numbers<[1], [0], [0], [1], [0, 0, 1, 1], [], []>, transpose_lhs_hint = false} : vector<2000x128xf32>, vector<128x128xf32>, vector<2000x128xf32> -> vector<2000x128xf32>
    %get3A_6 = arith.constant 0 : index
    %get3A_7 = arith.constant 0 : index
    %get3A_8 = vector.load %arg1[%get3A_6, %get3A_7] : memref<2000x1xf32, #tpu.memory_space<vmem>>, vector<2000x1xf32>
    %add3A = arith.constant 1.000000e+00 : f32
    %add3A_9 = vector.broadcast %add3A : f32 to vector<2000x1xf32>
    %add3A_10 = arith.addf %get3A_8, %add3A_9 : vector<2000x1xf32>
    %max3A = arith.constant 1.000000e+00 : f32
    %max3A_11 = vector.broadcast %max3A : f32 to vector<2000x1xf32>
    %max3A_12 = arith.maximumf %add3A_10, %max3A_11 : vector<2000x1xf32>
    %rsqrt3A = math.rsqrt %max3A_12 : vector<2000x1xf32>
    %mul3A = vector.broadcast %rsqrt3A : vector<2000x1xf32> to vector<2000x128xf32>
    %mul3A_13 = arith.mulf %dot_general3A_5, %mul3A : vector<2000x128xf32>
    %swap3A = arith.constant 0 : index
    %swap3A_14 = arith.constant 0 : index
    %swap3A_15 = vector.load %arg4[%swap3A, %swap3A_14] : memref<2000x128xf32, #tpu.memory_space<vmem>>, vector<2000x128xf32>
    tpu.vector_store %arg4[%swap3A, %swap3A_14], %mul3A_13 {strides = array<i32>} : memref<2000x128xf32, #tpu.memory_space<vmem>>, vector<2000x128xf32>,
    return
  }
  func.func @transform_0(%arg0: i32) -> (i32, i32) {
    %c0_i32 = arith.constant 0 : i32
    %c0_i32_0 = arith.constant 0 : i32
    return %arg0, %c0_i32 : i32, i32
  }
  func.func @transform_1(%arg0: i32) -> (i32, i32) {
    %c0_i32 = arith.constant 0 : i32
    %c0_i32_0 = arith.constant 0 : i32
    return %arg0, %c0_i32 : i32, i32
  }
  func.func @transform_2(%arg0: i32) -> (i32, i32) {
    %c0_i32 = arith.constant 0 : i32
    %c0_i32_0 = arith.constant 0 : i32
    %c0_i32_1 = arith.constant 0 : i32
    return %c0_i32, %c0_i32_0 : i32, i32
  }
  func.func @transform_3(%arg0: i32) -> (i32, i32) {
    %c0_i32 = arith.constant 0 : i32
    %c0_i32_0 = arith.constant 0 : i32
    return %arg0, %c0_i32 : i32, i32
  }
}

module attributes {stable_mosaic.version = 14 : i64} {
  func.func @_combine_mm_body(%arg0: i32, %arg1: memref<2000x1xf32, #tpu.memory_space<vmem>>, %arg2: memref<2x2000x128xf32, #tpu.memory_space<vmem>>, %arg3: memref<2000x128xf32, #tpu.memory_space<vmem>>, %arg4: memref<1x128xf32, #tpu.memory_space<vmem>>, %arg5: memref<128x128xf32, #tpu.memory_space<vmem>>, %arg6: memref<2000x128xf32, #tpu.memory_space<vmem>>) attributes {dimension_semantics = [#tpu.dimension_semantics<arbitrary>], iteration_bounds = array<i64: 5>, scalar_prefetch = 0 : i64, scratch_operands = 0 : i64, tpu.core_type = #tpu.core_type<tc>, window_params = [{transform_indices = @transform_0, window_bounds = array<i64: 2000, 1>}, {transform_indices = @transform_1, window_bounds = array<i64: 2, 2000, 128>}, {transform_indices = @transform_2, window_bounds = array<i64: 2000, 128>}, {pipeline_mode = #tpu.pipeline_mode<synchronous>, transform_indices = @transform_3, window_bounds = array<i64: 1, 128>}, {pipeline_mode = #tpu.pipeline_mode<synchronous>, transform_indices = @transform_4, window_bounds = array<i64: 128, 128>}, {transform_indices = @transform_5, window_bounds = array<i64: 2000, 128>}]} {
    %get3A = arith.constant 0 : index
    %get3A_0 = arith.constant 0 : index
    %get3A_1 = vector.load %arg1[%get3A, %get3A_0] : memref<2000x1xf32, #tpu.memory_space<vmem>>, vector<2000x1xf32>
    %add3A = arith.constant 1.000000e+00 : f32
    %add3A_2 = vector.broadcast %add3A : f32 to vector<2000x1xf32>
    %add3A_3 = arith.addf %get3A_1, %add3A_2 : vector<2000x1xf32>
    %max3A = arith.constant 1.000000e+00 : f32
    %max3A_4 = vector.broadcast %max3A : f32 to vector<2000x1xf32>
    %max3A_5 = arith.maximumf %add3A_3, %max3A_4 : vector<2000x1xf32>
    %rsqrt3A = math.rsqrt %max3A_5 : vector<2000x1xf32>
    %get3A_6 = arith.constant 0 : index
    %get3A_7 = arith.constant 0 : index
    %get3A_8 = arith.constant 0 : index
    %get3A_9 = vector.load %arg2[%get3A_6, %get3A_7, %get3A_8] : memref<2x2000x128xf32, #tpu.memory_space<vmem>>, vector<1x2000x128xf32>
    %get3A_10 = vector.shape_cast %get3A_9 : vector<1x2000x128xf32> to vector<2000x128xf32>
    %get3A_11 = arith.constant 1 : index
    %get3A_12 = arith.constant 0 : index
    %get3A_13 = arith.constant 0 : index
    %get3A_14 = vector.load %arg2[%get3A_11, %get3A_12, %get3A_13] : memref<2x2000x128xf32, #tpu.memory_space<vmem>>, vector<1x2000x128xf32>
    %get3A_15 = vector.shape_cast %get3A_14 : vector<1x2000x128xf32> to vector<2000x128xf32>
    %add3A_16 = arith.addf %get3A_10, %get3A_15 : vector<2000x128xf32>
    %get3A_17 = arith.constant 0 : index
    %get3A_18 = arith.constant 0 : index
    %get3A_19 = vector.load %arg3[%get3A_17, %get3A_18] : memref<2000x128xf32, #tpu.memory_space<vmem>>, vector<2000x128xf32>
    %add3A_20 = arith.addf %add3A_16, %get3A_19 : vector<2000x128xf32>
    %mul3A = vector.broadcast %rsqrt3A : vector<2000x1xf32> to vector<2000x128xf32>
    %mul3A_21 = arith.mulf %mul3A, %add3A_20 : vector<2000x128xf32>
    %get3A_22 = arith.constant 0 : index
    %get3A_23 = arith.constant 0 : index
    %get3A_24 = vector.load %arg4[%get3A_22, %get3A_23] : memref<1x128xf32, #tpu.memory_space<vmem>>, vector<1x128xf32>
    %add3A_25 = vector.broadcast %get3A_24 : vector<1x128xf32> to vector<2000x128xf32>
    %add3A_26 = arith.addf %mul3A_21, %add3A_25 : vector<2000x128xf32>
    %max3A_27 = arith.constant 0.000000e+00 : f32
    %max3A_28 = vector.broadcast %max3A_27 : f32 to vector<2000x128xf32>
    %max3A_29 = arith.maximumf %add3A_26, %max3A_28 : vector<2000x128xf32>
    %get3A_30 = arith.constant 0 : index
    %get3A_31 = arith.constant 0 : index
    %get3A_32 = vector.load %arg5[%get3A_30, %get3A_31] : memref<128x128xf32, #tpu.memory_space<vmem>>, vector<128x128xf32>
    %dot_general3A = arith.constant dense<0.000000e+00> : vector<2000x128xf32>
    %dot_general3A_33 = tpu.matmul %max3A_29, %get3A_32, %dot_general3A {dimension_numbers = #tpu.dot_dimension_numbers<[1], [0], [0], [1], [0, 0, 1, 1], [], []>, transpose_lhs_hint = false} : vector<2000x128xf32>, vector<128x128xf32>, vector<2000x128xf32> -> vector<2000x128xf32>
    %mul3A_34 = vector.broadcast %rsqrt3A : vector<2000x1xf32> to vector<2000x128xf32>
    %mul3A_35 = arith.mulf %dot_general3A_33, %mul3A_34 : vector<2000x128xf32>
    %swap3A = arith.constant 0 : index
    %swap3A_36 = arith.constant 0 : index
    %swap3A_37 = vector.load %arg6[%swap3A, %swap3A_36] : memref<2000x128xf32, #tpu.memory_space<vmem>>, vector<2000x128xf32>
    tpu.vector_store %arg6[%swap3A, %swap3A_36], %mul3A_35 {strides = array<i32>} : memref<2000x128xf32, #tpu.memory_space<vmem>>, vector<2000x128xf32>,
    return
  }
  func.func @transform_0(%arg0: i32) -> (i32, i32) {
    %c0_i32 = arith.constant 0 : i32
    %c0_i32_0 = arith.constant 0 : i32
    return %arg0, %c0_i32 : i32, i32
  }
  func.func @transform_1(%arg0: i32) -> (i32, i32, i32) {
    %c0_i32 = arith.constant 0 : i32
    %c0_i32_0 = arith.constant 0 : i32
    %c0_i32_1 = arith.constant 0 : i32
    return %c0_i32, %arg0, %c0_i32_0 : i32, i32, i32
  }
  func.func @transform_2(%arg0: i32) -> (i32, i32) {
    %c0_i32 = arith.constant 0 : i32
    %c0_i32_0 = arith.constant 0 : i32
    return %arg0, %c0_i32 : i32, i32
  }
  func.func @transform_3(%arg0: i32) -> (i32, i32) {
    %c0_i32 = arith.constant 0 : i32
    %c0_i32_0 = arith.constant 0 : i32
    %c0_i32_1 = arith.constant 0 : i32
    return %c0_i32, %c0_i32_0 : i32, i32
  }
  func.func @transform_4(%arg0: i32) -> (i32, i32) {
    %c0_i32 = arith.constant 0 : i32
    %c0_i32_0 = arith.constant 0 : i32
    %c0_i32_1 = arith.constant 0 : i32
    return %c0_i32, %c0_i32_0 : i32, i32
  }
  func.func @transform_5(%arg0: i32) -> (i32, i32) {
    %c0_i32 = arith.constant 0 : i32
    %c0_i32_0 = arith.constant 0 : i32
    return %arg0, %c0_i32 : i32, i32
  }
}

module attributes {stable_mosaic.version = 14 : i64} {
  func.func @_combine_body(%arg0: i32, %arg1: memref<2000x1xf32, #tpu.memory_space<vmem>>, %arg2: memref<2x2000x128xf32, #tpu.memory_space<vmem>>, %arg3: memref<2000x128xf32, #tpu.memory_space<vmem>>, %arg4: memref<1x128xf32, #tpu.memory_space<vmem>>, %arg5: memref<2000x128xf32, #tpu.memory_space<vmem>>) attributes {dimension_semantics = [#tpu.dimension_semantics<arbitrary>], iteration_bounds = array<i64: 5>, scalar_prefetch = 0 : i64, scratch_operands = 0 : i64, tpu.core_type = #tpu.core_type<tc>, window_params = [{transform_indices = @transform_0, window_bounds = array<i64: 2000, 1>}, {transform_indices = @transform_1, window_bounds = array<i64: 2, 2000, 128>}, {transform_indices = @transform_2, window_bounds = array<i64: 2000, 128>}, {pipeline_mode = #tpu.pipeline_mode<synchronous>, transform_indices = @transform_3, window_bounds = array<i64: 1, 128>}, {transform_indices = @transform_4, window_bounds = array<i64: 2000, 128>}]} {
    %get3A = arith.constant 0 : index
    %get3A_0 = arith.constant 0 : index
    %get3A_1 = vector.load %arg1[%get3A, %get3A_0] : memref<2000x1xf32, #tpu.memory_space<vmem>>, vector<2000x1xf32>
    %add3A = arith.constant 1.000000e+00 : f32
    %add3A_2 = vector.broadcast %add3A : f32 to vector<2000x1xf32>
    %add3A_3 = arith.addf %get3A_1, %add3A_2 : vector<2000x1xf32>
    %max3A = arith.constant 1.000000e+00 : f32
    %max3A_4 = vector.broadcast %max3A : f32 to vector<2000x1xf32>
    %max3A_5 = arith.maximumf %add3A_3, %max3A_4 : vector<2000x1xf32>
    %rsqrt3A = math.rsqrt %max3A_5 : vector<2000x1xf32>
    %get3A_6 = arith.constant 0 : index
    %get3A_7 = arith.constant 0 : index
    %get3A_8 = arith.constant 0 : index
    %get3A_9 = vector.load %arg2[%get3A_6, %get3A_7, %get3A_8] : memref<2x2000x128xf32, #tpu.memory_space<vmem>>, vector<1x2000x128xf32>
    %get3A_10 = vector.shape_cast %get3A_9 : vector<1x2000x128xf32> to vector<2000x128xf32>
    %get3A_11 = arith.constant 1 : index
    %get3A_12 = arith.constant 0 : index
    %get3A_13 = arith.constant 0 : index
    %get3A_14 = vector.load %arg2[%get3A_11, %get3A_12, %get3A_13] : memref<2x2000x128xf32, #tpu.memory_space<vmem>>, vector<1x2000x128xf32>
    %get3A_15 = vector.shape_cast %get3A_14 : vector<1x2000x128xf32> to vector<2000x128xf32>
    %add3A_16 = arith.addf %get3A_10, %get3A_15 : vector<2000x128xf32>
    %get3A_17 = arith.constant 0 : index
    %get3A_18 = arith.constant 0 : index
    %get3A_19 = vector.load %arg3[%get3A_17, %get3A_18] : memref<2000x128xf32, #tpu.memory_space<vmem>>, vector<2000x128xf32>
    %add3A_20 = arith.addf %add3A_16, %get3A_19 : vector<2000x128xf32>
    %mul3A = vector.broadcast %rsqrt3A : vector<2000x1xf32> to vector<2000x128xf32>
    %mul3A_21 = arith.mulf %mul3A, %add3A_20 : vector<2000x128xf32>
    %get3A_22 = arith.constant 0 : index
    %get3A_23 = arith.constant 0 : index
    %get3A_24 = vector.load %arg4[%get3A_22, %get3A_23] : memref<1x128xf32, #tpu.memory_space<vmem>>, vector<1x128xf32>
    %add3A_25 = vector.broadcast %get3A_24 : vector<1x128xf32> to vector<2000x128xf32>
    %add3A_26 = arith.addf %mul3A_21, %add3A_25 : vector<2000x128xf32>
    %swap3A = arith.constant 0 : index
    %swap3A_27 = arith.constant 0 : index
    %swap3A_28 = vector.load %arg5[%swap3A, %swap3A_27] : memref<2000x128xf32, #tpu.memory_space<vmem>>, vector<2000x128xf32>
    tpu.vector_store %arg5[%swap3A, %swap3A_27], %add3A_26 {strides = array<i32>} : memref<2000x128xf32, #tpu.memory_space<vmem>>, vector<2000x128xf32>,
    return
  }
  func.func @transform_0(%arg0: i32) -> (i32, i32) {
    %c0_i32 = arith.constant 0 : i32
    %c0_i32_0 = arith.constant 0 : i32
    return %arg0, %c0_i32 : i32, i32
  }
  func.func @transform_1(%arg0: i32) -> (i32, i32, i32) {
    %c0_i32 = arith.constant 0 : i32
    %c0_i32_0 = arith.constant 0 : i32
    %c0_i32_1 = arith.constant 0 : i32
    return %c0_i32, %arg0, %c0_i32_0 : i32, i32, i32
  }
  func.func @transform_2(%arg0: i32) -> (i32, i32) {
    %c0_i32 = arith.constant 0 : i32
    %c0_i32_0 = arith.constant 0 : i32
    return %arg0, %c0_i32 : i32, i32
  }
  func.func @transform_3(%arg0: i32) -> (i32, i32) {
    %c0_i32 = arith.constant 0 : i32
    %c0_i32_0 = arith.constant 0 : i32
    %c0_i32_1 = arith.constant 0 : i32
    return %c0_i32, %c0_i32_0 : i32, i32
  }
  func.func @transform_4(%arg0: i32) -> (i32, i32) {
    %c0_i32 = arith.constant 0 : i32
    %c0_i32_0 = arith.constant 0 : i32
    return %arg0, %c0_i32 : i32, i32
  }
}

</mosaic_0001>

<sc_bundles>
// kernel: kernel.11.cloned.1.call-start
scs
__scs_entry_jumppad:
0x0: {  	(pc) =	sbr.rel $0x88, $3  }
0x1: {  	(tag) =	ssettag $0x0;
	lr =	simm.s32 $0x1  }
0x2: {  	[smem:$0x3F9B] =	sst lr;
	_ =	strace $0xD0000000  }
0x3: {  	_ = 	snop  }
0x4: {  	_ = 	snop  }
0x5: {  	_ = 	snop  }
0x6: {  	_ = 	snop  }
0x7: {  	_ = 	snop  }
__scs_overlays_trampoline_lowered:
0x8: {  	[smem:$0x3FAA] =	sst s0  }
0x9: {  	[smem:$0x3FAB] =	sst s1  }
0xa: {  	[smem:$0x3FAC] =	sst s2  }
0xb: {  	[smem:$0x3FAD] =	sst s3  }
0xc: {  	[smem:$0x3FAE] =	sst s4  }
0xd: {  	[smem:$0x3FAF] =	sst s5  }
0xe: {  	[smem:$0x3FB0] =	sst s6  }
0xf: {  	[smem:$0x3FB1] =	sst s7  }
0x10: {  	[smem:$0x3FB2] =	sst s8  }
0x11: {  	[smem:$0x3FB3] =	sst s9;
	s0 =	simm.s32 @!p0 $0x0  }
0x12: {  	s1 =	sld [smem:$0x3F99];
	s0 =	simm.s32 @p0 $0x1  }
0x13: {  	[smem:$0x3FB4] =	sst s0;
	s0 =	simm.s32 @!p1 $0x0  }
0x14: {  	s2 =	sld [smem:$0x3F98];
	s0 =	simm.s32 @p1 $0x1  }
0x15: {  	[smem:$0x3FB5] =	sst s0;
	s0 =	simm.s32 @!p2 $0x0  }
0x16: {  	s3 =	sld [smem:$0x3FDB];
	s0 =	simm.s32 @p2 $0x1  }
0x17: {  	s4 =	simm.s32 $0x1BF5;
	[smem:$0x3FB7] =	sst s0  }
0x18: {  	s0 =	sld [smem:$0x3F9A];
	_ =	swait.ge [sflag:s4], $0x0  }
0x19: {  	s7 =	sld [smem:$0x3F9B]  }
0x1a: {  	s8 =	sadd.s32 $0xFFFFE003, lr  }
0x1b: {  	s9 =	sadd.s32 $0xFFFFFEF7, lr;
	s5 =	simm.s32 $0xFFFFFFFF;
	p2 =	slt.u32 s8, $0xFFFFF086  }
0x1c: {  	p1 =	slt.u32 s9, $0xF7A;
	s5 =	simm.s32 @!p2 $0x0  }
0x1d: {  	s5 =	simm.s32 @p1 $0x1;
	p0 =	seq.s32 s7, s2  }
0x1e: {  	s7 =	smul.u32 @!p0 $0xF7A, s2;
	p2 =	seq.s32 @!p0 s5, $0x0  }
0x1f: {  	s9 =	smul.u32 $0xF7A, s1;
	s8 =	simm.s32 @!p0 $0x1BF5;
	p2 =	por !p2, p0  }
0x20: {  	[sflag:s8] =	ssyncset.s32 @!p0 $0xFFFFF086;
	s6 =	sadd.s32 @!p0 s3, s7;
	s7 =	simm.s32 @!p0 $0x108  }
0x21: {  	s3 =	sadd.s32 s3, s9;
	s6 =	sadd.s32 @!p0 $0x88, s6;
	s7 =	simm.s32 @p2 $0x1082  }
0x22: {  	[simem:s7], [sflag:s8] =	dma.local @!p0 [hbm:s6], $0xF7A  }
0x23: {  	s9 =	sor.u32 $0xD0000000, s2;
	s6 =	simm.s32 $0x108;
	_ =	swait.ge @!p0 [sflag:s8], $0x0  }
0x24: {  	s3 =	sadd.s32 $0x88, s3;
	s6 =	simm.s32 @!p1 $0x1082;
	[sflag:s4] =	ssyncset.s32 $0xFFFFF086  }
0x25: {  	[simem:s6], [sflag:s4] =	dma.local [hbm:s3], $0xF7A  }
0x26: {  	[smem:$0x3F9B] =	sst s1;
	(tag) =	ssettag s2;
	_ =	strace s9  }
0x27: {  	s1 =	sld [smem:$0x3FAB]  }
0x28: {  	s2 =	sld [smem:$0x3FAC]  }
0x29: {  	s4 =	sld [smem:$0x3FAE]  }
0x2a: {  	p0 =	seq.s32 s5, $0x0;
	s5 =	sld [smem:$0x3FAF]  }
0x2b: {  	s6 =	sld [smem:$0x3FB0]  }
0x2c: {  	s7 =	sld [smem:$0x3FB1]  }
0x2d: {  	s3 =	simm.s32 $0x108;
	s8 =	sld [smem:$0x3FB2]  }
0x2e: {  	s3 =	simm.s32 @!p0 $0x1082;
	s9 =	sld [smem:$0x3FB3]  }
0x2f: {  	lr =	sadd.s32 s0, s3;
	s0 =	sld [smem:$0x3FAA]  }
0x30: {  	s3 =	sld [smem:$0x3FAD]  }
0x31: {  	[smem:$0x3FB6] =	sst s10  }
0x32: {  	s10 =	sld [smem:$0x3FB4];
	_ =	sdelay $0x3  }
0x33: {  	p0 =	seq.s32 s10, $0x1;
	s10 =	sld [smem:$0x3FB6];
	_ =	sdelay $0x3  }
0x34: {  	[smem:$0x3FB6] =	sst s10  }
0x35: {  	s10 =	sld [smem:$0x3FB5];
	_ =	sdelay $0x3  }
0x36: {  	p1 =	seq.s32 s10, $0x1;
	s10 =	sld [smem:$0x3FB6];
	_ =	sdelay $0x3  }
0x37: {  	[smem:$0x3FB6] =	sst s10  }
0x38: {  	s10 =	sld [smem:$0x3FB7]  }
0x39: {  	_ = 	snop;
	(pc) =	sbr.ind lr, $3  }
0x3a: {  	_ = 	snop  }
0x3b: {  	_ = 	snop  }
0x3c: {  	p2 =	seq.s32 s10, $0x1;
	s10 =	sld [smem:$0x3FB6]  }
0x3d: {  	_ =	shalt  }
0x3e: {  	_ =	shalt  }
0x3f: {  	_ =	shalt  }
0x40: {  	_ =	shalt  }
0x41: {  	_ =	shalt  }
0x42: {  	_ =	shalt  }
0x43: {  	_ =	shalt  }
0x44: {  	_ =	shalt  }
0x45: {  	_ =	shalt  }
0x46: {  	_ =	shalt  }
0x47: {  	_ =	shalt  }
0x48: {  	_ =	shalt  }
0x49: {  	_ =	shalt  }
0x4a: {  	_ =	shalt  }
0x4b: {  	_ =	shalt  }
0x4c: {  	_ =	shalt  }
0x4d: {  	_ =	shalt  }
0x4e: {  	_ =	shalt  }
0x4f: {  	_ =	shalt  }
0x50: {  	_ =	shalt  }
0x51: {  	_ =	shalt  }
0x52: {  	_ =	shalt  }
0x53: {  	_ =	shalt  }
0x54: {  	_ =	shalt  }
0x55: {  	_ =	shalt  }
0x56: {  	_ =	shalt  }
0x57: {  	_ =	shalt  }
0x58: {  	_ =	shalt  }
0x59: {  	_ =	shalt  }
0x5a: {  	_ =	shalt  }
0x5b: {  	_ =	shalt  }
0x5c: {  	_ =	shalt  }
0x5d: {  	_ =	shalt  }
0x5e: {  	_ =	shalt  }
0x5f: {  	_ =	shalt  }
0x60: {  	_ =	shalt  }
0x61: {  	_ =	shalt  }
0x62: {  	_ =	shalt  }
0x63: {  	_ =	shalt  }
0x64: {  	_ =	shalt  }
0x65: {  	_ =	shalt  }
0x66: {  	_ =	shalt  }
0x67: {  	_ =	shalt  }
0x68: {  	_ =	shalt  }
0x69: {  	_ =	shalt  }
0x6a: {  	_ =	shalt  }
0x6b: {  	_ =	shalt  }
0x6c: {  	_ =	shalt  }
0x6d: {  	_ =	shalt  }
0x6e: {  	_ =	shalt  }
0x6f: {  	_ =	shalt  }
0x70: {  	_ =	shalt  }
0x71: {  	_ =	shalt  }
0x72: {  	_ =	shalt  }
0x73: {  	_ =	shalt  }
0x74: {  	_ =	shalt  }
0x75: {  	_ =	shalt  }
0x76: {  	_ =	shalt  }
0x77: {  	_ =	shalt  }
0x78: {  	_ =	shalt  }
0x79: {  	_ =	shalt  }
0x7a: {  	_ =	shalt  }
0x7b: {  	_ =	shalt  }
0x7c: {  	_ =	shalt  }
0x7d: {  	_ =	shalt  }
0x7e: {  	_ =	shalt  }
0x7f: {  	_ =	shalt  }
0x80: {  	_ =	shalt  }
0x81: {  	_ =	shalt  }
0x82: {  	_ =	shalt  }
0x83: {  	_ =	shalt  }
0x84: {  	_ =	shalt  }
0x85: {  	_ =	shalt  }
0x86: {  	_ =	shalt  }
0x87: {  	_ =	shalt  }
.Lfunc_end0:
.L_simem_size_0:
called_computation.1_lowered:
.L_overlay_start_0:
0x88: {  	s2 =	sld [smem:$0x3FD9]  }
0x89: {  	s3 =	sld [smem:$0x3FFE];
	_ =	sdelay $0x1  }
0x8a: {  	s1 =	srdreg.scid  }
0x8b: {  	s0 =	sand.u32 $0x1, s1  }
0x8c: {  	s17 =	sshll.u32 s0, $0xA;
	s2 =	sadd.s32 s3, s2  }
0x8d: {  	s2 =	sadd.s32 s2, s17  }
0x8e: {  	[smem:$0x3FC2] =	sst s2  }
0x8f: {  	_ = 	snop  }
0x90: {  	s2 =	sld [smem:$0x3FD0];
	(tm) =	ssettm $0x1  }
0x91: {  	s18 =	sld [smem:$0x3FFB];
	_ =	sdelay $0x3  }
0x92: {  	_ =	strace s18  }
0x93: {  	s3 =	sld [smem:$0x3FFC];
	_ =	sdelay $0x3  }
0x94: {  	_ =	strace s3  }
0x95: {  	s3 =	sld [smem:$0x3FFD];
	_ =	sdelay $0x3  }
0x96: {  	_ =	strace s3  }
0x97: {  	_ =	strace $0x8FFFFFFF  }
0x98: {  	s19 =	sld [smem:$0x3FDB];
	_ =	sdelay $0x1  }
0x99: {  	s4 =	simm.s32 $_scs_section_size  }
0x9a: {  	s5 =	simm.s32 $_size__tile_overlayer_lowered;
	s6 =	simm.s32 $_tile_overlayer_lowered  }
0x9b: {  	s22 =	simm.s32 $0x1BFF;
	s21 =	sshll.u32 s6, $0x1;
	s3 =	sadd.s32 s4, s19  }
0x9c: {  	s7 =	simm.s32 $0x0;
	s20 =	sshll.u32 s5, $0x1;
	s5 =	sadd.s32 s21, s3  }
0x9d: {  	[timem:s7], [sflag:s22] =	dma.local [hbm:s5], s20  }
0x9e: {  	_ =	swait.ge [sflag:s22], s20  }
0x9f: {  	s4 =	ssub.s32 $0x0, s20;
	[sflag:s22] =	ssyncset.done $0x0  }
0xa0: {  	[sflag:s22] =	ssyncadd.s32 s4;
	_ =	sdelay $0x1  }
0xa1: {  	s23 =	simm.s32 $0x1B8B  }
0xa2: {  	_ =	swait.ge [sflag:s23], $0x1  }
0xa3: {  	[sflag:s23] =	ssyncset.done $0x0  }
0xa4: {  	s25 =	simm.s32 $0x1B8E;
	s24 =	sld [smem:$0x3FFE];
	[sflag:s23] =	ssyncadd.s32 $0xFFFFFFFF  }
0xa5: {  	s26 =	simm.s32 $execute0_lowered;
	[smem:$0x3FD2] =	sst s25  }
0xa6: {  	s5 =	sshll.u32 s26, $0x1;
	_ =	strace $0x80000049;
	[dreg:$0x1] =	wrdreg $0xFFFFFFFF  }
0xa7: {  	s28 =	simm.s32 $_size_execute0_lowered;
	s3 =	sadd.s32 s3, s5;
	[dreg:$0x0] =	wrdreg $0x0  }
0xa8: {  	s5 =	sshll.u32 s28, $0x1;
	[dreg:$0x2] =	wrdreg s3  }
0xa9: {  	[dreg:$0x3] =	wrdreg s5  }
0xaa: {  	[dreg:$0x4] =	wrdreg $0xC0  }
0xab: {  	_ =	task [dreg:s7], $0x5FFFF  }
0xac: {  	[dreg:$0x1] =	wrdreg $0xFFFFFFFF  }
0xad: {  	[dreg:$0x0] =	wrdreg $0x60  }
0xae: {  	[dreg:$0x2] =	wrdreg s24  }
0xaf: {  	[dreg:$0x3] =	wrdreg s2  }
0xb0: {  	[dreg:$0x4] =	wrdreg $0xA8000  }
0xb1: {  	[dreg:$0x5] =	wrdreg $0x9  }
0xb2: {  	_ =	task.clear_ibuf [dreg:s7], $0x6FFFF;
	_ =	strace $0x90000049  }
0xb3: {  	s29 =	simm.s32 $0x9;
	_ =	strace $0x8000004B  }
0xb4: {  	_ =	swait.ge [sflag:s29], $0x1  }
0xb5: {  	[sflag:s29] =	ssyncadd.s32 $0xFFFFFFFF  }
0xb6: {  	_ =	strace $0x9000004B  }
0xb7: {  	_ =	sfence  }
0xb8: {  	s30 =	sld [smem:$0x0];
	_ =	sdelay $0x2  }
0xb9: {  	s31 =	sshll.u32 s1, $0xD;
	s1 =	sshrl.u32 s1, $0x2  }
0xba: {  	s3 =	sand.u32 $0x4000, s31;
	s1 =	sadd.s32 s1, s30  }
0xbb: {  	s0 =	sor.u32 s3, s0;
	s1 =	sshll.u32 s1, $0x11  }
0xbc: {  	s0 =	sor.u32 s1, s0  }
0xbd: {  	s0 =	sadd.s32 $0x8F2B, s0  }
0xbe: {  	[sflag:s0] =	ssyncadd.remote.s32 $0x1  }
0xbf: {  	_ =	sfence.sel $0xFFFF  }
0xc0: {  	[dreg:$0x0] =	wrdreg $0xFFFFFFFF;
	(pc) =	sbr.abs _section_cstart, $3  }
0xc1: {  	[dreg:$0x1] =	wrdreg $0xFFFFFFFF  }
0xc2: {  	_ =	task.clear_ibuf [dreg:s7], $0x2FFFF;
	_ =	strace $0x9FFFFFFF  }
0xc3: {  	(tm) =	ssettm $0x7FFFFFFF  }
tec
execute0_lowered:
.L_overlay_start_1:
0x0: {  	(tag) =	ssettag $0x1  }
0x1: {  	s0 =	rddreg [dreg:$0x0]  }
0x2: {  	s1 =	rddreg [dreg:$0x1]  }
0x3: {  	s3 =	rddreg [dreg:$0x2]  }
0x4: {  	s2 =	srdreg.scid;
	s10 =	stileid.u32;
	s4 =	simm.s32 $0x0  }
0x5: {  	s12 =	simm.s32 $0x5;
	s17 =	simm.s32 $0x1400;
	s28 =	simm.s32 $0x2  }
0x6: {  	s29 =	simm.s32 $0x3;
	s30 =	simm.s32 $0x4;
	s31 =	simm.s32 $0x2600  }
0x7: {  	s2 =	sand.u32 $0x1, s2;
	s7 =	smul.u32 $0x14000, s10;
	[smem:$0x7FF] =	sst s4  }
0x8: {  	s18 =	smul.u32 $0x50000, s10;
	s21 =	sshll.u32 s10, $0x6;
	s5 =	sshll.u32 s2, $0x4  }
0x9: {  	s6 =	smul.u32 $0x140000, s2;
	_ =	strace $0x8000004A;
	s2 =	ssub.s32 $0x2, s2  }
0xa: {  	s5 =	sor.u32 s10, s5;
	s19 =	sshrl.u32 s18, $0x2;
	s20 =	sshrl.u32 s2, $0x1  }
0xb: {  	s18 =	simm.s32 $0x40;
	s5 =	smul.u32 $0xA00, s5;
	s6 =	sadd.s32 s7, s6  }
0xc: {  	s9 =	sadd.s32 s19, s3;
	s2 =	ssub.s32 s2, s20;
	s19 =	simm.s32 $0x2800  }
0xd: {  	s20 =	simm.s32 $0x80;
	s6 =	sshrl.u32 s6, $0x3;
	s22 =	sadd.s32 $0x4000, s9  }
0xe: {  	s13 =	sadd.s32 $0x8000, s9;
	s14 =	sadd.s32 $0xC000, s9;
	s16 =	sadd.s32 $0x10000, s9  }
0xf: {  	s23 =	smax.u32 s2, $0x1;
	s11 =	sshrl.u32 s9, $0x3;
	s2 =	simm.s32 $0x2700  }
0x10: {  	s9 =	simm.s32 $0x2780;
	s8 =	sadd.s32 s5, s0;
	s5 =	sadd.s32 $0x2800, s0  }
0x11: {  	s0 =	sadd.s32 s6, s0;
	s6 =	sor.u32 $0x1C05, s21;
	[dreg:$0x5] =	wrdreg s23  }
0x12: {  	s24 =	sshrl.u32 s22, $0x3;
	s25 =	sshrl.u32 s13, $0x3;
	s26 =	sshrl.u32 s14, $0x3  }
0x13: {  	s16 =	sshrl.u32 s16, $0x3;
	s21 =	simm.s32 $0x4800;
	s22 =	simm.s32 $0x100  }
0x14: {  	s23 =	simm.s32 $0x6800;
	s7 =	sadd.s32 $0x17400, s8;
	[dreg:$0x6] =	wrdreg s24  }
0x15: {  	s8 =	sadd.s32 $0x3400, s8;
	s0 =	sadd.s32 $0x2B400, s0;
	[dreg:$0x7] =	wrdreg s25  }
0x16: {  	[dreg:$0x8] =	wrdreg s26;
	s24 =	simm.s32 $0x180;
	s25 =	simm.s32 $0x8800  }
0x17: {  	s26 =	simm.s32 $0x1;
	[dreg:$0x4] =	wrdreg s0;
	s0 =	simm.s32 $0x2680  }
.LBB2_1:
0x18: {  	[spmem:s11], [sflag:s6] =	dma.local [hbm:s5], $0x800  }
0x19: {  	_ =	swait.ge [sflag:s12], $0x800  }
0x1a: {  	[sflag:s12] =	ssyncset.done $0x0  }
0x1b: {  	s10 =	rddreg [dreg:$0x6];
	[sflag:s12] =	ssyncadd.s32 $0xFFFFF800  }
0x1c: {  	[spmem:s10], [sflag:s6] =	dma.local [hbm:s5], $0x800  }
0x1d: {  	_ =	swait.ge [sflag:s12], $0x800  }
0x1e: {  	[sflag:s12] =	ssyncset.done $0x0  }
0x1f: {  	s14 =	rddreg [dreg:$0x7];
	[sflag:s12] =	ssyncadd.s32 $0xFFFFF800  }
0x20: {  	[spmem:s14], [sflag:s6] =	dma.local [hbm:s5], $0x800  }
0x21: {  	_ =	swait.ge [sflag:s12], $0x800  }
0x22: {  	[sflag:s12] =	ssyncset.done $0x0  }
0x23: {  	s15 =	rddreg [dreg:$0x8];
	[sflag:s12] =	ssyncadd.s32 $0xFFFFF800  }
0x24: {  	[spmem:s15], [sflag:s6] =	dma.local [hbm:s5], $0x800  }
0x25: {  	_ =	swait.ge [sflag:s12], $0x800  }
0x26: {  	[sflag:s12] =	ssyncset.done $0x0  }
0x27: {  	[sflag:s12] =	ssyncadd.s32 $0xFFFFF800  }
0x28: {  	[spmem:s16], [sflag:s6] =	dma.local [hbm:s5], $0x800  }
0x29: {  	_ =	swait.ge [sflag:s12], $0x800  }
0x2a: {  	[sflag:s12] =	ssyncset.done $0x0  }
0x2b: {  	[sflag:s12] =	ssyncadd.s32 $0xFFFFF800  }
0x2c: {  	s10 =	simm.s32 $0x0;
	[bflag:$0x0] =	sbarrier.arrive $0xFFFF  }
.LBB2_2:
0x2d: {  	s13 =	smul.u32 $0x280, s10;
	_ =	sdelay $0x1  }
0x2e: {  	s15 =	simm.s32 $0x0;
	s14 =	sadd.s32 s13, s7  }
0x2f: {  	[tilespmem:s15], [sflag:$0x5] =	stream.linear.gather [hbm4b:s14+s15], $0x1400, $0x38;
	[tilespmem:$0x1E800] =	vst v63  }
0x30: {  	_ =	swait.ge [sflag:s12], $0x1400  }
0x31: {  	[sflag:s12] =	ssyncset.done $0x0  }
0x32: {  	s13 =	sadd.s32 s13, s8;
	[sflag:s12] =	ssyncadd.s32 $0xFFFFEC00  }
0x33: {  	[tilespmem:s17], [sflag:$0x5] =	stream.linear.gather [hbm4b:s13+s15], $0x1400, $0x38;
	[tilespmem:$0x1E800] =	vst v63  }
0x34: {  	_ =	swait.ge [sflag:s12], $0x1400  }
0x35: {  	[sflag:s12] =	ssyncset.done $0x0  }
0x36: {  	[sflag:s12] =	ssyncadd.s32 $0xFFFFEC00  }
0x37: {  	[tilespmem:s19], [sflag:$0x1] =	stream.indirect.gather [hbm4b:s1+s18], $0x80, s15, s18, $0xb8;
	[tilespmem:$0x1E800] =	vst v63  }
0x38: {  	_ = 	snop  }
0x39: {  	[tilespmem:s21], [sflag:$0x2] =	stream.indirect.gather [hbm4b:s1+s18], $0x80, s20, s18, $0xb8;
	[tilespmem:$0x1E800] =	vst v63  }
0x3a: {  	_ = 	snop  }
0x3b: {  	[tilespmem:s23], [sflag:$0x3] =	stream.indirect.gather [hbm4b:s1+s18], $0x80, s22, s18, $0xb8;
	[tilespmem:$0x1E800] =	vst v63  }
0x3c: {  	_ = 	snop  }
0x3d: {  	[tilespmem:s25], [sflag:$0x4] =	stream.indirect.gather [hbm4b:s1+s18], $0x80, s24, s18, $0xb8;
	[tilespmem:$0x1E800] =	vst v63  }
0x3e: {  	_ =	swait.ge [sflag:s26], $0x2000  }
0x3f: {  	[sflag:s26] =	ssyncset.done $0x0  }
0x40: {  	s15 =	simm.s32 $0x1400;
	[sflag:s26] =	ssyncadd.s32 $0xFFFFE000  }
0x41: {  	[spmem:s3] =	stream.indirect.scatter.add.f32 [tilespmem:s19], [sflag:$0x5], $0x80, s15, s18, $0xb8;
	[tilespmem:$0x1E800] =	vst v63  }
0x42: {  	_ =	swait.ge [sflag:s12], $0x2000  }
0x43: {  	[sflag:s12] =	ssyncset.done $0x0  }
0x44: {  	s14 =	simm.s32 $0x200;
	[sflag:s12] =	ssyncadd.s32 $0xFFFFE000  }
0x45: {  	[tilespmem:s19], [sflag:$0x1] =	stream.indirect.gather [hbm4b:s1+s18], $0x80, s14, s18, $0xb8;
	[tilespmem:$0x1E800] =	vst v63  }
0x46: {  	_ =	swait.ge [sflag:s28], $0x2000  }
0x47: {  	[sflag:s28] =	ssyncset.done $0x0  }
0x48: {  	s15 =	simm.s32 $0x1480;
	[sflag:s28] =	ssyncadd.s32 $0xFFFFE000  }
0x49: {  	[spmem:s3] =	stream.indirect.scatter.add.f32 [tilespmem:s21], [sflag:$0x5], $0x80, s15, s18, $0xb8;
	[tilespmem:$0x1E800] =	vst v63  }
0x4a: {  	_ =	swait.ge [sflag:s12], $0x2000  }
0x4b: {  	[sflag:s12] =	ssyncset.done $0x0  }
0x4c: {  	s14 =	simm.s32 $0x280;
	[sflag:s12] =	ssyncadd.s32 $0xFFFFE000  }
0x4d: {  	[tilespmem:s21], [sflag:$0x2] =	stream.indirect.gather [hbm4b:s1+s18], $0x80, s14, s18, $0xb8;
	[tilespmem:$0x1E800] =	vst v63  }
0x4e: {  	_ =	swait.ge [sflag:s29], $0x2000  }
0x4f: {  	[sflag:s29] =	ssyncset.done $0x0  }
0x50: {  	s15 =	simm.s32 $0x1500;
	[sflag:s29] =	ssyncadd.s32 $0xFFFFE000  }
0x51: {  	[spmem:s3] =	stream.indirect.scatter.add.f32 [tilespmem:s23], [sflag:$0x5], $0x80, s15, s18, $0xb8;
	[tilespmem:$0x1E800] =	vst v63  }
0x52: {  	_ =	swait.ge [sflag:s12], $0x2000  }
0x53: {  	[sflag:s12] =	ssyncset.done $0x0  }
0x54: {  	s14 =	simm.s32 $0x300;
	[sflag:s12] =	ssyncadd.s32 $0xFFFFE000  }
0x55: {  	[tilespmem:s23], [sflag:$0x3] =	stream.indirect.gather [hbm4b:s1+s18], $0x80, s14, s18, $0xb8;
	[tilespmem:$0x1E800] =	vst v63  }
0x56: {  	_ =	swait.ge [sflag:s30], $0x2000  }
0x57: {  	[sflag:s30] =	ssyncset.done $0x0  }
0x58: {  	s15 =	simm.s32 $0x1580;
	[sflag:s30] =	ssyncadd.s32 $0xFFFFE000  }
0x59: {  	[spmem:s3] =	stream.indirect.scatter.add.f32 [tilespmem:s25], [sflag:$0x5], $0x80, s15, s18, $0xb8;
	[tilespmem:$0x1E800] =	vst v63  }
0x5a: {  	_ =	swait.ge [sflag:s12], $0x2000  }
0x5b: {  	[sflag:s12] =	ssyncset.done $0x0  }
0x5c: {  	s13 =	simm.s32 $0x800;
	s14 =	simm.s32 $0x380;
	[sflag:s12] =	ssyncadd.s32 $0xFFFFE000  }
.LBB2_3:
0x5d: {  	[tilespmem:s25], [sflag:$0x4] =	stream.indirect.gather [hbm4b:s1+s18], $0x80, s14, s18, $0xb8;
	[tilespmem:$0x1E800] =	vst v63  }
0x5e: {  	s14 =	smov.u32 s13  }
0x5f: {  	p0 =	sne.s32 s13, $0x4000;
	s13 =	sadd.s32 $0x800, s13;
	_ =	swait.ge [sflag:s26], $0x2000  }
0x60: {  	s14 =	sshra.s32 s14, $0x2;
	[sflag:s26] =	ssyncset.done $0x0  }
0x61: {  	s15 =	sadd.s32 $0x1400, s14;
	[sflag:s26] =	ssyncadd.s32 $0xFFFFE000  }
0x62: {  	[spmem:s3] =	stream.indirect.scatter.add.f32 [tilespmem:s19], [sflag:$0x5], $0x80, s15, s18, $0xb8;
	[tilespmem:$0x1E800] =	vst v63  }
0x63: {  	_ =	swait.ge [sflag:s12], $0x2000  }
0x64: {  	[sflag:s12] =	ssyncset.done $0x0  }
0x65: {  	s15 =	sadd.s32 $0x200, s14;
	[sflag:s12] =	ssyncadd.s32 $0xFFFFE000  }
0x66: {  	[tilespmem:s19], [sflag:$0x1] =	stream.indirect.gather [hbm4b:s1+s18], $0x80, s15, s18, $0xb8;
	[tilespmem:$0x1E800] =	vst v63  }
0x67: {  	_ =	swait.ge [sflag:s28], $0x2000  }
0x68: {  	[sflag:s28] =	ssyncset.done $0x0  }
0x69: {  	s15 =	sadd.s32 $0x1480, s14;
	[sflag:s28] =	ssyncadd.s32 $0xFFFFE000  }
0x6a: {  	[spmem:s3] =	stream.indirect.scatter.add.f32 [tilespmem:s21], [sflag:$0x5], $0x80, s15, s18, $0xb8;
	[tilespmem:$0x1E800] =	vst v63  }
0x6b: {  	_ =	swait.ge [sflag:s12], $0x2000  }
0x6c: {  	[sflag:s12] =	ssyncset.done $0x0  }
0x6d: {  	s15 =	sadd.s32 $0x280, s14;
	[sflag:s12] =	ssyncadd.s32 $0xFFFFE000  }
0x6e: {  	[tilespmem:s21], [sflag:$0x2] =	stream.indirect.gather [hbm4b:s1+s18], $0x80, s15, s18, $0xb8;
	[tilespmem:$0x1E800] =	vst v63  }
0x6f: {  	_ =	swait.ge [sflag:s29], $0x2000  }
0x70: {  	[sflag:s29] =	ssyncset.done $0x0  }
0x71: {  	s15 =	sadd.s32 $0x1500, s14;
	[sflag:s29] =	ssyncadd.s32 $0xFFFFE000  }
0x72: {  	[spmem:s3] =	stream.indirect.scatter.add.f32 [tilespmem:s23], [sflag:$0x5], $0x80, s15, s18, $0xb8;
	[tilespmem:$0x1E800] =	vst v63  }
0x73: {  	_ =	swait.ge [sflag:s12], $0x2000  }
0x74: {  	[sflag:s12] =	ssyncset.done $0x0  }
0x75: {  	s15 =	sadd.s32 $0x300, s14;
	[sflag:s12] =	ssyncadd.s32 $0xFFFFE000  }
0x76: {  	[tilespmem:s23], [sflag:$0x3] =	stream.indirect.gather [hbm4b:s1+s18], $0x80, s15, s18, $0xb8;
	[tilespmem:$0x1E800] =	vst v63  }
0x77: {  	_ =	swait.ge [sflag:s30], $0x2000  }
0x78: {  	[sflag:s30] =	ssyncset.done $0x0  }
.Ltmp0:
0x79: {  	s15 =	sadd.s32 $0x1580, s14;
	[sflag:s30] =	ssyncadd.s32 $0xFFFFE000;
	(pc) =	sbr.rel @p0 .LBB2_3-.Ltmp0, $4  }
0x7a: {  	[spmem:s3] =	stream.indirect.scatter.add.f32 [tilespmem:s25], [sflag:$0x5], $0x80, s15, s18, $0xb8;
	[tilespmem:$0x1E800] =	vst v63  }
0x7b: {  	_ =	swait.ge [sflag:s12], $0x2000  }
0x7c: {  	[sflag:s12] =	ssyncset.done $0x0  }
0x7d: {  	s14 =	sadd.s32 $0x380, s14;
	[sflag:s12] =	ssyncadd.s32 $0xFFFFE000  }
0x7e: {  	[tilespmem:s25], [sflag:$0x4] =	stream.indirect.gather [hbm4b:s1+s18], $0x80, s14, s18, $0xb8;
	[tilespmem:$0x1E800] =	vst v63  }
0x7f: {  	_ =	swait.ge [sflag:s26], $0x2000  }
0x80: {  	[sflag:s26] =	ssyncset.done $0x0  }
0x81: {  	[sflag:s26] =	ssyncadd.s32 $0xFFFFE000  }
0x82: {  	[spmem:s3] =	stream.indirect.scatter.add.f32 [tilespmem:s19], [sflag:$0x5], $0x80, s31, s18, $0xb8;
	[tilespmem:$0x1E800] =	vst v63  }
0x83: {  	_ =	swait.ge [sflag:s12], $0x2000  }
0x84: {  	[sflag:s12] =	ssyncset.done $0x0  }
0x85: {  	[sflag:s12] =	ssyncadd.s32 $0xFFFFE000  }
0x86: {  	_ =	swait.ge [sflag:s28], $0x2000  }
0x87: {  	[sflag:s28] =	ssyncset.done $0x0  }
0x88: {  	[sflag:s28] =	ssyncadd.s32 $0xFFFFE000  }
0x89: {  	[spmem:s3] =	stream.indirect.scatter.add.f32 [tilespmem:s21], [sflag:$0x5], $0x80, s0, s18, $0xb8;
	[tilespmem:$0x1E800] =	vst v63  }
0x8a: {  	_ =	swait.ge [sflag:s12], $0x2000  }
0x8b: {  	[sflag:s12] =	ssyncset.done $0x0  }
0x8c: {  	[sflag:s12] =	ssyncadd.s32 $0xFFFFE000  }
0x8d: {  	_ =	swait.ge [sflag:s29], $0x2000  }
0x8e: {  	[sflag:s29] =	ssyncset.done $0x0  }
0x8f: {  	[sflag:s29] =	ssyncadd.s32 $0xFFFFE000  }
0x90: {  	[spmem:s3] =	stream.indirect.scatter.add.f32 [tilespmem:s23], [sflag:$0x5], $0x80, s2, s18, $0xb8;
	[tilespmem:$0x1E800] =	vst v63  }
0x91: {  	_ =	swait.ge [sflag:s12], $0x2000  }
0x92: {  	[sflag:s12] =	ssyncset.done $0x0  }
0x93: {  	[sflag:s12] =	ssyncadd.s32 $0xFFFFE000  }
0x94: {  	s10 =	sadd.s32 $0x1, s10;
	_ =	swait.ge [sflag:s30], $0x2000  }
0x95: {  	p0 =	sne.s32 s10, $0x4;
	[sflag:s30] =	ssyncset.done $0x0  }
.Ltmp1:
0x96: {  	[sflag:s30] =	ssyncadd.s32 $0xFFFFE000;
	(pc) =	sbr.rel @p0 .LBB2_2-.Ltmp1, $4  }
0x97: {  	[spmem:s3] =	stream.indirect.scatter.add.f32 [tilespmem:s25], [sflag:$0x5], $0x80, s9, s18, $0xb8;
	[tilespmem:$0x1E800] =	vst v63  }
0x98: {  	_ =	swait.ge [sflag:s12], $0x2000  }
0x99: {  	[sflag:s12] =	ssyncset.done $0x0  }
0x9a: {  	[sflag:s12] =	ssyncadd.s32 $0xFFFFE000  }
0x9b: {  	[bflag:$0x0] =	sbarrier.arrive $0xFFFF  }
0x9c: {  	s10 =	rddreg [dreg:$0x4]  }
0x9d: {  	[hbm:s10], [sflag:s6] =	dma.local [spmem:s11], $0x2800  }
0x9e: {  	_ =	swait.ge [sflag:s12], $0x2800  }
0x9f: {  	s4 =	sadd.s32 $0x1, s4;
	s15 =	rddreg [dreg:$0x5]  }
0xa0: {  	p0 =	sne.s32 s4, s15  }
.Ltmp2:
0xa1: {  	_ = 	snop;
	(pc) =	sbr.rel @p0 .LBB2_1-.Ltmp2, $3  }
0xa2: {  	_ =	sdelay $0x1  }
0xa3: {  	[sflag:s12] =	ssyncset.done $0x0  }
0xa4: {  	[sflag:s12] =	ssyncadd.s32 $0xFFFFD800  }
0xa5: {  	_ =	sfence.sel $0x180000  }
0xa6: {  	[bflag:$0x0] =	sbarrier.arrive $0xFFFF  }
0xa7: {  	_ =	strace $0x9000004A  }
0xa8: {  	s0 =	stileid.u32;
	[bflag:$0x2] =	sbarrier.arrive $0xFFFF  }
0xa9: {  	p0 =	sne.s32 s0, $0x0;
	s0 =	rddreg [dreg:$0x3]  }
0xaa: {  	s0 =	sadd.s32 @!p0 $0x100000, s0  }
0xab: {  	[sflag:s0] =	ssyncadd.tile.s32 @!p0 $0x1;
	_ =	shalt  }
.Lfunc_end2:
_tile_overlayer_lowered:
.L_overlay_start_2:
0xac: {  	(tag) =	ssettag $0x2  }
0xad: {  	s0 =	rddreg [dreg:$0x0];
	s2 =	stileid.u32  }
0xae: {  	s1 =	rddreg [dreg:$0x1];
	p0 =	sne.s32 s2, $0x0  }
0xaf: {  	s3 =	rddreg [dreg:$0x2];
	[bflag:$0x3] =	sbarrier.arrive $0xFFFF;
	s2 =	simm.s32 @!p0 $0x1C05  }
0xb0: {  	[timem:s3], [sflag:s2] =	dma.local @!p0 [hbm:s0], s1  }
0xb1: {  	s0 =	simm.s32 @!p0 $0x5  }
0xb2: {  	_ =	swait.ge @!p0 [sflag:s0], s1  }
0xb3: {  	s1 =	ssub.s32 @!p0 $0x0, s1;
	[sflag:s0] =	ssyncset.done @!p0 $0x0  }
0xb4: {  	[sflag:s0] =	ssyncadd.s32 @!p0 s1  }
0xb5: {  	[bflag:$0x3] =	sbarrier.arrive $0xFFFF  }
0xb6: {  	_ =	shalt  }

// kernel: kernel.14.cloned.1.call-start
scs
__scs_entry_jumppad:
0x0: {  	(pc) =	sbr.rel $0x88, $3  }
0x1: {  	(tag) =	ssettag $0x0;
	lr =	simm.s32 $0x1  }
0x2: {  	[smem:$0x3F9B] =	sst lr;
	_ =	strace $0xD0000000  }
0x3: {  	_ = 	snop  }
0x4: {  	_ = 	snop  }
0x5: {  	_ = 	snop  }
0x6: {  	_ = 	snop  }
0x7: {  	_ = 	snop  }
__scs_overlays_trampoline_lowered:
0x8: {  	[smem:$0x3FAA] =	sst s0  }
0x9: {  	[smem:$0x3FAB] =	sst s1  }
0xa: {  	[smem:$0x3FAC] =	sst s2  }
0xb: {  	[smem:$0x3FAD] =	sst s3  }
0xc: {  	[smem:$0x3FAE] =	sst s4  }
0xd: {  	[smem:$0x3FAF] =	sst s5  }
0xe: {  	[smem:$0x3FB0] =	sst s6  }
0xf: {  	[smem:$0x3FB1] =	sst s7  }
0x10: {  	[smem:$0x3FB2] =	sst s8  }
0x11: {  	[smem:$0x3FB3] =	sst s9;
	s0 =	simm.s32 @!p0 $0x0  }
0x12: {  	s1 =	sld [smem:$0x3F99];
	s0 =	simm.s32 @p0 $0x1  }
0x13: {  	[smem:$0x3FB4] =	sst s0;
	s0 =	simm.s32 @!p1 $0x0  }
0x14: {  	s2 =	sld [smem:$0x3F98];
	s0 =	simm.s32 @p1 $0x1  }
0x15: {  	[smem:$0x3FB5] =	sst s0;
	s0 =	simm.s32 @!p2 $0x0  }
0x16: {  	s3 =	sld [smem:$0x3FDB];
	s0 =	simm.s32 @p2 $0x1  }
0x17: {  	s4 =	simm.s32 $0x1BF5;
	[smem:$0x3FB7] =	sst s0  }
0x18: {  	s0 =	sld [smem:$0x3F9A];
	_ =	swait.ge [sflag:s4], $0x0  }
0x19: {  	s7 =	sld [smem:$0x3F9B]  }
0x1a: {  	s8 =	sadd.s32 $0xFFFFE003, lr  }
0x1b: {  	s9 =	sadd.s32 $0xFFFFFEF7, lr;
	s5 =	simm.s32 $0xFFFFFFFF;
	p2 =	slt.u32 s8, $0xFFFFF086  }
0x1c: {  	p1 =	slt.u32 s9, $0xF7A;
	s5 =	simm.s32 @!p2 $0x0  }
0x1d: {  	s5 =	simm.s32 @p1 $0x1;
	p0 =	seq.s32 s7, s2  }
0x1e: {  	s7 =	smul.u32 @!p0 $0xF7A, s2;
	p2 =	seq.s32 @!p0 s5, $0x0  }
0x1f: {  	s9 =	smul.u32 $0xF7A, s1;
	s8 =	simm.s32 @!p0 $0x1BF5;
	p2 =	por !p2, p0  }
0x20: {  	[sflag:s8] =	ssyncset.s32 @!p0 $0xFFFFF086;
	s6 =	sadd.s32 @!p0 s3, s7;
	s7 =	simm.s32 @!p0 $0x108  }
0x21: {  	s3 =	sadd.s32 s3, s9;
	s6 =	sadd.s32 @!p0 $0x88, s6;
	s7 =	simm.s32 @p2 $0x1082  }
0x22: {  	[simem:s7], [sflag:s8] =	dma.local @!p0 [hbm:s6], $0xF7A  }
0x23: {  	s9 =	sor.u32 $0xD0000000, s2;
	s6 =	simm.s32 $0x108;
	_ =	swait.ge @!p0 [sflag:s8], $0x0  }
0x24: {  	s3 =	sadd.s32 $0x88, s3;
	s6 =	simm.s32 @!p1 $0x1082;
	[sflag:s4] =	ssyncset.s32 $0xFFFFF086  }
0x25: {  	[simem:s6], [sflag:s4] =	dma.local [hbm:s3], $0xF7A  }
0x26: {  	[smem:$0x3F9B] =	sst s1;
	(tag) =	ssettag s2;
	_ =	strace s9  }
0x27: {  	s1 =	sld [smem:$0x3FAB]  }
0x28: {  	s2 =	sld [smem:$0x3FAC]  }
0x29: {  	s4 =	sld [smem:$0x3FAE]  }
0x2a: {  	p0 =	seq.s32 s5, $0x0;
	s5 =	sld [smem:$0x3FAF]  }
0x2b: {  	s6 =	sld [smem:$0x3FB0]  }
0x2c: {  	s7 =	sld [smem:$0x3FB1]  }
0x2d: {  	s3 =	simm.s32 $0x108;
	s8 =	sld [smem:$0x3FB2]  }
0x2e: {  	s3 =	simm.s32 @!p0 $0x1082;
	s9 =	sld [smem:$0x3FB3]  }
0x2f: {  	lr =	sadd.s32 s0, s3;
	s0 =	sld [smem:$0x3FAA]  }
0x30: {  	s3 =	sld [smem:$0x3FAD]  }
0x31: {  	[smem:$0x3FB6] =	sst s10  }
0x32: {  	s10 =	sld [smem:$0x3FB4];
	_ =	sdelay $0x3  }
0x33: {  	p0 =	seq.s32 s10, $0x1;
	s10 =	sld [smem:$0x3FB6];
	_ =	sdelay $0x3  }
0x34: {  	[smem:$0x3FB6] =	sst s10  }
0x35: {  	s10 =	sld [smem:$0x3FB5];
	_ =	sdelay $0x3  }
0x36: {  	p1 =	seq.s32 s10, $0x1;
	s10 =	sld [smem:$0x3FB6];
	_ =	sdelay $0x3  }
0x37: {  	[smem:$0x3FB6] =	sst s10  }
0x38: {  	s10 =	sld [smem:$0x3FB7]  }
0x39: {  	_ = 	snop;
	(pc) =	sbr.ind lr, $3  }
0x3a: {  	_ = 	snop  }
0x3b: {  	_ = 	snop  }
0x3c: {  	p2 =	seq.s32 s10, $0x1;
	s10 =	sld [smem:$0x3FB6]  }
0x3d: {  	_ =	shalt  }
0x3e: {  	_ =	shalt  }
0x3f: {  	_ =	shalt  }
0x40: {  	_ =	shalt  }
0x41: {  	_ =	shalt  }
0x42: {  	_ =	shalt  }
0x43: {  	_ =	shalt  }
0x44: {  	_ =	shalt  }
0x45: {  	_ =	shalt  }
0x46: {  	_ =	shalt  }
0x47: {  	_ =	shalt  }
0x48: {  	_ =	shalt  }
0x49: {  	_ =	shalt  }
0x4a: {  	_ =	shalt  }
0x4b: {  	_ =	shalt  }
0x4c: {  	_ =	shalt  }
0x4d: {  	_ =	shalt  }
0x4e: {  	_ =	shalt  }
0x4f: {  	_ =	shalt  }
0x50: {  	_ =	shalt  }
0x51: {  	_ =	shalt  }
0x52: {  	_ =	shalt  }
0x53: {  	_ =	shalt  }
0x54: {  	_ =	shalt  }
0x55: {  	_ =	shalt  }
0x56: {  	_ =	shalt  }
0x57: {  	_ =	shalt  }
0x58: {  	_ =	shalt  }
0x59: {  	_ =	shalt  }
0x5a: {  	_ =	shalt  }
0x5b: {  	_ =	shalt  }
0x5c: {  	_ =	shalt  }
0x5d: {  	_ =	shalt  }
0x5e: {  	_ =	shalt  }
0x5f: {  	_ =	shalt  }
0x60: {  	_ =	shalt  }
0x61: {  	_ =	shalt  }
0x62: {  	_ =	shalt  }
0x63: {  	_ =	shalt  }
0x64: {  	_ =	shalt  }
0x65: {  	_ =	shalt  }
0x66: {  	_ =	shalt  }
0x67: {  	_ =	shalt  }
0x68: {  	_ =	shalt  }
0x69: {  	_ =	shalt  }
0x6a: {  	_ =	shalt  }
0x6b: {  	_ =	shalt  }
0x6c: {  	_ =	shalt  }
0x6d: {  	_ =	shalt  }
0x6e: {  	_ =	shalt  }
0x6f: {  	_ =	shalt  }
0x70: {  	_ =	shalt  }
0x71: {  	_ =	shalt  }
0x72: {  	_ =	shalt  }
0x73: {  	_ =	shalt  }
0x74: {  	_ =	shalt  }
0x75: {  	_ =	shalt  }
0x76: {  	_ =	shalt  }
0x77: {  	_ =	shalt  }
0x78: {  	_ =	shalt  }
0x79: {  	_ =	shalt  }
0x7a: {  	_ =	shalt  }
0x7b: {  	_ =	shalt  }
0x7c: {  	_ =	shalt  }
0x7d: {  	_ =	shalt  }
0x7e: {  	_ =	shalt  }
0x7f: {  	_ =	shalt  }
0x80: {  	_ =	shalt  }
0x81: {  	_ =	shalt  }
0x82: {  	_ =	shalt  }
0x83: {  	_ =	shalt  }
0x84: {  	_ =	shalt  }
0x85: {  	_ =	shalt  }
0x86: {  	_ =	shalt  }
0x87: {  	_ =	shalt  }
.Lfunc_end0:
.L_simem_size_0:
called_computation.2_lowered:
.L_overlay_start_0:
0x88: {  	s2 =	sld [smem:$0x3FD9]  }
0x89: {  	s3 =	sld [smem:$0x3FFE];
	_ =	sdelay $0x1  }
0x8a: {  	s1 =	srdreg.scid  }
0x8b: {  	s0 =	sand.u32 $0x1, s1  }
0x8c: {  	s17 =	sshll.u32 s0, $0xA;
	s2 =	sadd.s32 s3, s2  }
0x8d: {  	s2 =	sadd.s32 s2, s17  }
0x8e: {  	[smem:$0x3FC2] =	sst s2  }
0x8f: {  	_ = 	snop  }
0x90: {  	s2 =	sld [smem:$0x3FD0];
	(tm) =	ssettm $0x1  }
0x91: {  	s18 =	sld [smem:$0x3FFB];
	_ =	sdelay $0x3  }
0x92: {  	_ =	strace s18  }
0x93: {  	s3 =	sld [smem:$0x3FFC];
	_ =	sdelay $0x3  }
0x94: {  	_ =	strace s3  }
0x95: {  	s3 =	sld [smem:$0x3FFD];
	_ =	sdelay $0x3  }
0x96: {  	_ =	strace s3  }
0x97: {  	_ =	strace $0x8FFFFFFF  }
0x98: {  	s19 =	sld [smem:$0x3FDB];
	_ =	sdelay $0x1  }
0x99: {  	s4 =	simm.s32 $_scs_section_size  }
0x9a: {  	s5 =	simm.s32 $_size__tile_overlayer_lowered;
	s6 =	simm.s32 $_tile_overlayer_lowered  }
0x9b: {  	s22 =	simm.s32 $0x1BFF;
	s21 =	sshll.u32 s6, $0x1;
	s3 =	sadd.s32 s4, s19  }
0x9c: {  	s7 =	simm.s32 $0x0;
	s20 =	sshll.u32 s5, $0x1;
	s5 =	sadd.s32 s21, s3  }
0x9d: {  	[timem:s7], [sflag:s22] =	dma.local [hbm:s5], s20  }
0x9e: {  	_ =	swait.ge [sflag:s22], s20  }
0x9f: {  	s4 =	ssub.s32 $0x0, s20;
	[sflag:s22] =	ssyncset.done $0x0  }
0xa0: {  	[sflag:s22] =	ssyncadd.s32 s4;
	_ =	sdelay $0x1  }
0xa1: {  	s23 =	simm.s32 $0x1B8B  }
0xa2: {  	_ =	swait.ge [sflag:s23], $0x1  }
0xa3: {  	[sflag:s23] =	ssyncset.done $0x0  }
0xa4: {  	s25 =	simm.s32 $0x1B8E;
	s24 =	sld [smem:$0x3FFE];
	[sflag:s23] =	ssyncadd.s32 $0xFFFFFFFF  }
0xa5: {  	s26 =	simm.s32 $execute0_lowered;
	[smem:$0x3FD2] =	sst s25  }
0xa6: {  	s5 =	sshll.u32 s26, $0x1;
	_ =	strace $0x8000004C;
	[dreg:$0x1] =	wrdreg $0xFFFFFFFF  }
0xa7: {  	s28 =	simm.s32 $_size_execute0_lowered;
	s3 =	sadd.s32 s3, s5;
	[dreg:$0x0] =	wrdreg $0x0  }
0xa8: {  	s5 =	sshll.u32 s28, $0x1;
	[dreg:$0x2] =	wrdreg s3  }
0xa9: {  	[dreg:$0x3] =	wrdreg s5  }
0xaa: {  	[dreg:$0x4] =	wrdreg $0xC0  }
0xab: {  	_ =	task [dreg:s7], $0x5FFFF  }
0xac: {  	[dreg:$0x1] =	wrdreg $0xFFFFFFFF  }
0xad: {  	[dreg:$0x0] =	wrdreg $0x60  }
0xae: {  	[dreg:$0x2] =	wrdreg s24  }
0xaf: {  	[dreg:$0x3] =	wrdreg s2  }
0xb0: {  	[dreg:$0x4] =	wrdreg $0xA8000  }
0xb1: {  	[dreg:$0x5] =	wrdreg $0x9  }
0xb2: {  	_ =	task.clear_ibuf [dreg:s7], $0x6FFFF;
	_ =	strace $0x9000004C  }
0xb3: {  	s29 =	simm.s32 $0x9;
	_ =	strace $0x8000004E  }
0xb4: {  	_ =	swait.ge [sflag:s29], $0x1  }
0xb5: {  	[sflag:s29] =	ssyncadd.s32 $0xFFFFFFFF  }
0xb6: {  	_ =	strace $0x9000004E  }
0xb7: {  	_ =	sfence  }
0xb8: {  	s30 =	sld [smem:$0x0];
	_ =	sdelay $0x2  }
0xb9: {  	s31 =	sshll.u32 s1, $0xD;
	s1 =	sshrl.u32 s1, $0x2  }
0xba: {  	s3 =	sand.u32 $0x4000, s31;
	s1 =	sadd.s32 s1, s30  }
0xbb: {  	s0 =	sor.u32 s3, s0;
	s1 =	sshll.u32 s1, $0x11  }
0xbc: {  	s0 =	sor.u32 s1, s0  }
0xbd: {  	s0 =	sadd.s32 $0x8F2B, s0  }
0xbe: {  	[sflag:s0] =	ssyncadd.remote.s32 $0x1  }
0xbf: {  	_ =	sfence.sel $0xFFFF  }
0xc0: {  	[dreg:$0x0] =	wrdreg $0xFFFFFFFF;
	(pc) =	sbr.abs _section_cstart, $3  }
0xc1: {  	[dreg:$0x1] =	wrdreg $0xFFFFFFFF  }
0xc2: {  	_ =	task.clear_ibuf [dreg:s7], $0x2FFFF;
	_ =	strace $0x9FFFFFFF  }
0xc3: {  	(tm) =	ssettm $0x7FFFFFFF  }
tec
execute0_lowered:
.L_overlay_start_1:
0x0: {  	(tag) =	ssettag $0x1  }
0x1: {  	s0 =	rddreg [dreg:$0x0]  }
0x2: {  	s1 =	rddreg [dreg:$0x1]  }
0x3: {  	s3 =	rddreg [dreg:$0x2]  }
0x4: {  	s2 =	srdreg.scid;
	s10 =	stileid.u32;
	s4 =	simm.s32 $0x0  }
0x5: {  	s12 =	simm.s32 $0x5;
	s17 =	simm.s32 $0x1400;
	s28 =	simm.s32 $0x2  }
0x6: {  	s29 =	simm.s32 $0x3;
	s30 =	simm.s32 $0x4;
	s31 =	simm.s32 $0x2600  }
0x7: {  	s2 =	sand.u32 $0x1, s2;
	s7 =	smul.u32 $0x14000, s10;
	[smem:$0x7FF] =	sst s4  }
0x8: {  	s18 =	smul.u32 $0x50000, s10;
	s21 =	sshll.u32 s10, $0x6;
	s5 =	sshll.u32 s2, $0x4  }
0x9: {  	s6 =	smul.u32 $0x140000, s2;
	_ =	strace $0x8000004D;
	s2 =	ssub.s32 $0x2, s2  }
0xa: {  	s5 =	sor.u32 s10, s5;
	s19 =	sshrl.u32 s18, $0x2;
	s20 =	sshrl.u32 s2, $0x1  }
0xb: {  	s18 =	simm.s32 $0x40;
	s5 =	smul.u32 $0xA00, s5;
	s6 =	sadd.s32 s7, s6  }
0xc: {  	s9 =	sadd.s32 s19, s3;
	s2 =	ssub.s32 s2, s20;
	s19 =	simm.s32 $0x2800  }
0xd: {  	s20 =	simm.s32 $0x80;
	s6 =	sshrl.u32 s6, $0x3;
	s22 =	sadd.s32 $0x4000, s9  }
0xe: {  	s13 =	sadd.s32 $0x8000, s9;
	s14 =	sadd.s32 $0xC000, s9;
	s16 =	sadd.s32 $0x10000, s9  }
0xf: {  	s23 =	smax.u32 s2, $0x1;
	s11 =	sshrl.u32 s9, $0x3;
	s2 =	simm.s32 $0x2700  }
0x10: {  	s9 =	simm.s32 $0x2780;
	s8 =	sadd.s32 s5, s0;
	s5 =	sadd.s32 $0x2800, s0  }
0x11: {  	s0 =	sadd.s32 s6, s0;
	s6 =	sor.u32 $0x1C05, s21;
	[dreg:$0x5] =	wrdreg s23  }
0x12: {  	s24 =	sshrl.u32 s22, $0x3;
	s25 =	sshrl.u32 s13, $0x3;
	s26 =	sshrl.u32 s14, $0x3  }
0x13: {  	s16 =	sshrl.u32 s16, $0x3;
	s21 =	simm.s32 $0x4800;
	s22 =	simm.s32 $0x100  }
0x14: {  	s23 =	simm.s32 $0x6800;
	s7 =	sadd.s32 $0x17400, s8;
	[dreg:$0x6] =	wrdreg s24  }
0x15: {  	s8 =	sadd.s32 $0x3400, s8;
	s0 =	sadd.s32 $0x2B400, s0;
	[dreg:$0x7] =	wrdreg s25  }
0x16: {  	[dreg:$0x8] =	wrdreg s26;
	s24 =	simm.s32 $0x180;
	s25 =	simm.s32 $0x8800  }
0x17: {  	s26 =	simm.s32 $0x1;
	[dreg:$0x4] =	wrdreg s0;
	s0 =	simm.s32 $0x2680  }
.LBB2_1:
0x18: {  	[spmem:s11], [sflag:s6] =	dma.local [hbm:s5], $0x800  }
0x19: {  	_ =	swait.ge [sflag:s12], $0x800  }
0x1a: {  	[sflag:s12] =	ssyncset.done $0x0  }
0x1b: {  	s10 =	rddreg [dreg:$0x6];
	[sflag:s12] =	ssyncadd.s32 $0xFFFFF800  }
0x1c: {  	[spmem:s10], [sflag:s6] =	dma.local [hbm:s5], $0x800  }
0x1d: {  	_ =	swait.ge [sflag:s12], $0x800  }
0x1e: {  	[sflag:s12] =	ssyncset.done $0x0  }
0x1f: {  	s14 =	rddreg [dreg:$0x7];
	[sflag:s12] =	ssyncadd.s32 $0xFFFFF800  }
0x20: {  	[spmem:s14], [sflag:s6] =	dma.local [hbm:s5], $0x800  }
0x21: {  	_ =	swait.ge [sflag:s12], $0x800  }
0x22: {  	[sflag:s12] =	ssyncset.done $0x0  }
0x23: {  	s15 =	rddreg [dreg:$0x8];
	[sflag:s12] =	ssyncadd.s32 $0xFFFFF800  }
0x24: {  	[spmem:s15], [sflag:s6] =	dma.local [hbm:s5], $0x800  }
0x25: {  	_ =	swait.ge [sflag:s12], $0x800  }
0x26: {  	[sflag:s12] =	ssyncset.done $0x0  }
0x27: {  	[sflag:s12] =	ssyncadd.s32 $0xFFFFF800  }
0x28: {  	[spmem:s16], [sflag:s6] =	dma.local [hbm:s5], $0x800  }
0x29: {  	_ =	swait.ge [sflag:s12], $0x800  }
0x2a: {  	[sflag:s12] =	ssyncset.done $0x0  }
0x2b: {  	[sflag:s12] =	ssyncadd.s32 $0xFFFFF800  }
0x2c: {  	s10 =	simm.s32 $0x0;
	[bflag:$0x0] =	sbarrier.arrive $0xFFFF  }
.LBB2_2:
0x2d: {  	s13 =	smul.u32 $0x280, s10;
	_ =	sdelay $0x1  }
0x2e: {  	s15 =	simm.s32 $0x0;
	s14 =	sadd.s32 s13, s7  }
0x2f: {  	[tilespmem:s15], [sflag:$0x5] =	stream.linear.gather [hbm4b:s14+s15], $0x1400, $0x38;
	[tilespmem:$0x1E800] =	vst v63  }
0x30: {  	_ =	swait.ge [sflag:s12], $0x1400  }
0x31: {  	[sflag:s12] =	ssyncset.done $0x0  }
0x32: {  	s13 =	sadd.s32 s13, s8;
	[sflag:s12] =	ssyncadd.s32 $0xFFFFEC00  }
0x33: {  	[tilespmem:s17], [sflag:$0x5] =	stream.linear.gather [hbm4b:s13+s15], $0x1400, $0x38;
	[tilespmem:$0x1E800] =	vst v63  }
0x34: {  	_ =	swait.ge [sflag:s12], $0x1400  }
0x35: {  	[sflag:s12] =	ssyncset.done $0x0  }
0x36: {  	[sflag:s12] =	ssyncadd.s32 $0xFFFFEC00  }
0x37: {  	[tilespmem:s19], [sflag:$0x1] =	stream.indirect.gather [hbm4b:s1+s18], $0x80, s15, s18, $0xb8;
	[tilespmem:$0x1E800] =	vst v63  }
0x38: {  	_ = 	snop  }
0x39: {  	[tilespmem:s21], [sflag:$0x2] =	stream.indirect.gather [hbm4b:s1+s18], $0x80, s20, s18, $0xb8;
	[tilespmem:$0x1E800] =	vst v63  }
0x3a: {  	_ = 	snop  }
0x3b: {  	[tilespmem:s23], [sflag:$0x3] =	stream.indirect.gather [hbm4b:s1+s18], $0x80, s22, s18, $0xb8;
	[tilespmem:$0x1E800] =	vst v63  }
0x3c: {  	_ = 	snop  }
0x3d: {  	[tilespmem:s25], [sflag:$0x4] =	stream.indirect.gather [hbm4b:s1+s18], $0x80, s24, s18, $0xb8;
	[tilespmem:$0x1E800] =	vst v63  }
0x3e: {  	_ =	swait.ge [sflag:s26], $0x2000  }
0x3f: {  	[sflag:s26] =	ssyncset.done $0x0  }
0x40: {  	s15 =	simm.s32 $0x1400;
	[sflag:s26] =	ssyncadd.s32 $0xFFFFE000  }
0x41: {  	[spmem:s3] =	stream.indirect.scatter.add.f32 [tilespmem:s19], [sflag:$0x5], $0x80, s15, s18, $0xb8;
	[tilespmem:$0x1E800] =	vst v63  }
0x42: {  	_ =	swait.ge [sflag:s12], $0x2000  }
0x43: {  	[sflag:s12] =	ssyncset.done $0x0  }
0x44: {  	s14 =	simm.s32 $0x200;
	[sflag:s12] =	ssyncadd.s32 $0xFFFFE000  }
0x45: {  	[tilespmem:s19], [sflag:$0x1] =	stream.indirect.gather [hbm4b:s1+s18], $0x80, s14, s18, $0xb8;
	[tilespmem:$0x1E800] =	vst v63  }
0x46: {  	_ =	swait.ge [sflag:s28], $0x2000  }
0x47: {  	[sflag:s28] =	ssyncset.done $0x0  }
0x48: {  	s15 =	simm.s32 $0x1480;
	[sflag:s28] =	ssyncadd.s32 $0xFFFFE000  }
0x49: {  	[spmem:s3] =	stream.indirect.scatter.add.f32 [tilespmem:s21], [sflag:$0x5], $0x80, s15, s18, $0xb8;
	[tilespmem:$0x1E800] =	vst v63  }
0x4a: {  	_ =	swait.ge [sflag:s12], $0x2000  }
0x4b: {  	[sflag:s12] =	ssyncset.done $0x0  }
0x4c: {  	s14 =	simm.s32 $0x280;
	[sflag:s12] =	ssyncadd.s32 $0xFFFFE000  }
0x4d: {  	[tilespmem:s21], [sflag:$0x2] =	stream.indirect.gather [hbm4b:s1+s18], $0x80, s14, s18, $0xb8;
	[tilespmem:$0x1E800] =	vst v63  }
0x4e: {  	_ =	swait.ge [sflag:s29], $0x2000  }
0x4f: {  	[sflag:s29] =	ssyncset.done $0x0  }
0x50: {  	s15 =	simm.s32 $0x1500;
	[sflag:s29] =	ssyncadd.s32 $0xFFFFE000  }
0x51: {  	[spmem:s3] =	stream.indirect.scatter.add.f32 [tilespmem:s23], [sflag:$0x5], $0x80, s15, s18, $0xb8;
	[tilespmem:$0x1E800] =	vst v63  }
0x52: {  	_ =	swait.ge [sflag:s12], $0x2000  }
0x53: {  	[sflag:s12] =	ssyncset.done $0x0  }
0x54: {  	s14 =	simm.s32 $0x300;
	[sflag:s12] =	ssyncadd.s32 $0xFFFFE000  }
0x55: {  	[tilespmem:s23], [sflag:$0x3] =	stream.indirect.gather [hbm4b:s1+s18], $0x80, s14, s18, $0xb8;
	[tilespmem:$0x1E800] =	vst v63  }
0x56: {  	_ =	swait.ge [sflag:s30], $0x2000  }
0x57: {  	[sflag:s30] =	ssyncset.done $0x0  }
0x58: {  	s15 =	simm.s32 $0x1580;
	[sflag:s30] =	ssyncadd.s32 $0xFFFFE000  }
0x59: {  	[spmem:s3] =	stream.indirect.scatter.add.f32 [tilespmem:s25], [sflag:$0x5], $0x80, s15, s18, $0xb8;
	[tilespmem:$0x1E800] =	vst v63  }
0x5a: {  	_ =	swait.ge [sflag:s12], $0x2000  }
0x5b: {  	[sflag:s12] =	ssyncset.done $0x0  }
0x5c: {  	s13 =	simm.s32 $0x800;
	s14 =	simm.s32 $0x380;
	[sflag:s12] =	ssyncadd.s32 $0xFFFFE000  }
.LBB2_3:
0x5d: {  	[tilespmem:s25], [sflag:$0x4] =	stream.indirect.gather [hbm4b:s1+s18], $0x80, s14, s18, $0xb8;
	[tilespmem:$0x1E800] =	vst v63  }
0x5e: {  	s14 =	smov.u32 s13  }
0x5f: {  	p0 =	sne.s32 s13, $0x4000;
	s13 =	sadd.s32 $0x800, s13;
	_ =	swait.ge [sflag:s26], $0x2000  }
0x60: {  	s14 =	sshra.s32 s14, $0x2;
	[sflag:s26] =	ssyncset.done $0x0  }
0x61: {  	s15 =	sadd.s32 $0x1400, s14;
	[sflag:s26] =	ssyncadd.s32 $0xFFFFE000  }
0x62: {  	[spmem:s3] =	stream.indirect.scatter.add.f32 [tilespmem:s19], [sflag:$0x5], $0x80, s15, s18, $0xb8;
	[tilespmem:$0x1E800] =	vst v63  }
0x63: {  	_ =	swait.ge [sflag:s12], $0x2000  }
0x64: {  	[sflag:s12] =	ssyncset.done $0x0  }
0x65: {  	s15 =	sadd.s32 $0x200, s14;
	[sflag:s12] =	ssyncadd.s32 $0xFFFFE000  }
0x66: {  	[tilespmem:s19], [sflag:$0x1] =	stream.indirect.gather [hbm4b:s1+s18], $0x80, s15, s18, $0xb8;
	[tilespmem:$0x1E800] =	vst v63  }
0x67: {  	_ =	swait.ge [sflag:s28], $0x2000  }
0x68: {  	[sflag:s28] =	ssyncset.done $0x0  }
0x69: {  	s15 =	sadd.s32 $0x1480, s14;
	[sflag:s28] =	ssyncadd.s32 $0xFFFFE000  }
0x6a: {  	[spmem:s3] =	stream.indirect.scatter.add.f32 [tilespmem:s21], [sflag:$0x5], $0x80, s15, s18, $0xb8;
	[tilespmem:$0x1E800] =	vst v63  }
0x6b: {  	_ =	swait.ge [sflag:s12], $0x2000  }
0x6c: {  	[sflag:s12] =	ssyncset.done $0x0  }
0x6d: {  	s15 =	sadd.s32 $0x280, s14;
	[sflag:s12] =	ssyncadd.s32 $0xFFFFE000  }
0x6e: {  	[tilespmem:s21], [sflag:$0x2] =	stream.indirect.gather [hbm4b:s1+s18], $0x80, s15, s18, $0xb8;
	[tilespmem:$0x1E800] =	vst v63  }
0x6f: {  	_ =	swait.ge [sflag:s29], $0x2000  }
0x70: {  	[sflag:s29] =	ssyncset.done $0x0  }
0x71: {  	s15 =	sadd.s32 $0x1500, s14;
	[sflag:s29] =	ssyncadd.s32 $0xFFFFE000  }
0x72: {  	[spmem:s3] =	stream.indirect.scatter.add.f32 [tilespmem:s23], [sflag:$0x5], $0x80, s15, s18, $0xb8;
	[tilespmem:$0x1E800] =	vst v63  }
0x73: {  	_ =	swait.ge [sflag:s12], $0x2000  }
0x74: {  	[sflag:s12] =	ssyncset.done $0x0  }
0x75: {  	s15 =	sadd.s32 $0x300, s14;
	[sflag:s12] =	ssyncadd.s32 $0xFFFFE000  }
0x76: {  	[tilespmem:s23], [sflag:$0x3] =	stream.indirect.gather [hbm4b:s1+s18], $0x80, s15, s18, $0xb8;
	[tilespmem:$0x1E800] =	vst v63  }
0x77: {  	_ =	swait.ge [sflag:s30], $0x2000  }
0x78: {  	[sflag:s30] =	ssyncset.done $0x0  }
.Ltmp0:
0x79: {  	s15 =	sadd.s32 $0x1580, s14;
	[sflag:s30] =	ssyncadd.s32 $0xFFFFE000;
	(pc) =	sbr.rel @p0 .LBB2_3-.Ltmp0, $4  }
0x7a: {  	[spmem:s3] =	stream.indirect.scatter.add.f32 [tilespmem:s25], [sflag:$0x5], $0x80, s15, s18, $0xb8;
	[tilespmem:$0x1E800] =	vst v63  }
0x7b: {  	_ =	swait.ge [sflag:s12], $0x2000  }
0x7c: {  	[sflag:s12] =	ssyncset.done $0x0  }
0x7d: {  	s14 =	sadd.s32 $0x380, s14;
	[sflag:s12] =	ssyncadd.s32 $0xFFFFE000  }
0x7e: {  	[tilespmem:s25], [sflag:$0x4] =	stream.indirect.gather [hbm4b:s1+s18], $0x80, s14, s18, $0xb8;
	[tilespmem:$0x1E800] =	vst v63  }
0x7f: {  	_ =	swait.ge [sflag:s26], $0x2000  }
0x80: {  	[sflag:s26] =	ssyncset.done $0x0  }
0x81: {  	[sflag:s26] =	ssyncadd.s32 $0xFFFFE000  }
0x82: {  	[spmem:s3] =	stream.indirect.scatter.add.f32 [tilespmem:s19], [sflag:$0x5], $0x80, s31, s18, $0xb8;
	[tilespmem:$0x1E800] =	vst v63  }
0x83: {  	_ =	swait.ge [sflag:s12], $0x2000  }
0x84: {  	[sflag:s12] =	ssyncset.done $0x0  }
0x85: {  	[sflag:s12] =	ssyncadd.s32 $0xFFFFE000  }
0x86: {  	_ =	swait.ge [sflag:s28], $0x2000  }
0x87: {  	[sflag:s28] =	ssyncset.done $0x0  }
0x88: {  	[sflag:s28] =	ssyncadd.s32 $0xFFFFE000  }
0x89: {  	[spmem:s3] =	stream.indirect.scatter.add.f32 [tilespmem:s21], [sflag:$0x5], $0x80, s0, s18, $0xb8;
	[tilespmem:$0x1E800] =	vst v63  }
0x8a: {  	_ =	swait.ge [sflag:s12], $0x2000  }
0x8b: {  	[sflag:s12] =	ssyncset.done $0x0  }
0x8c: {  	[sflag:s12] =	ssyncadd.s32 $0xFFFFE000  }
0x8d: {  	_ =	swait.ge [sflag:s29], $0x2000  }
0x8e: {  	[sflag:s29] =	ssyncset.done $0x0  }
0x8f: {  	[sflag:s29] =	ssyncadd.s32 $0xFFFFE000  }
0x90: {  	[spmem:s3] =	stream.indirect.scatter.add.f32 [tilespmem:s23], [sflag:$0x5], $0x80, s2, s18, $0xb8;
	[tilespmem:$0x1E800] =	vst v63  }
0x91: {  	_ =	swait.ge [sflag:s12], $0x2000  }
0x92: {  	[sflag:s12] =	ssyncset.done $0x0  }
0x93: {  	[sflag:s12] =	ssyncadd.s32 $0xFFFFE000  }
0x94: {  	s10 =	sadd.s32 $0x1, s10;
	_ =	swait.ge [sflag:s30], $0x2000  }
0x95: {  	p0 =	sne.s32 s10, $0x4;
	[sflag:s30] =	ssyncset.done $0x0  }
.Ltmp1:
0x96: {  	[sflag:s30] =	ssyncadd.s32 $0xFFFFE000;
	(pc) =	sbr.rel @p0 .LBB2_2-.Ltmp1, $4  }
0x97: {  	[spmem:s3] =	stream.indirect.scatter.add.f32 [tilespmem:s25], [sflag:$0x5], $0x80, s9, s18, $0xb8;
	[tilespmem:$0x1E800] =	vst v63  }
0x98: {  	_ =	swait.ge [sflag:s12], $0x2000  }
0x99: {  	[sflag:s12] =	ssyncset.done $0x0  }
0x9a: {  	[sflag:s12] =	ssyncadd.s32 $0xFFFFE000  }
0x9b: {  	[bflag:$0x0] =	sbarrier.arrive $0xFFFF  }
0x9c: {  	s10 =	rddreg [dreg:$0x4]  }
0x9d: {  	[hbm:s10], [sflag:s6] =	dma.local [spmem:s11], $0x2800  }
0x9e: {  	_ =	swait.ge [sflag:s12], $0x2800  }
0x9f: {  	s4 =	sadd.s32 $0x1, s4;
	s15 =	rddreg [dreg:$0x5]  }
0xa0: {  	p0 =	sne.s32 s4, s15  }
.Ltmp2:
0xa1: {  	_ = 	snop;
	(pc) =	sbr.rel @p0 .LBB2_1-.Ltmp2, $3  }
0xa2: {  	_ =	sdelay $0x1  }
0xa3: {  	[sflag:s12] =	ssyncset.done $0x0  }
0xa4: {  	[sflag:s12] =	ssyncadd.s32 $0xFFFFD800  }
0xa5: {  	_ =	sfence.sel $0x180000  }
0xa6: {  	[bflag:$0x0] =	sbarrier.arrive $0xFFFF  }
0xa7: {  	_ =	strace $0x9000004D  }
0xa8: {  	s0 =	stileid.u32;
	[bflag:$0x2] =	sbarrier.arrive $0xFFFF  }
0xa9: {  	p0 =	sne.s32 s0, $0x0;
	s0 =	rddreg [dreg:$0x3]  }
0xaa: {  	s0 =	sadd.s32 @!p0 $0x100000, s0  }
0xab: {  	[sflag:s0] =	ssyncadd.tile.s32 @!p0 $0x1;
	_ =	shalt  }
.Lfunc_end2:
_tile_overlayer_lowered:
.L_overlay_start_2:
0xac: {  	(tag) =	ssettag $0x2  }
0xad: {  	s0 =	rddreg [dreg:$0x0];
	s2 =	stileid.u32  }
0xae: {  	s1 =	rddreg [dreg:$0x1];
	p0 =	sne.s32 s2, $0x0  }
0xaf: {  	s3 =	rddreg [dreg:$0x2];
	[bflag:$0x3] =	sbarrier.arrive $0xFFFF;
	s2 =	simm.s32 @!p0 $0x1C05  }
0xb0: {  	[timem:s3], [sflag:s2] =	dma.local @!p0 [hbm:s0], s1  }
0xb1: {  	s0 =	simm.s32 @!p0 $0x5  }
0xb2: {  	_ =	swait.ge @!p0 [sflag:s0], s1  }
0xb3: {  	s1 =	ssub.s32 @!p0 $0x0, s1;
	[sflag:s0] =	ssyncset.done @!p0 $0x0  }
0xb4: {  	[sflag:s0] =	ssyncadd.s32 @!p0 s1  }
0xb5: {  	[bflag:$0x3] =	sbarrier.arrive $0xFFFF  }
0xb6: {  	_ =	shalt  }

// kernel: kernel.8.cloned.1.call-start
scs
__scs_entry_jumppad:
0x0: {  	(pc) =	sbr.rel $0x88, $3  }
0x1: {  	(tag) =	ssettag $0x0;
	lr =	simm.s32 $0x1  }
0x2: {  	[smem:$0x3F9B] =	sst lr;
	_ =	strace $0xD0000000  }
0x3: {  	_ = 	snop  }
0x4: {  	_ = 	snop  }
0x5: {  	_ = 	snop  }
0x6: {  	_ = 	snop  }
0x7: {  	_ = 	snop  }
__scs_overlays_trampoline_lowered:
0x8: {  	[smem:$0x3FAA] =	sst s0  }
0x9: {  	[smem:$0x3FAB] =	sst s1  }
0xa: {  	[smem:$0x3FAC] =	sst s2  }
0xb: {  	[smem:$0x3FAD] =	sst s3  }
0xc: {  	[smem:$0x3FAE] =	sst s4  }
0xd: {  	[smem:$0x3FAF] =	sst s5  }
0xe: {  	[smem:$0x3FB0] =	sst s6  }
0xf: {  	[smem:$0x3FB1] =	sst s7  }
0x10: {  	[smem:$0x3FB2] =	sst s8  }
0x11: {  	[smem:$0x3FB3] =	sst s9;
	s0 =	simm.s32 @!p0 $0x0  }
0x12: {  	s1 =	sld [smem:$0x3F99];
	s0 =	simm.s32 @p0 $0x1  }
0x13: {  	[smem:$0x3FB4] =	sst s0;
	s0 =	simm.s32 @!p1 $0x0  }
0x14: {  	s2 =	sld [smem:$0x3F98];
	s0 =	simm.s32 @p1 $0x1  }
0x15: {  	[smem:$0x3FB5] =	sst s0;
	s0 =	simm.s32 @!p2 $0x0  }
0x16: {  	s3 =	sld [smem:$0x3FDB];
	s0 =	simm.s32 @p2 $0x1  }
0x17: {  	s4 =	simm.s32 $0x1BF5;
	[smem:$0x3FB7] =	sst s0  }
0x18: {  	s0 =	sld [smem:$0x3F9A];
	_ =	swait.ge [sflag:s4], $0x0  }
0x19: {  	s7 =	sld [smem:$0x3F9B]  }
0x1a: {  	s8 =	sadd.s32 $0xFFFFE003, lr  }
0x1b: {  	s9 =	sadd.s32 $0xFFFFFEF7, lr;
	s5 =	simm.s32 $0xFFFFFFFF;
	p2 =	slt.u32 s8, $0xFFFFF086  }
0x1c: {  	p1 =	slt.u32 s9, $0xF7A;
	s5 =	simm.s32 @!p2 $0x0  }
0x1d: {  	s5 =	simm.s32 @p1 $0x1;
	p0 =	seq.s32 s7, s2  }
0x1e: {  	s7 =	smul.u32 @!p0 $0xF7A, s2;
	p2 =	seq.s32 @!p0 s5, $0x0  }
0x1f: {  	s9 =	smul.u32 $0xF7A, s1;
	s8 =	simm.s32 @!p0 $0x1BF5;
	p2 =	por !p2, p0  }
0x20: {  	[sflag:s8] =	ssyncset.s32 @!p0 $0xFFFFF086;
	s6 =	sadd.s32 @!p0 s3, s7;
	s7 =	simm.s32 @!p0 $0x108  }
0x21: {  	s3 =	sadd.s32 s3, s9;
	s6 =	sadd.s32 @!p0 $0x88, s6;
	s7 =	simm.s32 @p2 $0x1082  }
0x22: {  	[simem:s7], [sflag:s8] =	dma.local @!p0 [hbm:s6], $0xF7A  }
0x23: {  	s9 =	sor.u32 $0xD0000000, s2;
	s6 =	simm.s32 $0x108;
	_ =	swait.ge @!p0 [sflag:s8], $0x0  }
0x24: {  	s3 =	sadd.s32 $0x88, s3;
	s6 =	simm.s32 @!p1 $0x1082;
	[sflag:s4] =	ssyncset.s32 $0xFFFFF086  }
0x25: {  	[simem:s6], [sflag:s4] =	dma.local [hbm:s3], $0xF7A  }
0x26: {  	[smem:$0x3F9B] =	sst s1;
	(tag) =	ssettag s2;
	_ =	strace s9  }
0x27: {  	s1 =	sld [smem:$0x3FAB]  }
0x28: {  	s2 =	sld [smem:$0x3FAC]  }
0x29: {  	s4 =	sld [smem:$0x3FAE]  }
0x2a: {  	p0 =	seq.s32 s5, $0x0;
	s5 =	sld [smem:$0x3FAF]  }
0x2b: {  	s6 =	sld [smem:$0x3FB0]  }
0x2c: {  	s7 =	sld [smem:$0x3FB1]  }
0x2d: {  	s3 =	simm.s32 $0x108;
	s8 =	sld [smem:$0x3FB2]  }
0x2e: {  	s3 =	simm.s32 @!p0 $0x1082;
	s9 =	sld [smem:$0x3FB3]  }
0x2f: {  	lr =	sadd.s32 s0, s3;
	s0 =	sld [smem:$0x3FAA]  }
0x30: {  	s3 =	sld [smem:$0x3FAD]  }
0x31: {  	[smem:$0x3FB6] =	sst s10  }
0x32: {  	s10 =	sld [smem:$0x3FB4];
	_ =	sdelay $0x3  }
0x33: {  	p0 =	seq.s32 s10, $0x1;
	s10 =	sld [smem:$0x3FB6];
	_ =	sdelay $0x3  }
0x34: {  	[smem:$0x3FB6] =	sst s10  }
0x35: {  	s10 =	sld [smem:$0x3FB5];
	_ =	sdelay $0x3  }
0x36: {  	p1 =	seq.s32 s10, $0x1;
	s10 =	sld [smem:$0x3FB6];
	_ =	sdelay $0x3  }
0x37: {  	[smem:$0x3FB6] =	sst s10  }
0x38: {  	s10 =	sld [smem:$0x3FB7]  }
0x39: {  	_ = 	snop;
	(pc) =	sbr.ind lr, $3  }
0x3a: {  	_ = 	snop  }
0x3b: {  	_ = 	snop  }
0x3c: {  	p2 =	seq.s32 s10, $0x1;
	s10 =	sld [smem:$0x3FB6]  }
0x3d: {  	_ =	shalt  }
0x3e: {  	_ =	shalt  }
0x3f: {  	_ =	shalt  }
0x40: {  	_ =	shalt  }
0x41: {  	_ =	shalt  }
0x42: {  	_ =	shalt  }
0x43: {  	_ =	shalt  }
0x44: {  	_ =	shalt  }
0x45: {  	_ =	shalt  }
0x46: {  	_ =	shalt  }
0x47: {  	_ =	shalt  }
0x48: {  	_ =	shalt  }
0x49: {  	_ =	shalt  }
0x4a: {  	_ =	shalt  }
0x4b: {  	_ =	shalt  }
0x4c: {  	_ =	shalt  }
0x4d: {  	_ =	shalt  }
0x4e: {  	_ =	shalt  }
0x4f: {  	_ =	shalt  }
0x50: {  	_ =	shalt  }
0x51: {  	_ =	shalt  }
0x52: {  	_ =	shalt  }
0x53: {  	_ =	shalt  }
0x54: {  	_ =	shalt  }
0x55: {  	_ =	shalt  }
0x56: {  	_ =	shalt  }
0x57: {  	_ =	shalt  }
0x58: {  	_ =	shalt  }
0x59: {  	_ =	shalt  }
0x5a: {  	_ =	shalt  }
0x5b: {  	_ =	shalt  }
0x5c: {  	_ =	shalt  }
0x5d: {  	_ =	shalt  }
0x5e: {  	_ =	shalt  }
0x5f: {  	_ =	shalt  }
0x60: {  	_ =	shalt  }
0x61: {  	_ =	shalt  }
0x62: {  	_ =	shalt  }
0x63: {  	_ =	shalt  }
0x64: {  	_ =	shalt  }
0x65: {  	_ =	shalt  }
0x66: {  	_ =	shalt  }
0x67: {  	_ =	shalt  }
0x68: {  	_ =	shalt  }
0x69: {  	_ =	shalt  }
0x6a: {  	_ =	shalt  }
0x6b: {  	_ =	shalt  }
0x6c: {  	_ =	shalt  }
0x6d: {  	_ =	shalt  }
0x6e: {  	_ =	shalt  }
0x6f: {  	_ =	shalt  }
0x70: {  	_ =	shalt  }
0x71: {  	_ =	shalt  }
0x72: {  	_ =	shalt  }
0x73: {  	_ =	shalt  }
0x74: {  	_ =	shalt  }
0x75: {  	_ =	shalt  }
0x76: {  	_ =	shalt  }
0x77: {  	_ =	shalt  }
0x78: {  	_ =	shalt  }
0x79: {  	_ =	shalt  }
0x7a: {  	_ =	shalt  }
0x7b: {  	_ =	shalt  }
0x7c: {  	_ =	shalt  }
0x7d: {  	_ =	shalt  }
0x7e: {  	_ =	shalt  }
0x7f: {  	_ =	shalt  }
0x80: {  	_ =	shalt  }
0x81: {  	_ =	shalt  }
0x82: {  	_ =	shalt  }
0x83: {  	_ =	shalt  }
0x84: {  	_ =	shalt  }
0x85: {  	_ =	shalt  }
0x86: {  	_ =	shalt  }
0x87: {  	_ =	shalt  }
.Lfunc_end0:
.L_simem_size_0:
called_computation_lowered:
.L_overlay_start_0:
0x88: {  	s2 =	sld [smem:$0x3FD9]  }
0x89: {  	s3 =	sld [smem:$0x3FFE];
	_ =	sdelay $0x1  }
0x8a: {  	s1 =	srdreg.scid  }
0x8b: {  	s0 =	sand.u32 $0x1, s1  }
0x8c: {  	s17 =	sshll.u32 s0, $0xA;
	s2 =	sadd.s32 s3, s2  }
0x8d: {  	s2 =	sadd.s32 s2, s17  }
0x8e: {  	[smem:$0x3FC2] =	sst s2  }
0x8f: {  	_ = 	snop  }
0x90: {  	s2 =	sld [smem:$0x3FD0];
	(tm) =	ssettm $0x1  }
0x91: {  	s18 =	sld [smem:$0x3FFB];
	_ =	sdelay $0x3  }
0x92: {  	_ =	strace s18  }
0x93: {  	s3 =	sld [smem:$0x3FFC];
	_ =	sdelay $0x3  }
0x94: {  	_ =	strace s3  }
0x95: {  	s3 =	sld [smem:$0x3FFD];
	_ =	sdelay $0x3  }
0x96: {  	_ =	strace s3  }
0x97: {  	_ =	strace $0x8FFFFFFF  }
0x98: {  	s19 =	sld [smem:$0x3FDB];
	_ =	sdelay $0x1  }
0x99: {  	s4 =	simm.s32 $_scs_section_size  }
0x9a: {  	s5 =	simm.s32 $_size__tile_overlayer_lowered;
	s6 =	simm.s32 $_tile_overlayer_lowered  }
0x9b: {  	s22 =	simm.s32 $0x1BFF;
	s21 =	sshll.u32 s6, $0x1;
	s3 =	sadd.s32 s4, s19  }
0x9c: {  	s7 =	simm.s32 $0x0;
	s20 =	sshll.u32 s5, $0x1;
	s5 =	sadd.s32 s21, s3  }
0x9d: {  	[timem:s7], [sflag:s22] =	dma.local [hbm:s5], s20  }
0x9e: {  	_ =	swait.ge [sflag:s22], s20  }
0x9f: {  	s4 =	ssub.s32 $0x0, s20;
	[sflag:s22] =	ssyncset.done $0x0  }
0xa0: {  	[sflag:s22] =	ssyncadd.s32 s4;
	_ =	sdelay $0x1  }
0xa1: {  	s23 =	simm.s32 $0x1B8B  }
0xa2: {  	_ =	swait.ge [sflag:s23], $0x1  }
0xa3: {  	[sflag:s23] =	ssyncset.done $0x0  }
0xa4: {  	s25 =	simm.s32 $0x1B8E;
	s24 =	sld [smem:$0x3FFE];
	[sflag:s23] =	ssyncadd.s32 $0xFFFFFFFF  }
0xa5: {  	s26 =	simm.s32 $execute0_lowered;
	[smem:$0x3FD2] =	sst s25  }
0xa6: {  	s5 =	sshll.u32 s26, $0x1;
	_ =	strace $0x80000046;
	[dreg:$0x1] =	wrdreg $0xFFFFFFFF  }
0xa7: {  	s28 =	simm.s32 $_size_execute0_lowered;
	s3 =	sadd.s32 s3, s5;
	[dreg:$0x0] =	wrdreg $0x0  }
0xa8: {  	s5 =	sshll.u32 s28, $0x1;
	[dreg:$0x2] =	wrdreg s3  }
0xa9: {  	[dreg:$0x3] =	wrdreg s5  }
0xaa: {  	[dreg:$0x4] =	wrdreg $0xC0  }
0xab: {  	_ =	task [dreg:s7], $0x5FFFF  }
0xac: {  	[dreg:$0x1] =	wrdreg $0xFFFFFFFF  }
0xad: {  	[dreg:$0x0] =	wrdreg $0x60  }
0xae: {  	[dreg:$0x2] =	wrdreg s2  }
0xaf: {  	[dreg:$0x3] =	wrdreg s24  }
0xb0: {  	[dreg:$0x4] =	wrdreg $0x28800  }
0xb1: {  	[dreg:$0x5] =	wrdreg $0x9  }
0xb2: {  	_ =	task.clear_ibuf [dreg:s7], $0x6FFFF;
	_ =	strace $0x90000046  }
0xb3: {  	s29 =	simm.s32 $0x9;
	_ =	strace $0x80000048  }
0xb4: {  	_ =	swait.ge [sflag:s29], $0x1  }
0xb5: {  	[sflag:s29] =	ssyncadd.s32 $0xFFFFFFFF  }
0xb6: {  	_ =	strace $0x90000048  }
0xb7: {  	_ =	sfence  }
0xb8: {  	s30 =	sld [smem:$0x0];
	_ =	sdelay $0x2  }
0xb9: {  	s31 =	sshll.u32 s1, $0xD;
	s1 =	sshrl.u32 s1, $0x2  }
0xba: {  	s3 =	sand.u32 $0x4000, s31;
	s1 =	sadd.s32 s1, s30  }
0xbb: {  	s0 =	sor.u32 s3, s0;
	s1 =	sshll.u32 s1, $0x11  }
0xbc: {  	s0 =	sor.u32 s1, s0  }
0xbd: {  	s0 =	sadd.s32 $0x8F2B, s0  }
0xbe: {  	[sflag:s0] =	ssyncadd.remote.s32 $0x1  }
0xbf: {  	_ =	sfence.sel $0xFFFF  }
0xc0: {  	[dreg:$0x0] =	wrdreg $0xFFFFFFFF;
	(pc) =	sbr.abs _section_cstart, $3  }
0xc1: {  	[dreg:$0x1] =	wrdreg $0xFFFFFFFF  }
0xc2: {  	_ =	task.clear_ibuf [dreg:s7], $0x2FFFF;
	_ =	strace $0x9FFFFFFF  }
0xc3: {  	(tm) =	ssettm $0x7FFFFFFF  }
tec
execute0_lowered:
.L_overlay_start_1:
0x0: {  	(tag) =	ssettag $0x1  }
0x1: {  	s6 =	rddreg [dreg:$0x0]  }
0x2: {  	s5 =	rddreg [dreg:$0x1]  }
0x3: {  	s2 =	rddreg [dreg:$0x2]  }
0x4: {  	s0 =	rddreg [dreg:$0x3]  }
0x5: {  	s4 =	srdreg.scid;
	s1 =	stileid.u32;
	s3 =	simm.s32 $0x0  }
0x6: {  	s12 =	simm.s32 $0x2800;
	s13 =	simm.s32 $0x20;
	s14 =	simm.s32 $0x10  }
0x7: {  	s15 =	simm.s32 $0x0;
	s7 =	sand.u32 $0x1, s4;
	s28 =	smul.u32 $0x500, s1  }
0x8: {  	[smem:$0x7FF] =	sst s3;
	s4 =	sadd.s32 $0x2800, s5;
	s10 =	smul.u32 $0xA00, s1  }
0x9: {  	s31 =	sshll.u32 s1, $0x6;
	s8 =	sshll.u32 s7, $0x7;
	_ =	strace $0x80000047  }
0xa: {  	s9 =	sshll.u32 s7, $0x4;
	s7 =	ssub.s32 $0x2, s7;
	s8 =	sor.u32 s8, s28  }
0xb: {  	s9 =	sor.u32 s1, s9;
	s29 =	sshrl.u32 s7, $0x1;
	s30 =	sshrl.u32 s10, $0x2  }
0xc: {  	s8 =	sshrl.u32 s8, $0x3;
	s9 =	smul.u32 $0x500, s9;
	s11 =	ssub.s32 s7, s29  }
0xd: {  	s10 =	sadd.s32 s30, s2;
	s8 =	sadd.s32 s8, s5;
	s5 =	sor.u32 $0x1C01, s31  }
0xe: {  	s6 =	sadd.s32 s6, s9;
	s7 =	sadd.s32 $0x2A00, s8;
	s8 =	smax.u32 s11, $0x1  }
0xf: {  	v0 =	vimm.f32 $1.000000000e+00;
	s9 =	sshrl.u32 s10, $0x3;
	s10 =	simm.s32 $0x1;
	s11 =	simm.s32 $0x80  }
.LBB2_1:
0x10: {  	[tilespmem:$0x2800] =	vst v0  }
0x11: {  	[tilespmem:$0x2810] =	vst v0  }
0x12: {  	[tilespmem:$0x2820] =	vst v0  }
0x13: {  	[tilespmem:$0x2830] =	vst v0  }
0x14: {  	[tilespmem:$0x2840] =	vst v0  }
0x15: {  	[tilespmem:$0x2850] =	vst v0  }
0x16: {  	[tilespmem:$0x2860] =	vst v0  }
0x17: {  	[tilespmem:$0x2870] =	vst v0  }
0x18: {  	[spmem:s9], [sflag:s5] =	dma.local [hbm:s4], $0x50  }
0x19: {  	_ =	swait.ge [sflag:s10], $0x50  }
0x1a: {  	[sflag:s10] =	ssyncset.done $0x0  }
0x1b: {  	[sflag:s10] =	ssyncadd.s32 $0xFFFFFFB0  }
0x1c: {  	[tilespmem:s3], [sflag:$0x1] =	stream.linear.gather [hbm4b:s6+s3], $0x2800, $0x38;
	[tilespmem:$0x2B00] =	vst v63  }
0x1d: {  	_ =	swait.ge [sflag:s10], $0x2800  }
0x1e: {  	[sflag:s10] =	ssyncset.done $0x0  }
0x1f: {  	[sflag:s10] =	ssyncadd.s32 $0xFFFFD800  }
0x20: {  	s16 =	simm.s32 $0x0;
	[bflag:$0x0] =	sbarrier.arrive $0xFFFF  }
0x21: {  	[spmem:s2] =	stream.indirect.scatter.add.f32 [tilespmem:s12], [sflag:$0x1], $0x1, s16, s11, $0xb8;
	[tilespmem:$0x2B00] =	vst v63  }
0x22: {  	_ =	swait.ge [sflag:s10], $0x80  }
0x23: {  	s16 =	simm.s32 $0x200;
	[sflag:s10] =	ssyncset.done $0x0  }
.LBB2_2:
0x24: {  	s17 =	sshra.s32 s16, $0x2;
	[sflag:s10] =	ssyncadd.s32 $0xFFFFFF80;
	p0 =	sne.s32 s16, $0x9E00  }
0x25: {  	[spmem:s2] =	stream.indirect.scatter.add.f32 [tilespmem:s12], [sflag:$0x1], $0x1, s17, s11, $0xb8;
	[tilespmem:$0x2B00] =	vst v63  }
.Ltmp0:
0x26: {  	_ = 	snop;
	(pc) =	sbr.rel @p0 .LBB2_2-.Ltmp0, $4  }
0x27: {  	_ = 	snop  }
0x28: {  	s16 =	sadd.s32 $0x200, s16  }
0x29: {  	_ =	swait.ge [sflag:s10], $0x80  }
0x2a: {  	[sflag:s10] =	ssyncset.done $0x0  }
0x2b: {  	s15 =	sadd.s32 $0x1, s15  }
0x2c: {  	[sflag:s10] =	ssyncadd.s32 $0xFFFFFF80;
	p0 =	sne.s32 s15, s8  }
.Ltmp1:
0x2d: {  	[bflag:$0x0] =	sbarrier.arrive $0xFFFF;
	(pc) =	sbr.rel @p0 .LBB2_1-.Ltmp1, $4  }
0x2e: {  	[hbm:s7@s13], [sflag:s5] =	dma.strided [spmem:s9@s14], $0x50, s10, $0x10   }
0x2f: {  	_ =	swait.ge [sflag:s10], $0x50  }
0x30: {  	[sflag:s10] =	ssyncset.done $0x0  }
0x31: {  	[sflag:s10] =	ssyncadd.s32 $0xFFFFFFB0  }
0x32: {  	_ =	sfence.sel $0x180000  }
0x33: {  	[bflag:$0x0] =	sbarrier.arrive $0xFFFF  }
0x34: {  	p0 =	sne.s32 s1, $0x0;
	_ =	strace $0x90000047  }
0x35: {  	s0 =	sadd.s32 @!p0 $0x100000, s0;
	[bflag:$0x2] =	sbarrier.arrive $0xFFFF  }
0x36: {  	[sflag:s0] =	ssyncadd.tile.s32 @!p0 $0x1;
	_ =	shalt  }
.Lfunc_end2:
_tile_overlayer_lowered:
.L_overlay_start_2:
0x37: {  	(tag) =	ssettag $0x2  }
0x38: {  	s0 =	rddreg [dreg:$0x0];
	s2 =	stileid.u32  }
0x39: {  	s1 =	rddreg [dreg:$0x1];
	p0 =	sne.s32 s2, $0x0  }
0x3a: {  	s3 =	rddreg [dreg:$0x2];
	[bflag:$0x3] =	sbarrier.arrive $0xFFFF;
	s2 =	simm.s32 @!p0 $0x1C01  }
0x3b: {  	[timem:s3], [sflag:s2] =	dma.local @!p0 [hbm:s0], s1  }
0x3c: {  	s0 =	simm.s32 @!p0 $0x1  }
0x3d: {  	_ =	swait.ge @!p0 [sflag:s0], s1  }
0x3e: {  	s1 =	ssub.s32 @!p0 $0x0, s1;
	[sflag:s0] =	ssyncset.done @!p0 $0x0  }
0x3f: {  	[sflag:s0] =	ssyncadd.s32 @!p0 s1  }
0x40: {  	[bflag:$0x3] =	sbarrier.arrive $0xFFFF  }
0x41: {  	_ =	shalt  }

</sc_bundles>
